<compile_context>
chip_gen: v7x
topology: tpu7x:2x2x1
jax: 0.10.2.dev20260603
libtpu: 0.0.44.dev20260713+nightly
codegen_flags: <defaults>
</compile_context>

<pallas_src>
import functools

import jax
import jax.numpy as jnp
from jax import lax
from jax.experimental import pallas as pl
from jax.experimental.pallas import tpu as pltpu
from jax.experimental.pallas import tpu_sc as plsc

N = 2048
H = 256
NH = 4
HD = H // NH
NCLS = 16
E = 32768
FFD = 2048

C1 = 288
C2 = 544
TAIL = 32

RB = 256
NRB = N // RB

NC = 2
NS = 16
NW = NC * NS
EPW = E // NW
CHUNK = 64
NCHUNK = EPW // CHUNK


def _full(a):
    nd = a.ndim
    return pl.BlockSpec(a.shape, lambda *_: (0,) * nd)


def _ln(x, g, b, eps=1e-5):
    m = jnp.mean(x, axis=-1, keepdims=True)
    v = jnp.mean((x - m) ** 2, axis=-1, keepdims=True)
    return (x - m) * jax.lax.rsqrt(v + eps) * g + b


def _tail_block(rb):
    cols = lax.broadcasted_iota(jnp.int32, (rb, TAIL), 1)
    return (cols == 0).astype(jnp.bfloat16)


def _stage_a_body(xA, xP, WcaT, bca, WcpT, bcp, wv0T, bv0, ow0T, ob0,
                  wv2T, bv2, ow2T, ob2, xa_o, xp_o, y0e_o, y2_o):
    xa = jnp.dot(xA[...], WcaT[...], preferred_element_type=jnp.float32) + bca[...]
    xp = jnp.dot(xP[...], WcpT[...], preferred_element_type=jnp.float32) + bcp[...]
    y0 = jnp.dot(
        jnp.dot(xa, wv0T[...], preferred_element_type=jnp.float32) + bv0[...],
        ow0T[...], preferred_element_type=jnp.float32) + ob0[...]
    y2 = jnp.dot(
        jnp.dot(xp, wv2T[...], preferred_element_type=jnp.float32) + bv2[...],
        ow2T[...], preferred_element_type=jnp.float32) + ob2[...]
    xa_o[...] = xa
    xp_o[...] = xp
    y0e_o[:, 0:H] = y0.astype(jnp.bfloat16)
    y0e_o[:, H:C1] = _tail_block(xA.shape[0])
    y2_o[...] = y2.astype(jnp.bfloat16)


def _stage_a(xA, xP, w):
    row = pl.BlockSpec((RB, H), lambda i: (i, 0))
    return pl.pallas_call(
        _stage_a_body,
        grid=(NRB,),
        in_specs=[row, row] + [_full(a) for a in w],
        out_specs=[row, row, pl.BlockSpec((RB, C1), lambda i: (i, 0)), row],
        out_shape=[
            jax.ShapeDtypeStruct((N, H), jnp.float32),
            jax.ShapeDtypeStruct((N, H), jnp.float32),
            jax.ShapeDtypeStruct((N, C1), jnp.bfloat16),
            jax.ShapeDtypeStruct((N, H), jnp.bfloat16),
        ],
    )(xA, xP, *w)


NBUF = 4


def _sc_body(nchunk, nbuf, y_hbm, src3_hbm, dst3_hbm, zrows_hbm, out_hbm,
             acc, sidx, didx, *bufs_sems):
    bufs = bufs_sems[:nbuf]
    sems = bufs_sems[nbuf:]
    cid = lax.axis_index("c")
    sid = lax.axis_index("s")
    wid = sid * NC + cid
    pltpu.sync_copy(src3_hbm.at[wid], sidx)
    pltpu.sync_copy(dst3_hbm.at[wid], didx)
    pltpu.sync_copy(zrows_hbm, acc.at[pl.ds(sid * (N // NS), N // NS)])
    plsc.subcore_barrier()

    for b in range(nbuf):
        pltpu.async_copy(y_hbm.at[sidx.at[b]], bufs[b], sems[b])

    def group(o, carry):
        for b in range(nbuf):
            j = o * nbuf + b
            pltpu.make_async_copy(y_hbm.at[sidx.at[j]], bufs[b], sems[b]).wait()
            pltpu.sync_copy(bufs[b], acc.at[didx.at[j]], add=True)
            nj = j + nbuf

            @pl.when(nj < nchunk)
            def _():
                pltpu.async_copy(y_hbm.at[sidx.at[nj]], bufs[b], sems[b])
        return carry

    lax.fori_loop(0, nchunk // nbuf, group, 0)
    plsc.subcore_barrier()
    pltpu.sync_copy(acc.at[pl.ds(sid * (N // NS), N // NS)],
                    out_hbm.at[cid, pl.ds(sid * (N // NS), N // NS)])


def _sc_scatter_mean_sums(y_ext, src, dst, cols):
    chunk = 128 if cols <= C1 else 64
    nbuf = NBUF
    nchunk = EPW // chunk
    src3 = src.reshape(NW, nchunk, chunk)
    dst3 = dst.reshape(NW, nchunk, chunk)
    zrows = jnp.zeros((N // NS, cols), jnp.bfloat16)
    mesh = plsc.VectorSubcoreMesh(core_axis_name="c", subcore_axis_name="s",
                                  num_cores=NC, num_subcores=NS)
    k = pl.kernel(
        functools.partial(_sc_body, nchunk, nbuf),
        out_type=jax.ShapeDtypeStruct((NC, N, cols), jnp.bfloat16),
        mesh=mesh,
        scratch_types=[
            pltpu.VMEM_SHARED((N, cols), jnp.bfloat16),
            pltpu.VMEM((nchunk, chunk), jnp.int32),
            pltpu.VMEM((nchunk, chunk), jnp.int32),
        ] + [pltpu.VMEM((chunk, cols), jnp.bfloat16)] * nbuf
          + [pltpu.SemaphoreType.DMA] * nbuf,
        compiler_params=pltpu.CompilerParams(use_tc_tiling_on_sc=False),
    )
    return k(y_ext, src3, dst3, zrows)


def _stage_b_body(s0, xp, y2, wv1T, bv1, ow1T, ob1, g0, b0, ze_o):
    s = s0[0].astype(jnp.float32) + s0[1].astype(jnp.float32)
    cnt = jnp.maximum(s[:, H:H + 1], 1.0)
    h = _ln(s[:, 0:H] / cnt + xp[...], g0[...], b0[...])
    y1 = jnp.dot(
        jnp.dot(h, wv1T[...], preferred_element_type=jnp.float32) + bv1[...],
        ow1T[...], preferred_element_type=jnp.float32) + ob1[...]
    ze_o[:, 0:H] = y1.astype(jnp.bfloat16)
    ze_o[:, H:2 * H] = y2[...]
    ze_o[:, 2 * H:C2] = _tail_block(xp.shape[0])


def _stage_b(s0, xp, y2, w):
    row = pl.BlockSpec((RB, H), lambda i: (i, 0))
    return pl.pallas_call(
        _stage_b_body,
        grid=(NRB,),
        in_specs=[pl.BlockSpec((NC, RB, C1), lambda i: (0, i, 0)), row, row] + [_full(a) for a in w],
        out_specs=pl.BlockSpec((RB, C2), lambda i: (i, 0)),
        out_shape=jax.ShapeDtypeStruct((N, C2), jnp.bfloat16),
    )(s0, xp, y2, *w)


def _stage_d_body(s1, xa, g1, b1, g2, b2, inWT, inb, stacked_o, qkv_o):
    s = s1[0].astype(jnp.float32) + s1[1].astype(jnp.float32)
    cnt = jnp.maximum(s[:, 2 * H:2 * H + 1], 1.0)
    xab = xa[...]
    emb0 = _ln(s[:, 0:H] / cnt + xab, g1[...], b1[...])
    emb1 = _ln(s[:, H:2 * H] / cnt + xab, g2[...], b2[...])
    stacked_o[0] = emb0
    stacked_o[1] = emb1
    qkv_o[0] = (jnp.dot(emb0, inWT[...], preferred_element_type=jnp.float32)
                + inb[...]).astype(jnp.bfloat16)
    qkv_o[1] = (jnp.dot(emb1, inWT[...], preferred_element_type=jnp.float32)
                + inb[...]).astype(jnp.bfloat16)


def _stage_d(s1, xa, w):
    row = pl.BlockSpec((RB, H), lambda i: (i, 0))
    return pl.pallas_call(
        _stage_d_body,
        grid=(NRB,),
        in_specs=[pl.BlockSpec((NC, RB, C2), lambda i: (0, i, 0)), row] + [_full(a) for a in w],
        out_specs=[pl.BlockSpec((2, RB, H), lambda i: (0, i, 0)),
                   pl.BlockSpec((2, RB, 3 * H), lambda i: (0, i, 0))],
        out_shape=[jax.ShapeDtypeStruct((2, N, H), jnp.float32),
                   jax.ShapeDtypeStruct((2, N, 3 * H), jnp.bfloat16)],
    )(s1, xa, *w)


def _stage_ef_body(q_ref, kv_ref, st_ref, outWT, outb, f1T, fb1, f2T, fb2,
                   g1, b1, g2, b2, hWT, hb, out):
    branches = []
    for bi in range(2):
        outs = []
        for h in range(NH):
            q = q_ref[bi, :, h * HD:(h + 1) * HD] * (1.0 / 8.0)
            k = kv_ref[bi, :, H + h * HD:H + (h + 1) * HD]
            v = kv_ref[bi, :, 2 * H + h * HD:2 * H + (h + 1) * HD]
            s = lax.dot_general(q, k, (((1,), (1,)), ((), ())),
                                preferred_element_type=jnp.float32
                                ).astype(jnp.bfloat16)
            e = jnp.exp(jnp.minimum(s, jnp.bfloat16(80.0)))
            ve = jnp.concatenate([v, jnp.ones((N, 1), jnp.bfloat16)], axis=1)
            ove = jnp.dot(e, ve, preferred_element_type=jnp.float32)
            r = 1.0 / ove[:, HD:HD + 1]
            outs.append(ove[:, 0:HD] * r)
        o_b = jnp.concatenate(outs, axis=-1)
        a = jnp.dot(o_b, outWT[...], preferred_element_type=jnp.float32) + outb[...]
        src = _ln(st_ref[bi] + a, g1[...], b1[...])
        ff = jnp.dot(
            jax.nn.relu(jnp.dot(src, f1T[...], preferred_element_type=jnp.float32) + fb1[...]),
            f2T[...], preferred_element_type=jnp.float32) + fb2[...]
        branches.append(_ln(src + ff, g2[...], b2[...]))
    fused = 0.5 * (branches[0] + branches[1])
    out[...] = jnp.dot(fused, hWT[...], preferred_element_type=jnp.float32) + hb[...]


def _stage_ef(qkv, stacked, w):
    QB = 512
    return pl.pallas_call(
        _stage_ef_body,
        grid=(N // QB,),
        in_specs=[pl.BlockSpec((2, QB, 3 * H), lambda i: (0, i, 0)),
                  pl.BlockSpec((2, N, 3 * H), lambda i: (0, 0, 0)),
                  pl.BlockSpec((2, QB, H), lambda i: (0, i, 0))] + [_full(a) for a in w],
        out_specs=pl.BlockSpec((QB, NCLS), lambda i: (i, 0)),
        out_shape=jax.ShapeDtypeStruct((N, NCLS), jnp.float32),
    )(qkv, qkv, stacked, *w)


def kernel(x_author, x_paper, params, edge_index_ap, edge_index_pa):
    p = params

    def linw(name):
        return p[name]['W'].T, p[name]['b'].reshape(1, -1)

    def mpw(name):
        mp = p[name]
        return (mp['in_w'][2 * H:3 * H].T, mp['in_b'][2 * H:3 * H].reshape(1, -1),
                mp['out_w'].T, mp['out_b'].reshape(1, -1))

    WcaT, bca = linw('cls_proj_author')
    WcpT, bcp = linw('cls_proj_paper')
    wv0T, bv0, ow0T, ob0 = mpw('proc0_0')
    wv1T, bv1, ow1T, ob1 = mpw('proc0_1')
    wv2T, bv2, ow2T, ob2 = mpw('proc1_0')

    xa, xp, y0e, y2 = _stage_a(
        x_author, x_paper,
        (WcaT, bca, WcpT, bcp, wv0T, bv0, ow0T, ob0, wv2T, bv2, ow2T, ob2))

    src_ap = edge_index_ap[0]
    dst_ap = edge_index_ap[1]
    src_pa = edge_index_pa[0]
    dst_pa = edge_index_pa[1]

    s0 = _sc_scatter_mean_sums(y0e, src_ap, dst_ap, C1)
    ze = _stage_b(s0, xp, y2,
                  (wv1T, bv1, ow1T, ob1,
                   p['proc0_0']['ln_g'].reshape(1, -1), p['proc0_0']['ln_b'].reshape(1, -1)))
    s1 = _sc_scatter_mean_sums(ze, src_pa, dst_pa, C2)

    stacked, qkv = _stage_d(
        s1, xa,
        (p['proc0_1']['ln_g'].reshape(1, -1), p['proc0_1']['ln_b'].reshape(1, -1),
         p['proc1_0']['ln_g'].reshape(1, -1), p['proc1_0']['ln_b'].reshape(1, -1),
         p['fus_attn_in_w'].T, p['fus_attn_in_b'].reshape(1, -1)))

    outWT, outb = linw('fus_attn_out')
    f1T, fb1 = linw('fus_ff1')
    f2T, fb2 = linw('fus_ff2')
    hWT, hb = linw('head')
    logits = _stage_ef(
        qkv, stacked,
        (outWT, outb, f1T, fb1, f2T, fb2,
         p['fus_ln1_g'].reshape(1, -1), p['fus_ln1_b'].reshape(1, -1),
         p['fus_ln2_g'].reshape(1, -1), p['fus_ln2_b'].reshape(1, -1),
         hWT, hb))

    rel_weights = jnp.array([0.5, 0.5], jnp.float32)
    return logits, rel_weights

# --- scband reference (transcript-rebuilt; emitter-appended) ---
"""Pipeline reference for scband-dynamic-metapath-8048768713047 (READ-ONLY COPY).

The authoritative reference and input builder live on the scoring server;
editing this copy changes nothing except your own understanding.
"""

import jax, jax.numpy as jnp
import numpy as np

N_A = 2048
N_P = 2048
D_IN = 256
H = 256
NH = 4
N_CLS = 16
E = 32768
FF = 2048


def _lin(x, p):
    return x @ p['W'].T + p['b']


def _ln(x, g, b, eps=1e-5):
    m = x.mean(-1, keepdims=True)
    v = ((x - m) ** 2).mean(-1, keepdims=True)
    return (x - m) / jnp.sqrt(v + eps) * g + b


def setup_inputs(seed: int = 0):
    key = jax.random.key(seed)
    ks = jax.random.split(key, 64)
    c = [0]

    def nk():
        c[0] += 1
        return ks[c[0]]

    def lin_p(dout, din):
        return {'W': jax.random.normal(nk(), (dout, din), dtype=jnp.float32) * 0.02,
                'b': jnp.zeros((dout,), jnp.float32)}

    def mpl_p():
        return {'in_w': jax.random.normal(nk(), (3 * H, H), dtype=jnp.float32) * 0.02,
                'in_b': jnp.zeros((3 * H,), jnp.float32),
                'out_w': jax.random.normal(nk(), (H, H), dtype=jnp.float32) * 0.02,
                'out_b': jnp.zeros((H,), jnp.float32),
                'ln_g': jnp.ones((H,), jnp.float32),
                'ln_b': jnp.zeros((H,), jnp.float32)}

    x_author = jax.random.normal(nk(), (N_A, D_IN), dtype=jnp.float32)
    x_paper = jax.random.normal(nk(), (N_P, D_IN), dtype=jnp.float32)
    edge_index_ap = jax.random.randint(nk(), (2, E), 0, N_P)
    edge_index_pa = jax.random.randint(nk(), (2, E), 0, N_A)
    params = {
        'gen_proj_author': lin_p(H, D_IN),
        'gen_proj_paper': lin_p(H, D_IN),
        'gen_q': lin_p(H, H),
        'gen_k': lin_p(H, H),
        'cls_proj_author': lin_p(H, D_IN),
        'cls_proj_paper': lin_p(H, D_IN),
        'proc0_0': mpl_p(),
        'proc0_1': mpl_p(),
        'proc1_0': mpl_p(),
        'fus_attn_in_w': jax.random.normal(nk(), (3 * H, H), dtype=jnp.float32) * 0.02,
        'fus_attn_in_b': jnp.zeros((3 * H,), jnp.float32),
        'fus_attn_out': lin_p(H, H),
        'fus_ff1': lin_p(FF, H),
        'fus_ff2': lin_p(H, FF),
        'fus_ln1_g': jnp.ones((H,), jnp.float32),
        'fus_ln1_b': jnp.zeros((H,), jnp.float32),
        'fus_ln2_g': jnp.ones((H,), jnp.float32),
        'fus_ln2_b': jnp.zeros((H,), jnp.float32),
        'head': lin_p(N_CLS, H),
    }
    return {'x_author': x_author, 'x_paper': x_paper, 'params': params,
            'edge_index_ap': edge_index_ap, 'edge_index_pa': edge_index_pa}


def _metapath_layer(x_src, x_dst, ei, p):
    # torch MetapathLayer: MHA with seq_len=1 per edge -> softmax over a single key is
    # identically 1, so attn_out = out_proj(v_proj(x_src[src])). Then scatter-mean by dst
    # and residual + LayerNorm.
    src, dst = ei[0], ei[1]
    val = x_src[src]
    w_v = p['in_w'][2 * H:3 * H]
    b_v = p['in_b'][2 * H:3 * H]
    v = val @ w_v.T + b_v
    attn_out = v @ p['out_w'].T + p['out_b']
    n = x_dst.shape[0]
    s = jax.ops.segment_sum(attn_out, dst, num_segments=n)
    cnt = jax.ops.segment_sum(jnp.ones((val.shape[0],), jnp.float32), dst, num_segments=n)
    agg = s / jnp.maximum(cnt, 1.0)[:, None]
    return _ln(agg + x_dst, p['ln_g'], p['ln_b'])


def _mha_self(x, in_w, in_b, out_p, nh):
    # x: (L, B, H), torch nn.MultiheadAttention convention (batch_first=False)
    L, B, Hd = x.shape
    qkv = x @ in_w.T + in_b
    q, k, v = jnp.split(qkv, 3, axis=-1)
    hd = Hd // nh

    def rs(t):
        return t.reshape(L, B, nh, hd).transpose(1, 2, 0, 3).reshape(B * nh, L, hd)

    q, k, v = rs(q), rs(k), rs(v)
    scores = (q @ k.transpose(0, 2, 1)) / jnp.sqrt(jnp.float32(hd))
    a = jax.nn.softmax(scores, axis=-1)
    o = a @ v
    o = o.reshape(B, nh, L, hd).transpose(2, 0, 1, 3).reshape(L, B, Hd)
    return _lin(o, out_p)


def _forward(x_author, x_paper, params, edge_index_ap, edge_index_pa):
    # --- MetapathGenerator: per-relation attention -> relation weights ---
    xa_g = _lin(x_author, params['gen_proj_author'])
    xp_g = _lin(x_paper, params['gen_proj_paper'])
    means = []
    for xs, xd, ei in ((xa_g, xp_g, edge_index_ap), (xp_g, xa_g, edge_index_pa)):
        se = xs[ei[0]]
        de = xd[ei[1]]
        q = _lin(se, params['gen_q'])
        kk = _lin(de, params['gen_k'])
        logits = (q * kk).sum(-1) / jnp.sqrt(jnp.float32(H))
        w = jax.nn.softmax(logits, axis=0)
        means.append(w.mean())
    rel_weights = jax.nn.softmax(jnp.stack(means))
    # --- metapath_classifier over default metapaths ---
    xa = _lin(x_author, params['cls_proj_author'])
    xp = _lin(x_paper, params['cls_proj_paper'])
    # metapath ['author','paper','author']
    h = _metapath_layer(xa, xp, edge_index_ap, params['proc0_0'])
    emb0 = _metapath_layer(h, xa, edge_index_pa, params['proc0_1'])
    # metapath ['paper','author']
    emb1 = _metapath_layer(xp, xa, edge_index_pa, params['proc1_0'])
    stacked = jnp.stack([emb0, emb1], axis=1)  # (N_A, 2, H) -> seq=N_A, batch=2
    src2 = _mha_self(stacked, params['fus_attn_in_w'], params['fus_attn_in_b'], params['fus_attn_out'], NH)
    src = _ln(stacked + src2, params['fus_ln1_g'], params['fus_ln1_b'])
    ff = _lin(jax.nn.relu(_lin(src, params['fus_ff1'])), params['fus_ff2'])
    src = _ln(src + ff, params['fus_ln2_g'], params['fus_ln2_b'])
    fused = src.mean(axis=1)
    logits = _lin(fused, params['head'])
    return logits, rel_weights


def reference(x_author, x_paper, params, edge_index_ap, edge_index_pa):
    return _forward(x_author, x_paper, params, edge_index_ap, edge_index_pa)

if __name__ == "__main__":
    import jax
    _d = setup_inputs()
    print(jax.jit(kernel)(*tuple(_d.values())))

</pallas_src>

<mosaic_0001>
#map = affine_map<(d0, d1) -> (0, 0)>
#map1 = affine_map<(d0, d1) -> (0, 0, 0)>
module attributes {stable_mosaic.version = 14 : i64} {
  func.func @_sc_body(%arg0: i32, %arg1: i32, %arg2: memref<2048x288xbf16, #tpu.memory_space<hbm>>, %arg3: memref<32x8x128xi32, #tpu.memory_space<hbm>>, %arg4: memref<32x8x128xi32, #tpu.memory_space<hbm>>, %arg5: memref<128x288xbf16, #tpu.memory_space<hbm>>, %arg6: memref<2x2048x288xbf16, #tpu.memory_space<hbm>>, %arg7: memref<2048x288xbf16, #tpu.memory_space<vmem_shared>>, %arg8: memref<8x128xi32, #tpu.memory_space<vmem>>, %arg9: memref<8x128xi32, #tpu.memory_space<vmem>>, %arg10: memref<128x288xbf16, #tpu.memory_space<vmem>>, %arg11: memref<128x288xbf16, #tpu.memory_space<vmem>>, %arg12: memref<128x288xbf16, #tpu.memory_space<vmem>>, %arg13: memref<128x288xbf16, #tpu.memory_space<vmem>>, %arg14: memref<!tpu.dma_semaphore, #tpu.memory_space<semaphore_mem>>, %arg15: memref<!tpu.dma_semaphore, #tpu.memory_space<semaphore_mem>>, %arg16: memref<!tpu.dma_semaphore, #tpu.memory_space<semaphore_mem>>, %arg17: memref<!tpu.dma_semaphore, #tpu.memory_space<semaphore_mem>>) attributes {dimension_semantics = [#tpu.dimension_semantics<core_parallel>, #tpu.dimension_semantics<subcore_parallel>], iteration_bounds = array<i64: 2, 16>, scalar_prefetch = 0 : i64, scratch_operands = 11 : i64, tpu.core_type = #tpu.core_type<sc_vector_subcore>, window_params = [{transform_indices = #map}, {transform_indices = #map1}, {transform_indices = #map1}, {transform_indices = #map}, {transform_indices = #map1}]} {
    %mul3A = arith.constant 2 : i32
    %mul3A_0 = arith.muli %arg1, %mul3A : i32
    %add3A = arith.addi %mul3A_0, %arg0 : i32
    "tpu.region"() ({
      %run_scoped3A = tpu.sem_alloc : memref<!tpu.dma_semaphore, #tpu.memory_space<semaphore_mem>>
      %dma_start3A_40 = arith.constant 0 : i32
      %dma_start3A_41 = arith.constant 0 : i32
      %dma_start3A_42 = tpu.memref_slice %arg3[%add3A, %dma_start3A_40, %dma_start3A_41] : memref<32x8x128xi32, #tpu.memory_space<hbm>> -> memref<1x8x128xi32, #tpu.memory_space<hbm>>
      %dma_start3A_43 = tpu.memref_squeeze %dma_start3A_42 : memref<1x8x128xi32, #tpu.memory_space<hbm>> -> memref<8x128xi32, #tpu.memory_space<hbm>>
      %dma_start3A_44 = arith.constant 0 : i32
      %dma_start3A_45 = arith.constant 0 : i32
      %dma_start3A_46 = tpu.memref_slice %arg3[%add3A, %dma_start3A_44, %dma_start3A_45] : memref<32x8x128xi32, #tpu.memory_space<hbm>> -> memref<1x8x128xi32, #tpu.memory_space<hbm>>
      %dma_start3A_47 = tpu.memref_squeeze %dma_start3A_46 : memref<1x8x128xi32, #tpu.memory_space<hbm>> -> memref<8x128xi32, #tpu.memory_space<hbm>>
      tpu.enqueue_dma source(%dma_start3A_47 : memref<8x128xi32, #tpu.memory_space<hbm>>) target(%arg8 : memref<8x128xi32, #tpu.memory_space<vmem>>) target_semaphore(%run_scoped3A : memref<!tpu.dma_semaphore, #tpu.memory_space<semaphore_mem>>)
      %dma_wait3A = arith.constant 0 : i32
      %dma_wait3A_48 = arith.constant 0 : i32
      %dma_wait3A_49 = tpu.memref_slice %arg3[%add3A, %dma_wait3A, %dma_wait3A_48] : memref<32x8x128xi32, #tpu.memory_space<hbm>> -> memref<1x8x128xi32, #tpu.memory_space<hbm>>
      %dma_wait3A_50 = tpu.memref_squeeze %dma_wait3A_49 : memref<1x8x128xi32, #tpu.memory_space<hbm>> -> memref<8x128xi32, #tpu.memory_space<hbm>>
      %dma_wait3A_51 = arith.constant 0 : i32
      %dma_wait3A_52 = arith.constant 0 : i32
      %dma_wait3A_53 = tpu.memref_slice %arg3[%add3A, %dma_wait3A_51, %dma_wait3A_52] : memref<32x8x128xi32, #tpu.memory_space<hbm>> -> memref<1x8x128xi32, #tpu.memory_space<hbm>>
      %dma_wait3A_54 = tpu.memref_squeeze %dma_wait3A_53 : memref<1x8x128xi32, #tpu.memory_space<hbm>> -> memref<8x128xi32, #tpu.memory_space<hbm>>
      tpu.wait_dma2 semaphore(%run_scoped3A : memref<!tpu.dma_semaphore, #tpu.memory_space<semaphore_mem>>) src(%dma_wait3A_54 : memref<8x128xi32, #tpu.memory_space<hbm>>) dst(%arg8 : memref<8x128xi32, #tpu.memory_space<vmem>>)
      tpu.yield
    }) : () -> ()
    "tpu.region"() ({
      %run_scoped3A = tpu.sem_alloc : memref<!tpu.dma_semaphore, #tpu.memory_space<semaphore_mem>>
      %dma_start3A_40 = arith.constant 0 : i32
      %dma_start3A_41 = arith.constant 0 : i32
      %dma_start3A_42 = tpu.memref_slice %arg4[%add3A, %dma_start3A_40, %dma_start3A_41] : memref<32x8x128xi32, #tpu.memory_space<hbm>> -> memref<1x8x128xi32, #tpu.memory_space<hbm>>
      %dma_start3A_43 = tpu.memref_squeeze %dma_start3A_42 : memref<1x8x128xi32, #tpu.memory_space<hbm>> -> memref<8x128xi32, #tpu.memory_space<hbm>>
      %dma_start3A_44 = arith.constant 0 : i32
      %dma_start3A_45 = arith.constant 0 : i32
      %dma_start3A_46 = tpu.memref_slice %arg4[%add3A, %dma_start3A_44, %dma_start3A_45] : memref<32x8x128xi32, #tpu.memory_space<hbm>> -> memref<1x8x128xi32, #tpu.memory_space<hbm>>
      %dma_start3A_47 = tpu.memref_squeeze %dma_start3A_46 : memref<1x8x128xi32, #tpu.memory_space<hbm>> -> memref<8x128xi32, #tpu.memory_space<hbm>>
      tpu.enqueue_dma source(%dma_start3A_47 : memref<8x128xi32, #tpu.memory_space<hbm>>) target(%arg9 : memref<8x128xi32, #tpu.memory_space<vmem>>) target_semaphore(%run_scoped3A : memref<!tpu.dma_semaphore, #tpu.memory_space<semaphore_mem>>)
      %dma_wait3A = arith.constant 0 : i32
      %dma_wait3A_48 = arith.constant 0 : i32
      %dma_wait3A_49 = tpu.memref_slice %arg4[%add3A, %dma_wait3A, %dma_wait3A_48] : memref<32x8x128xi32, #tpu.memory_space<hbm>> -> memref<1x8x128xi32, #tpu.memory_space<hbm>>
      %dma_wait3A_50 = tpu.memref_squeeze %dma_wait3A_49 : memref<1x8x128xi32, #tpu.memory_space<hbm>> -> memref<8x128xi32, #tpu.memory_space<hbm>>
      %dma_wait3A_51 = arith.constant 0 : i32
      %dma_wait3A_52 = arith.constant 0 : i32
      %dma_wait3A_53 = tpu.memref_slice %arg4[%add3A, %dma_wait3A_51, %dma_wait3A_52] : memref<32x8x128xi32, #tpu.memory_space<hbm>> -> memref<1x8x128xi32, #tpu.memory_space<hbm>>
      %dma_wait3A_54 = tpu.memref_squeeze %dma_wait3A_53 : memref<1x8x128xi32, #tpu.memory_space<hbm>> -> memref<8x128xi32, #tpu.memory_space<hbm>>
      tpu.wait_dma2 semaphore(%run_scoped3A : memref<!tpu.dma_semaphore, #tpu.memory_space<semaphore_mem>>) src(%dma_wait3A_54 : memref<8x128xi32, #tpu.memory_space<hbm>>) dst(%arg9 : memref<8x128xi32, #tpu.memory_space<vmem>>)
      tpu.yield
    }) : () -> ()
    %mul3A_1 = arith.constant 128 : i32
    %mul3A_2 = arith.muli %arg1, %mul3A_1 : i32
    "tpu.region"() ({
      %run_scoped3A = tpu.sem_alloc : memref<!tpu.dma_semaphore, #tpu.memory_space<semaphore_mem>>
      %dma_start3A_40 = arith.constant 0 : i32
      %dma_start3A_41 = tpu.memref_slice %arg7[%mul3A_2, %dma_start3A_40] : memref<2048x288xbf16, #tpu.memory_space<vmem_shared>> -> memref<128x288xbf16, #tpu.memory_space<vmem_shared>>
      tpu.enqueue_dma source(%arg5 : memref<128x288xbf16, #tpu.memory_space<hbm>>) target(%dma_start3A_41 : memref<128x288xbf16, #tpu.memory_space<vmem_shared>>) target_semaphore(%run_scoped3A : memref<!tpu.dma_semaphore, #tpu.memory_space<semaphore_mem>>)
      %dma_wait3A = arith.constant 0 : i32
      %dma_wait3A_42 = tpu.memref_slice %arg7[%mul3A_2, %dma_wait3A] : memref<2048x288xbf16, #tpu.memory_space<vmem_shared>> -> memref<128x288xbf16, #tpu.memory_space<vmem_shared>>
      tpu.wait_dma2 semaphore(%run_scoped3A : memref<!tpu.dma_semaphore, #tpu.memory_space<semaphore_mem>>) src(%arg5 : memref<128x288xbf16, #tpu.memory_space<hbm>>) dst(%dma_wait3A_42 : memref<128x288xbf16, #tpu.memory_space<vmem_shared>>)
      tpu.yield
    }) : () -> ()
    %barrier3A = arith.constant 0 : index
    tpu.barrier barrier_id(%barrier3A)
    %dma_start3A = arith.constant 0 : i32
    %dma_start3A_3 = arith.constant 0 : i32
    %dma_start3A_4 = tpu.memref_slice %arg8[%dma_start3A, %dma_start3A_3] : memref<8x128xi32, #tpu.memory_space<vmem>> -> memref<1x128xi32, #tpu.memory_space<vmem>>
    %dma_start3A_5 = tpu.memref_squeeze %dma_start3A_4 : memref<1x128xi32, #tpu.memory_space<vmem>> -> memref<128xi32, #tpu.memory_space<vmem>>
    %dma_start3A_6 = arith.constant 0 : i32
    %dma_start3A_7 = arith.constant 0 : i32
    %dma_start3A_8 = tpu.memref_slice %arg2[%dma_start3A_6, %dma_start3A_7] : memref<2048x288xbf16, #tpu.memory_space<hbm>> -> memref<2048x288xbf16, #tpu.memory_space<hbm>>
    tpu.enqueue_indirect_dma source(%dma_start3A_8 : memref<2048x288xbf16, #tpu.memory_space<hbm>>) target(%arg10 : memref<128x288xbf16, #tpu.memory_space<vmem>>) offsets(%dma_start3A_5 : memref<128xi32, #tpu.memory_space<vmem>>) semaphore(%arg14 : memref<!tpu.dma_semaphore, #tpu.memory_space<semaphore_mem>>)
    %dma_start3A_9 = arith.constant 1 : i32
    %dma_start3A_10 = arith.constant 0 : i32
    %dma_start3A_11 = tpu.memref_slice %arg8[%dma_start3A_9, %dma_start3A_10] : memref<8x128xi32, #tpu.memory_space<vmem>> -> memref<1x128xi32, #tpu.memory_space<vmem>>
    %dma_start3A_12 = tpu.memref_squeeze %dma_start3A_11 : memref<1x128xi32, #tpu.memory_space<vmem>> -> memref<128xi32, #tpu.memory_space<vmem>>
    %dma_start3A_13 = arith.constant 0 : i32
    %dma_start3A_14 = arith.constant 0 : i32
    %dma_start3A_15 = tpu.memref_slice %arg2[%dma_start3A_13, %dma_start3A_14] : memref<2048x288xbf16, #tpu.memory_space<hbm>> -> memref<2048x288xbf16, #tpu.memory_space<hbm>>
    tpu.enqueue_indirect_dma source(%dma_start3A_15 : memref<2048x288xbf16, #tpu.memory_space<hbm>>) target(%arg11 : memref<128x288xbf16, #tpu.memory_space<vmem>>) offsets(%dma_start3A_12 : memref<128xi32, #tpu.memory_space<vmem>>) semaphore(%arg15 : memref<!tpu.dma_semaphore, #tpu.memory_space<semaphore_mem>>)
    %dma_start3A_16 = arith.constant 2 : i32
    %dma_start3A_17 = arith.constant 0 : i32
    %dma_start3A_18 = tpu.memref_slice %arg8[%dma_start3A_16, %dma_start3A_17] : memref<8x128xi32, #tpu.memory_space<vmem>> -> memref<1x128xi32, #tpu.memory_space<vmem>>
    %dma_start3A_19 = tpu.memref_squeeze %dma_start3A_18 : memref<1x128xi32, #tpu.memory_space<vmem>> -> memref<128xi32, #tpu.memory_space<vmem>>
    %dma_start3A_20 = arith.constant 0 : i32
    %dma_start3A_21 = arith.constant 0 : i32
    %dma_start3A_22 = tpu.memref_slice %arg2[%dma_start3A_20, %dma_start3A_21] : memref<2048x288xbf16, #tpu.memory_space<hbm>> -> memref<2048x288xbf16, #tpu.memory_space<hbm>>
    tpu.enqueue_indirect_dma source(%dma_start3A_22 : memref<2048x288xbf16, #tpu.memory_space<hbm>>) target(%arg12 : memref<128x288xbf16, #tpu.memory_space<vmem>>) offsets(%dma_start3A_19 : memref<128xi32, #tpu.memory_space<vmem>>) semaphore(%arg16 : memref<!tpu.dma_semaphore, #tpu.memory_space<semaphore_mem>>)
    %dma_start3A_23 = arith.constant 3 : i32
    %dma_start3A_24 = arith.constant 0 : i32
    %dma_start3A_25 = tpu.memref_slice %arg8[%dma_start3A_23, %dma_start3A_24] : memref<8x128xi32, #tpu.memory_space<vmem>> -> memref<1x128xi32, #tpu.memory_space<vmem>>
    %dma_start3A_26 = tpu.memref_squeeze %dma_start3A_25 : memref<1x128xi32, #tpu.memory_space<vmem>> -> memref<128xi32, #tpu.memory_space<vmem>>
    %dma_start3A_27 = arith.constant 0 : i32
    %dma_start3A_28 = arith.constant 0 : i32
    %dma_start3A_29 = tpu.memref_slice %arg2[%dma_start3A_27, %dma_start3A_28] : memref<2048x288xbf16, #tpu.memory_space<hbm>> -> memref<2048x288xbf16, #tpu.memory_space<hbm>>
    tpu.enqueue_indirect_dma source(%dma_start3A_29 : memref<2048x288xbf16, #tpu.memory_space<hbm>>) target(%arg13 : memref<128x288xbf16, #tpu.memory_space<vmem>>) offsets(%dma_start3A_26 : memref<128xi32, #tpu.memory_space<vmem>>) semaphore(%arg17 : memref<!tpu.dma_semaphore, #tpu.memory_space<semaphore_mem>>)
    %scan3A = arith.constant 0 : i32
    %scan3A_30 = arith.constant 0 : i32
    %scan3A_31 = arith.constant 2 : i32
    %scan3A_32 = arith.addi %scan3A_30, %scan3A_31 : i32
    %scan3A_33 = arith.constant 1 : i32
    scf.for %scan3A_40 = %scan3A_30 to %scan3A_32 step %scan3A_33  : i32 {
      %mul3A_41 = arith.constant 4 : i32
      %mul3A_42 = arith.muli %scan3A_40, %mul3A_41 : i32
      %add3A_43 = arith.constant 0 : i32
      %add3A_44 = arith.addi %mul3A_42, %add3A_43 : i32
      %dma_wait3A = arith.constant 0 : i32
      %dma_wait3A_45 = tpu.memref_slice %arg8[%add3A_44, %dma_wait3A] : memref<8x128xi32, #tpu.memory_space<vmem>> -> memref<1x128xi32, #tpu.memory_space<vmem>>
      %dma_wait3A_46 = tpu.memref_squeeze %dma_wait3A_45 : memref<1x128xi32, #tpu.memory_space<vmem>> -> memref<128xi32, #tpu.memory_space<vmem>>
      %dma_wait3A_47 = arith.constant 0 : i32
      %dma_wait3A_48 = arith.constant 0 : i32
      %dma_wait3A_49 = tpu.memref_slice %arg2[%dma_wait3A_47, %dma_wait3A_48] : memref<2048x288xbf16, #tpu.memory_space<hbm>> -> memref<2048x288xbf16, #tpu.memory_space<hbm>>
      tpu.wait_indirect_dma semaphore(%arg14 : memref<!tpu.dma_semaphore, #tpu.memory_space<semaphore_mem>>) src(%dma_wait3A_49 : memref<2048x288xbf16, #tpu.memory_space<hbm>>) dst(%arg10 : memref<128x288xbf16, #tpu.memory_space<vmem>>)
      "tpu.region"() ({
        %run_scoped3A = tpu.sem_alloc : memref<!tpu.dma_semaphore, #tpu.memory_space<semaphore_mem>>
        %dma_start3A_105 = arith.constant 0 : i32
        %dma_start3A_106 = tpu.memref_slice %arg9[%add3A_44, %dma_start3A_105] : memref<8x128xi32, #tpu.memory_space<vmem>> -> memref<1x128xi32, #tpu.memory_space<vmem>>
        %dma_start3A_107 = tpu.memref_squeeze %dma_start3A_106 : memref<1x128xi32, #tpu.memory_space<vmem>> -> memref<128xi32, #tpu.memory_space<vmem>>
        %dma_start3A_108 = arith.constant 0 : i32
        %dma_start3A_109 = arith.constant 0 : i32
        %dma_start3A_110 = tpu.memref_slice %arg7[%dma_start3A_108, %dma_start3A_109] : memref<2048x288xbf16, #tpu.memory_space<vmem_shared>> -> memref<2048x288xbf16, #tpu.memory_space<vmem_shared>>
        tpu.enqueue_indirect_dma source(%arg10 : memref<128x288xbf16, #tpu.memory_space<vmem>>) target(%dma_start3A_110 : memref<2048x288xbf16, #tpu.memory_space<vmem_shared>>) offsets(%dma_start3A_107 : memref<128xi32, #tpu.memory_space<vmem>>) semaphore(%run_scoped3A : memref<!tpu.dma_semaphore, #tpu.memory_space<semaphore_mem>>) {add = true}
        %dma_wait3A_111 = arith.constant 0 : i32
        %dma_wait3A_112 = tpu.memref_slice %arg9[%add3A_44, %dma_wait3A_111] : memref<8x128xi32, #tpu.memory_space<vmem>> -> memref<1x128xi32, #tpu.memory_space<vmem>>
        %dma_wait3A_113 = tpu.memref_squeeze %dma_wait3A_112 : memref<1x128xi32, #tpu.memory_space<vmem>> -> memref<128xi32, #tpu.memory_space<vmem>>
        %dma_wait3A_114 = arith.constant 0 : i32
        %dma_wait3A_115 = arith.constant 0 : i32
        %dma_wait3A_116 = tpu.memref_slice %arg7[%dma_wait3A_114, %dma_wait3A_115] : memref<2048x288xbf16, #tpu.memory_space<vmem_shared>> -> memref<2048x288xbf16, #tpu.memory_space<vmem_shared>>
        tpu.wait_indirect_dma semaphore(%run_scoped3A : memref<!tpu.dma_semaphore, #tpu.memory_space<semaphore_mem>>) src(%arg10 : memref<128x288xbf16, #tpu.memory_space<vmem>>) dst(%dma_wait3A_116 : memref<2048x288xbf16, #tpu.memory_space<vmem_shared>>)
        tpu.yield
      }) : () -> ()
      %add3A_50 = arith.constant 4 : i32
      %add3A_51 = arith.addi %add3A_44, %add3A_50 : i32
      %lt3A = arith.constant 8 : i32
      %lt3A_52 = arith.cmpi slt, %add3A_51, %lt3A : i32
      %convert_element_type3A = arith.extui %lt3A_52 : i1 to i32
      %cond3A = arith.constant 0 : i32
      %cond3A_53 = arith.cmpi ne, %convert_element_type3A, %cond3A : i32
      scf.if %cond3A_53 {
        %dma_start3A_105 = arith.constant 0 : i32
        %dma_start3A_106 = tpu.memref_slice %arg8[%add3A_51, %dma_start3A_105] : memref<8x128xi32, #tpu.memory_space<vmem>> -> memref<1x128xi32, #tpu.memory_space<vmem>>
        %dma_start3A_107 = tpu.memref_squeeze %dma_start3A_106 : memref<1x128xi32, #tpu.memory_space<vmem>> -> memref<128xi32, #tpu.memory_space<vmem>>
        %dma_start3A_108 = arith.constant 0 : i32
        %dma_start3A_109 = arith.constant 0 : i32
        %dma_start3A_110 = tpu.memref_slice %arg2[%dma_start3A_108, %dma_start3A_109] : memref<2048x288xbf16, #tpu.memory_space<hbm>> -> memref<2048x288xbf16, #tpu.memory_space<hbm>>
        tpu.enqueue_indirect_dma source(%dma_start3A_110 : memref<2048x288xbf16, #tpu.memory_space<hbm>>) target(%arg10 : memref<128x288xbf16, #tpu.memory_space<vmem>>) offsets(%dma_start3A_107 : memref<128xi32, #tpu.memory_space<vmem>>) semaphore(%arg14 : memref<!tpu.dma_semaphore, #tpu.memory_space<semaphore_mem>>)
      } else {
      }
      %mul3A_54 = arith.constant 4 : i32
      %mul3A_55 = arith.muli %scan3A_40, %mul3A_54 : i32
      %add3A_56 = arith.constant 1 : i32
      %add3A_57 = arith.addi %mul3A_55, %add3A_56 : i32
      %dma_wait3A_58 = arith.constant 0 : i32
      %dma_wait3A_59 = tpu.memref_slice %arg8[%add3A_57, %dma_wait3A_58] : memref<8x128xi32, #tpu.memory_space<vmem>> -> memref<1x128xi32, #tpu.memory_space<vmem>>
      %dma_wait3A_60 = tpu.memref_squeeze %dma_wait3A_59 : memref<1x128xi32, #tpu.memory_space<vmem>> -> memref<128xi32, #tpu.memory_space<vmem>>
      %dma_wait3A_61 = arith.constant 0 : i32
      %dma_wait3A_62 = arith.constant 0 : i32
      %dma_wait3A_63 = tpu.memref_slice %arg2[%dma_wait3A_61, %dma_wait3A_62] : memref<2048x288xbf16, #tpu.memory_space<hbm>> -> memref<2048x288xbf16, #tpu.memory_space<hbm>>
      tpu.wait_indirect_dma semaphore(%arg15 : memref<!tpu.dma_semaphore, #tpu.memory_space<semaphore_mem>>) src(%dma_wait3A_63 : memref<2048x288xbf16, #tpu.memory_space<hbm>>) dst(%arg11 : memref<128x288xbf16, #tpu.memory_space<vmem>>)
      "tpu.region"() ({
        %run_scoped3A = tpu.sem_alloc : memref<!tpu.dma_semaphore, #tpu.memory_space<semaphore_mem>>
        %dma_start3A_105 = arith.constant 0 : i32
        %dma_start3A_106 = tpu.memref_slice %arg9[%add3A_57, %dma_start3A_105] : memref<8x128xi32, #tpu.memory_space<vmem>> -> memref<1x128xi32, #tpu.memory_space<vmem>>
        %dma_start3A_107 = tpu.memref_squeeze %dma_start3A_106 : memref<1x128xi32, #tpu.memory_space<vmem>> -> memref<128xi32, #tpu.memory_space<vmem>>
        %dma_start3A_108 = arith.constant 0 : i32
        %dma_start3A_109 = arith.constant 0 : i32
        %dma_start3A_110 = tpu.memref_slice %arg7[%dma_start3A_108, %dma_start3A_109] : memref<2048x288xbf16, #tpu.memory_space<vmem_shared>> -> memref<2048x288xbf16, #tpu.memory_space<vmem_shared>>
        tpu.enqueue_indirect_dma source(%arg11 : memref<128x288xbf16, #tpu.memory_space<vmem>>) target(%dma_start3A_110 : memref<2048x288xbf16, #tpu.memory_space<vmem_shared>>) offsets(%dma_start3A_107 : memref<128xi32, #tpu.memory_space<vmem>>) semaphore(%run_scoped3A : memref<!tpu.dma_semaphore, #tpu.memory_space<semaphore_mem>>) {add = true}
        %dma_wait3A_111 = arith.constant 0 : i32
        %dma_wait3A_112 = tpu.memref_slice %arg9[%add3A_57, %dma_wait3A_111] : memref<8x128xi32, #tpu.memory_space<vmem>> -> memref<1x128xi32, #tpu.memory_space<vmem>>
        %dma_wait3A_113 = tpu.memref_squeeze %dma_wait3A_112 : memref<1x128xi32, #tpu.memory_space<vmem>> -> memref<128xi32, #tpu.memory_space<vmem>>
        %dma_wait3A_114 = arith.constant 0 : i32
        %dma_wait3A_115 = arith.constant 0 : i32
        %dma_wait3A_116 = tpu.memref_slice %arg7[%dma_wait3A_114, %dma_wait3A_115] : memref<2048x288xbf16, #tpu.memory_space<vmem_shared>> -> memref<2048x288xbf16, #tpu.memory_space<vmem_shared>>
        tpu.wait_indirect_dma semaphore(%run_scoped3A : memref<!tpu.dma_semaphore, #tpu.memory_space<semaphore_mem>>) src(%arg11 : memref<128x288xbf16, #tpu.memory_space<vmem>>) dst(%dma_wait3A_116 : memref<2048x288xbf16, #tpu.memory_space<vmem_shared>>)
        tpu.yield
      }) : () -> ()
      %add3A_64 = arith.constant 4 : i32
      %add3A_65 = arith.addi %add3A_57, %add3A_64 : i32
      %lt3A_66 = arith.constant 8 : i32
      %lt3A_67 = arith.cmpi slt, %add3A_65, %lt3A_66 : i32
      %convert_element_type3A_68 = arith.extui %lt3A_67 : i1 to i32
      %cond3A_69 = arith.constant 0 : i32
      %cond3A_70 = arith.cmpi ne, %convert_element_type3A_68, %cond3A_69 : i32
      scf.if %cond3A_70 {
        %dma_start3A_105 = arith.constant 0 : i32
        %dma_start3A_106 = tpu.memref_slice %arg8[%add3A_65, %dma_start3A_105] : memref<8x128xi32, #tpu.memory_space<vmem>> -> memref<1x128xi32, #tpu.memory_space<vmem>>
        %dma_start3A_107 = tpu.memref_squeeze %dma_start3A_106 : memref<1x128xi32, #tpu.memory_space<vmem>> -> memref<128xi32, #tpu.memory_space<vmem>>
        %dma_start3A_108 = arith.constant 0 : i32
        %dma_start3A_109 = arith.constant 0 : i32
        %dma_start3A_110 = tpu.memref_slice %arg2[%dma_start3A_108, %dma_start3A_109] : memref<2048x288xbf16, #tpu.memory_space<hbm>> -> memref<2048x288xbf16, #tpu.memory_space<hbm>>
        tpu.enqueue_indirect_dma source(%dma_start3A_110 : memref<2048x288xbf16, #tpu.memory_space<hbm>>) target(%arg11 : memref<128x288xbf16, #tpu.memory_space<vmem>>) offsets(%dma_start3A_107 : memref<128xi32, #tpu.memory_space<vmem>>) semaphore(%arg15 : memref<!tpu.dma_semaphore, #tpu.memory_space<semaphore_mem>>)
      } else {
      }
      %mul3A_71 = arith.constant 4 : i32
      %mul3A_72 = arith.muli %scan3A_40, %mul3A_71 : i32
      %add3A_73 = arith.constant 2 : i32
      %add3A_74 = arith.addi %mul3A_72, %add3A_73 : i32
      %dma_wait3A_75 = arith.constant 0 : i32
      %dma_wait3A_76 = tpu.memref_slice %arg8[%add3A_74, %dma_wait3A_75] : memref<8x128xi32, #tpu.memory_space<vmem>> -> memref<1x128xi32, #tpu.memory_space<vmem>>
      %dma_wait3A_77 = tpu.memref_squeeze %dma_wait3A_76 : memref<1x128xi32, #tpu.memory_space<vmem>> -> memref<128xi32, #tpu.memory_space<vmem>>
      %dma_wait3A_78 = arith.constant 0 : i32
      %dma_wait3A_79 = arith.constant 0 : i32
      %dma_wait3A_80 = tpu.memref_slice %arg2[%dma_wait3A_78, %dma_wait3A_79] : memref<2048x288xbf16, #tpu.memory_space<hbm>> -> memref<2048x288xbf16, #tpu.memory_space<hbm>>
      tpu.wait_indirect_dma semaphore(%arg16 : memref<!tpu.dma_semaphore, #tpu.memory_space<semaphore_mem>>) src(%dma_wait3A_80 : memref<2048x288xbf16, #tpu.memory_space<hbm>>) dst(%arg12 : memref<128x288xbf16, #tpu.memory_space<vmem>>)
      "tpu.region"() ({
        %run_scoped3A = tpu.sem_alloc : memref<!tpu.dma_semaphore, #tpu.memory_space<semaphore_mem>>
        %dma_start3A_105 = arith.constant 0 : i32
        %dma_start3A_106 = tpu.memref_slice %arg9[%add3A_74, %dma_start3A_105] : memref<8x128xi32, #tpu.memory_space<vmem>> -> memref<1x128xi32, #tpu.memory_space<vmem>>
        %dma_start3A_107 = tpu.memref_squeeze %dma_start3A_106 : memref<1x128xi32, #tpu.memory_space<vmem>> -> memref<128xi32, #tpu.memory_space<vmem>>
        %dma_start3A_108 = arith.constant 0 : i32
        %dma_start3A_109 = arith.constant 0 : i32
        %dma_start3A_110 = tpu.memref_slice %arg7[%dma_start3A_108, %dma_start3A_109] : memref<2048x288xbf16, #tpu.memory_space<vmem_shared>> -> memref<2048x288xbf16, #tpu.memory_space<vmem_shared>>
        tpu.enqueue_indirect_dma source(%arg12 : memref<128x288xbf16, #tpu.memory_space<vmem>>) target(%dma_start3A_110 : memref<2048x288xbf16, #tpu.memory_space<vmem_shared>>) offsets(%dma_start3A_107 : memref<128xi32, #tpu.memory_space<vmem>>) semaphore(%run_scoped3A : memref<!tpu.dma_semaphore, #tpu.memory_space<semaphore_mem>>) {add = true}
        %dma_wait3A_111 = arith.constant 0 : i32
        %dma_wait3A_112 = tpu.memref_slice %arg9[%add3A_74, %dma_wait3A_111] : memref<8x128xi32, #tpu.memory_space<vmem>> -> memref<1x128xi32, #tpu.memory_space<vmem>>
        %dma_wait3A_113 = tpu.memref_squeeze %dma_wait3A_112 : memref<1x128xi32, #tpu.memory_space<vmem>> -> memref<128xi32, #tpu.memory_space<vmem>>
        %dma_wait3A_114 = arith.constant 0 : i32
        %dma_wait3A_115 = arith.constant 0 : i32
        %dma_wait3A_116 = tpu.memref_slice %arg7[%dma_wait3A_114, %dma_wait3A_115] : memref<2048x288xbf16, #tpu.memory_space<vmem_shared>> -> memref<2048x288xbf16, #tpu.memory_space<vmem_shared>>
        tpu.wait_indirect_dma semaphore(%run_scoped3A : memref<!tpu.dma_semaphore, #tpu.memory_space<semaphore_mem>>) src(%arg12 : memref<128x288xbf16, #tpu.memory_space<vmem>>) dst(%dma_wait3A_116 : memref<2048x288xbf16, #tpu.memory_space<vmem_shared>>)
        tpu.yield
      }) : () -> ()
      %add3A_81 = arith.constant 4 : i32
      %add3A_82 = arith.addi %add3A_74, %add3A_81 : i32
      %lt3A_83 = arith.constant 8 : i32
      %lt3A_84 = arith.cmpi slt, %add3A_82, %lt3A_83 : i32
      %convert_element_type3A_85 = arith.extui %lt3A_84 : i1 to i32
      %cond3A_86 = arith.constant 0 : i32
      %cond3A_87 = arith.cmpi ne, %convert_element_type3A_85, %cond3A_86 : i32
      scf.if %cond3A_87 {
        %dma_start3A_105 = arith.constant 0 : i32
        %dma_start3A_106 = tpu.memref_slice %arg8[%add3A_82, %dma_start3A_105] : memref<8x128xi32, #tpu.memory_space<vmem>> -> memref<1x128xi32, #tpu.memory_space<vmem>>
        %dma_start3A_107 = tpu.memref_squeeze %dma_start3A_106 : memref<1x128xi32, #tpu.memory_space<vmem>> -> memref<128xi32, #tpu.memory_space<vmem>>
        %dma_start3A_108 = arith.constant 0 : i32
        %dma_start3A_109 = arith.constant 0 : i32
        %dma_start3A_110 = tpu.memref_slice %arg2[%dma_start3A_108, %dma_start3A_109] : memref<2048x288xbf16, #tpu.memory_space<hbm>> -> memref<2048x288xbf16, #tpu.memory_space<hbm>>
        tpu.enqueue_indirect_dma source(%dma_start3A_110 : memref<2048x288xbf16, #tpu.memory_space<hbm>>) target(%arg12 : memref<128x288xbf16, #tpu.memory_space<vmem>>) offsets(%dma_start3A_107 : memref<128xi32, #tpu.memory_space<vmem>>) semaphore(%arg16 : memref<!tpu.dma_semaphore, #tpu.memory_space<semaphore_mem>>)
      } else {
      }
      %mul3A_88 = arith.constant 4 : i32
      %mul3A_89 = arith.muli %scan3A_40, %mul3A_88 : i32
      %add3A_90 = arith.constant 3 : i32
      %add3A_91 = arith.addi %mul3A_89, %add3A_90 : i32
      %dma_wait3A_92 = arith.constant 0 : i32
      %dma_wait3A_93 = tpu.memref_slice %arg8[%add3A_91, %dma_wait3A_92] : memref<8x128xi32, #tpu.memory_space<vmem>> -> memref<1x128xi32, #tpu.memory_space<vmem>>
      %dma_wait3A_94 = tpu.memref_squeeze %dma_wait3A_93 : memref<1x128xi32, #tpu.memory_space<vmem>> -> memref<128xi32, #tpu.memory_space<vmem>>
      %dma_wait3A_95 = arith.constant 0 : i32
      %dma_wait3A_96 = arith.constant 0 : i32
      %dma_wait3A_97 = tpu.memref_slice %arg2[%dma_wait3A_95, %dma_wait3A_96] : memref<2048x288xbf16, #tpu.memory_space<hbm>> -> memref<2048x288xbf16, #tpu.memory_space<hbm>>
      tpu.wait_indirect_dma semaphore(%arg17 : memref<!tpu.dma_semaphore, #tpu.memory_space<semaphore_mem>>) src(%dma_wait3A_97 : memref<2048x288xbf16, #tpu.memory_space<hbm>>) dst(%arg13 : memref<128x288xbf16, #tpu.memory_space<vmem>>)
      "tpu.region"() ({
        %run_scoped3A = tpu.sem_alloc : memref<!tpu.dma_semaphore, #tpu.memory_space<semaphore_mem>>
        %dma_start3A_105 = arith.constant 0 : i32
        %dma_start3A_106 = tpu.memref_slice %arg9[%add3A_91, %dma_start3A_105] : memref<8x128xi32, #tpu.memory_space<vmem>> -> memref<1x128xi32, #tpu.memory_space<vmem>>
        %dma_start3A_107 = tpu.memref_squeeze %dma_start3A_106 : memref<1x128xi32, #tpu.memory_space<vmem>> -> memref<128xi32, #tpu.memory_space<vmem>>
        %dma_start3A_108 = arith.constant 0 : i32
        %dma_start3A_109 = arith.constant 0 : i32
        %dma_start3A_110 = tpu.memref_slice %arg7[%dma_start3A_108, %dma_start3A_109] : memref<2048x288xbf16, #tpu.memory_space<vmem_shared>> -> memref<2048x288xbf16, #tpu.memory_space<vmem_shared>>
        tpu.enqueue_indirect_dma source(%arg13 : memref<128x288xbf16, #tpu.memory_space<vmem>>) target(%dma_start3A_110 : memref<2048x288xbf16, #tpu.memory_space<vmem_shared>>) offsets(%dma_start3A_107 : memref<128xi32, #tpu.memory_space<vmem>>) semaphore(%run_scoped3A : memref<!tpu.dma_semaphore, #tpu.memory_space<semaphore_mem>>) {add = true}
        %dma_wait3A_111 = arith.constant 0 : i32
        %dma_wait3A_112 = tpu.memref_slice %arg9[%add3A_91, %dma_wait3A_111] : memref<8x128xi32, #tpu.memory_space<vmem>> -> memref<1x128xi32, #tpu.memory_space<vmem>>
        %dma_wait3A_113 = tpu.memref_squeeze %dma_wait3A_112 : memref<1x128xi32, #tpu.memory_space<vmem>> -> memref<128xi32, #tpu.memory_space<vmem>>
        %dma_wait3A_114 = arith.constant 0 : i32
        %dma_wait3A_115 = arith.constant 0 : i32
        %dma_wait3A_116 = tpu.memref_slice %arg7[%dma_wait3A_114, %dma_wait3A_115] : memref<2048x288xbf16, #tpu.memory_space<vmem_shared>> -> memref<2048x288xbf16, #tpu.memory_space<vmem_shared>>
        tpu.wait_indirect_dma semaphore(%run_scoped3A : memref<!tpu.dma_semaphore, #tpu.memory_space<semaphore_mem>>) src(%arg13 : memref<128x288xbf16, #tpu.memory_space<vmem>>) dst(%dma_wait3A_116 : memref<2048x288xbf16, #tpu.memory_space<vmem_shared>>)
        tpu.yield
      }) : () -> ()
      %add3A_98 = arith.constant 4 : i32
      %add3A_99 = arith.addi %add3A_91, %add3A_98 : i32
      %lt3A_100 = arith.constant 8 : i32
      %lt3A_101 = arith.cmpi slt, %add3A_99, %lt3A_100 : i32
      %convert_element_type3A_102 = arith.extui %lt3A_101 : i1 to i32
      %cond3A_103 = arith.constant 0 : i32
      %cond3A_104 = arith.cmpi ne, %convert_element_type3A_102, %cond3A_103 : i32
      scf.if %cond3A_104 {
        %dma_start3A_105 = arith.constant 0 : i32
        %dma_start3A_106 = tpu.memref_slice %arg8[%add3A_99, %dma_start3A_105] : memref<8x128xi32, #tpu.memory_space<vmem>> -> memref<1x128xi32, #tpu.memory_space<vmem>>
        %dma_start3A_107 = tpu.memref_squeeze %dma_start3A_106 : memref<1x128xi32, #tpu.memory_space<vmem>> -> memref<128xi32, #tpu.memory_space<vmem>>
        %dma_start3A_108 = arith.constant 0 : i32
        %dma_start3A_109 = arith.constant 0 : i32
        %dma_start3A_110 = tpu.memref_slice %arg2[%dma_start3A_108, %dma_start3A_109] : memref<2048x288xbf16, #tpu.memory_space<hbm>> -> memref<2048x288xbf16, #tpu.memory_space<hbm>>
        tpu.enqueue_indirect_dma source(%dma_start3A_110 : memref<2048x288xbf16, #tpu.memory_space<hbm>>) target(%arg13 : memref<128x288xbf16, #tpu.memory_space<vmem>>) offsets(%dma_start3A_107 : memref<128xi32, #tpu.memory_space<vmem>>) semaphore(%arg17 : memref<!tpu.dma_semaphore, #tpu.memory_space<semaphore_mem>>)
      } else {
      }
    }
    %scan3A_34 = arith.constant 2 : i32
    %barrier3A_35 = arith.constant 0 : index
    tpu.barrier barrier_id(%barrier3A_35)
    %mul3A_36 = arith.constant 128 : i32
    %mul3A_37 = arith.muli %arg1, %mul3A_36 : i32
    %mul3A_38 = arith.constant 128 : i32
    %mul3A_39 = arith.muli %arg1, %mul3A_38 : i32
    "tpu.region"() ({
      %run_scoped3A = tpu.sem_alloc : memref<!tpu.dma_semaphore, #tpu.memory_space<semaphore_mem>>
      %dma_start3A_40 = arith.constant 0 : i32
      %dma_start3A_41 = tpu.memref_slice %arg6[%arg0, %mul3A_39, %dma_start3A_40] : memref<2x2048x288xbf16, #tpu.memory_space<hbm>> -> memref<1x128x288xbf16, #tpu.memory_space<hbm>>
      %dma_start3A_42 = tpu.memref_squeeze %dma_start3A_41 : memref<1x128x288xbf16, #tpu.memory_space<hbm>> -> memref<128x288xbf16, #tpu.memory_space<hbm>>
      %dma_start3A_43 = arith.constant 0 : i32
      %dma_start3A_44 = tpu.memref_slice %arg7[%mul3A_37, %dma_start3A_43] : memref<2048x288xbf16, #tpu.memory_space<vmem_shared>> -> memref<128x288xbf16, #tpu.memory_space<vmem_shared>>
      tpu.enqueue_dma source(%dma_start3A_44 : memref<128x288xbf16, #tpu.memory_space<vmem_shared>>) target(%dma_start3A_42 : memref<128x288xbf16, #tpu.memory_space<hbm>>) target_semaphore(%run_scoped3A : memref<!tpu.dma_semaphore, #tpu.memory_space<semaphore_mem>>)
      %dma_wait3A = arith.constant 0 : i32
      %dma_wait3A_45 = tpu.memref_slice %arg6[%arg0, %mul3A_39, %dma_wait3A] : memref<2x2048x288xbf16, #tpu.memory_space<hbm>> -> memref<1x128x288xbf16, #tpu.memory_space<hbm>>
      %dma_wait3A_46 = tpu.memref_squeeze %dma_wait3A_45 : memref<1x128x288xbf16, #tpu.memory_space<hbm>> -> memref<128x288xbf16, #tpu.memory_space<hbm>>
      %dma_wait3A_47 = arith.constant 0 : i32
      %dma_wait3A_48 = tpu.memref_slice %arg7[%mul3A_37, %dma_wait3A_47] : memref<2048x288xbf16, #tpu.memory_space<vmem_shared>> -> memref<128x288xbf16, #tpu.memory_space<vmem_shared>>
      tpu.wait_dma2 semaphore(%run_scoped3A : memref<!tpu.dma_semaphore, #tpu.memory_space<semaphore_mem>>) src(%dma_wait3A_48 : memref<128x288xbf16, #tpu.memory_space<vmem_shared>>) dst(%dma_wait3A_46 : memref<128x288xbf16, #tpu.memory_space<hbm>>)
      tpu.yield
    }) : () -> ()
    return
  }
}

#map = affine_map<(d0, d1) -> (0, 0)>
#map1 = affine_map<(d0, d1) -> (0, 0, 0)>
module attributes {stable_mosaic.version = 14 : i64} {
  func.func @_sc_body(%arg0: i32, %arg1: i32, %arg2: memref<2048x544xbf16, #tpu.memory_space<hbm>>, %arg3: memref<32x16x64xi32, #tpu.memory_space<hbm>>, %arg4: memref<32x16x64xi32, #tpu.memory_space<hbm>>, %arg5: memref<128x544xbf16, #tpu.memory_space<hbm>>, %arg6: memref<2x2048x544xbf16, #tpu.memory_space<hbm>>, %arg7: memref<2048x544xbf16, #tpu.memory_space<vmem_shared>>, %arg8: memref<16x64xi32, #tpu.memory_space<vmem>>, %arg9: memref<16x64xi32, #tpu.memory_space<vmem>>, %arg10: memref<64x544xbf16, #tpu.memory_space<vmem>>, %arg11: memref<64x544xbf16, #tpu.memory_space<vmem>>, %arg12: memref<64x544xbf16, #tpu.memory_space<vmem>>, %arg13: memref<64x544xbf16, #tpu.memory_space<vmem>>, %arg14: memref<!tpu.dma_semaphore, #tpu.memory_space<semaphore_mem>>, %arg15: memref<!tpu.dma_semaphore, #tpu.memory_space<semaphore_mem>>, %arg16: memref<!tpu.dma_semaphore, #tpu.memory_space<semaphore_mem>>, %arg17: memref<!tpu.dma_semaphore, #tpu.memory_space<semaphore_mem>>) attributes {dimension_semantics = [#tpu.dimension_semantics<core_parallel>, #tpu.dimension_semantics<subcore_parallel>], iteration_bounds = array<i64: 2, 16>, scalar_prefetch = 0 : i64, scratch_operands = 11 : i64, tpu.core_type = #tpu.core_type<sc_vector_subcore>, window_params = [{transform_indices = #map}, {transform_indices = #map1}, {transform_indices = #map1}, {transform_indices = #map}, {transform_indices = #map1}]} {
    %mul3A = arith.constant 2 : i32
    %mul3A_0 = arith.muli %arg1, %mul3A : i32
    %add3A = arith.addi %mul3A_0, %arg0 : i32
    "tpu.region"() ({
      %run_scoped3A = tpu.sem_alloc : memref<!tpu.dma_semaphore, #tpu.memory_space<semaphore_mem>>
      %dma_start3A_40 = arith.constant 0 : i32
      %dma_start3A_41 = arith.constant 0 : i32
      %dma_start3A_42 = tpu.memref_slice %arg3[%add3A, %dma_start3A_40, %dma_start3A_41] : memref<32x16x64xi32, #tpu.memory_space<hbm>> -> memref<1x16x64xi32, #tpu.memory_space<hbm>>
      %dma_start3A_43 = tpu.memref_squeeze %dma_start3A_42 : memref<1x16x64xi32, #tpu.memory_space<hbm>> -> memref<16x64xi32, #tpu.memory_space<hbm>>
      %dma_start3A_44 = arith.constant 0 : i32
      %dma_start3A_45 = arith.constant 0 : i32
      %dma_start3A_46 = tpu.memref_slice %arg3[%add3A, %dma_start3A_44, %dma_start3A_45] : memref<32x16x64xi32, #tpu.memory_space<hbm>> -> memref<1x16x64xi32, #tpu.memory_space<hbm>>
      %dma_start3A_47 = tpu.memref_squeeze %dma_start3A_46 : memref<1x16x64xi32, #tpu.memory_space<hbm>> -> memref<16x64xi32, #tpu.memory_space<hbm>>
      tpu.enqueue_dma source(%dma_start3A_47 : memref<16x64xi32, #tpu.memory_space<hbm>>) target(%arg8 : memref<16x64xi32, #tpu.memory_space<vmem>>) target_semaphore(%run_scoped3A : memref<!tpu.dma_semaphore, #tpu.memory_space<semaphore_mem>>)
      %dma_wait3A = arith.constant 0 : i32
      %dma_wait3A_48 = arith.constant 0 : i32
      %dma_wait3A_49 = tpu.memref_slice %arg3[%add3A, %dma_wait3A, %dma_wait3A_48] : memref<32x16x64xi32, #tpu.memory_space<hbm>> -> memref<1x16x64xi32, #tpu.memory_space<hbm>>
      %dma_wait3A_50 = tpu.memref_squeeze %dma_wait3A_49 : memref<1x16x64xi32, #tpu.memory_space<hbm>> -> memref<16x64xi32, #tpu.memory_space<hbm>>
      %dma_wait3A_51 = arith.constant 0 : i32
      %dma_wait3A_52 = arith.constant 0 : i32
      %dma_wait3A_53 = tpu.memref_slice %arg3[%add3A, %dma_wait3A_51, %dma_wait3A_52] : memref<32x16x64xi32, #tpu.memory_space<hbm>> -> memref<1x16x64xi32, #tpu.memory_space<hbm>>
      %dma_wait3A_54 = tpu.memref_squeeze %dma_wait3A_53 : memref<1x16x64xi32, #tpu.memory_space<hbm>> -> memref<16x64xi32, #tpu.memory_space<hbm>>
      tpu.wait_dma2 semaphore(%run_scoped3A : memref<!tpu.dma_semaphore, #tpu.memory_space<semaphore_mem>>) src(%dma_wait3A_54 : memref<16x64xi32, #tpu.memory_space<hbm>>) dst(%arg8 : memref<16x64xi32, #tpu.memory_space<vmem>>)
      tpu.yield
    }) : () -> ()
    "tpu.region"() ({
      %run_scoped3A = tpu.sem_alloc : memref<!tpu.dma_semaphore, #tpu.memory_space<semaphore_mem>>
      %dma_start3A_40 = arith.constant 0 : i32
      %dma_start3A_41 = arith.constant 0 : i32
      %dma_start3A_42 = tpu.memref_slice %arg4[%add3A, %dma_start3A_40, %dma_start3A_41] : memref<32x16x64xi32, #tpu.memory_space<hbm>> -> memref<1x16x64xi32, #tpu.memory_space<hbm>>
      %dma_start3A_43 = tpu.memref_squeeze %dma_start3A_42 : memref<1x16x64xi32, #tpu.memory_space<hbm>> -> memref<16x64xi32, #tpu.memory_space<hbm>>
      %dma_start3A_44 = arith.constant 0 : i32
      %dma_start3A_45 = arith.constant 0 : i32
      %dma_start3A_46 = tpu.memref_slice %arg4[%add3A, %dma_start3A_44, %dma_start3A_45] : memref<32x16x64xi32, #tpu.memory_space<hbm>> -> memref<1x16x64xi32, #tpu.memory_space<hbm>>
      %dma_start3A_47 = tpu.memref_squeeze %dma_start3A_46 : memref<1x16x64xi32, #tpu.memory_space<hbm>> -> memref<16x64xi32, #tpu.memory_space<hbm>>
      tpu.enqueue_dma source(%dma_start3A_47 : memref<16x64xi32, #tpu.memory_space<hbm>>) target(%arg9 : memref<16x64xi32, #tpu.memory_space<vmem>>) target_semaphore(%run_scoped3A : memref<!tpu.dma_semaphore, #tpu.memory_space<semaphore_mem>>)
      %dma_wait3A = arith.constant 0 : i32
      %dma_wait3A_48 = arith.constant 0 : i32
      %dma_wait3A_49 = tpu.memref_slice %arg4[%add3A, %dma_wait3A, %dma_wait3A_48] : memref<32x16x64xi32, #tpu.memory_space<hbm>> -> memref<1x16x64xi32, #tpu.memory_space<hbm>>
      %dma_wait3A_50 = tpu.memref_squeeze %dma_wait3A_49 : memref<1x16x64xi32, #tpu.memory_space<hbm>> -> memref<16x64xi32, #tpu.memory_space<hbm>>
      %dma_wait3A_51 = arith.constant 0 : i32
      %dma_wait3A_52 = arith.constant 0 : i32
      %dma_wait3A_53 = tpu.memref_slice %arg4[%add3A, %dma_wait3A_51, %dma_wait3A_52] : memref<32x16x64xi32, #tpu.memory_space<hbm>> -> memref<1x16x64xi32, #tpu.memory_space<hbm>>
      %dma_wait3A_54 = tpu.memref_squeeze %dma_wait3A_53 : memref<1x16x64xi32, #tpu.memory_space<hbm>> -> memref<16x64xi32, #tpu.memory_space<hbm>>
      tpu.wait_dma2 semaphore(%run_scoped3A : memref<!tpu.dma_semaphore, #tpu.memory_space<semaphore_mem>>) src(%dma_wait3A_54 : memref<16x64xi32, #tpu.memory_space<hbm>>) dst(%arg9 : memref<16x64xi32, #tpu.memory_space<vmem>>)
      tpu.yield
    }) : () -> ()
    %mul3A_1 = arith.constant 128 : i32
    %mul3A_2 = arith.muli %arg1, %mul3A_1 : i32
    "tpu.region"() ({
      %run_scoped3A = tpu.sem_alloc : memref<!tpu.dma_semaphore, #tpu.memory_space<semaphore_mem>>
      %dma_start3A_40 = arith.constant 0 : i32
      %dma_start3A_41 = tpu.memref_slice %arg7[%mul3A_2, %dma_start3A_40] : memref<2048x544xbf16, #tpu.memory_space<vmem_shared>> -> memref<128x544xbf16, #tpu.memory_space<vmem_shared>>
      tpu.enqueue_dma source(%arg5 : memref<128x544xbf16, #tpu.memory_space<hbm>>) target(%dma_start3A_41 : memref<128x544xbf16, #tpu.memory_space<vmem_shared>>) target_semaphore(%run_scoped3A : memref<!tpu.dma_semaphore, #tpu.memory_space<semaphore_mem>>)
      %dma_wait3A = arith.constant 0 : i32
      %dma_wait3A_42 = tpu.memref_slice %arg7[%mul3A_2, %dma_wait3A] : memref<2048x544xbf16, #tpu.memory_space<vmem_shared>> -> memref<128x544xbf16, #tpu.memory_space<vmem_shared>>
      tpu.wait_dma2 semaphore(%run_scoped3A : memref<!tpu.dma_semaphore, #tpu.memory_space<semaphore_mem>>) src(%arg5 : memref<128x544xbf16, #tpu.memory_space<hbm>>) dst(%dma_wait3A_42 : memref<128x544xbf16, #tpu.memory_space<vmem_shared>>)
      tpu.yield
    }) : () -> ()
    %barrier3A = arith.constant 0 : index
    tpu.barrier barrier_id(%barrier3A)
    %dma_start3A = arith.constant 0 : i32
    %dma_start3A_3 = arith.constant 0 : i32
    %dma_start3A_4 = tpu.memref_slice %arg8[%dma_start3A, %dma_start3A_3] : memref<16x64xi32, #tpu.memory_space<vmem>> -> memref<1x64xi32, #tpu.memory_space<vmem>>
    %dma_start3A_5 = tpu.memref_squeeze %dma_start3A_4 : memref<1x64xi32, #tpu.memory_space<vmem>> -> memref<64xi32, #tpu.memory_space<vmem>>
    %dma_start3A_6 = arith.constant 0 : i32
    %dma_start3A_7 = arith.constant 0 : i32
    %dma_start3A_8 = tpu.memref_slice %arg2[%dma_start3A_6, %dma_start3A_7] : memref<2048x544xbf16, #tpu.memory_space<hbm>> -> memref<2048x544xbf16, #tpu.memory_space<hbm>>
    tpu.enqueue_indirect_dma source(%dma_start3A_8 : memref<2048x544xbf16, #tpu.memory_space<hbm>>) target(%arg10 : memref<64x544xbf16, #tpu.memory_space<vmem>>) offsets(%dma_start3A_5 : memref<64xi32, #tpu.memory_space<vmem>>) semaphore(%arg14 : memref<!tpu.dma_semaphore, #tpu.memory_space<semaphore_mem>>)
    %dma_start3A_9 = arith.constant 1 : i32
    %dma_start3A_10 = arith.constant 0 : i32
    %dma_start3A_11 = tpu.memref_slice %arg8[%dma_start3A_9, %dma_start3A_10] : memref<16x64xi32, #tpu.memory_space<vmem>> -> memref<1x64xi32, #tpu.memory_space<vmem>>
    %dma_start3A_12 = tpu.memref_squeeze %dma_start3A_11 : memref<1x64xi32, #tpu.memory_space<vmem>> -> memref<64xi32, #tpu.memory_space<vmem>>
    %dma_start3A_13 = arith.constant 0 : i32
    %dma_start3A_14 = arith.constant 0 : i32
    %dma_start3A_15 = tpu.memref_slice %arg2[%dma_start3A_13, %dma_start3A_14] : memref<2048x544xbf16, #tpu.memory_space<hbm>> -> memref<2048x544xbf16, #tpu.memory_space<hbm>>
    tpu.enqueue_indirect_dma source(%dma_start3A_15 : memref<2048x544xbf16, #tpu.memory_space<hbm>>) target(%arg11 : memref<64x544xbf16, #tpu.memory_space<vmem>>) offsets(%dma_start3A_12 : memref<64xi32, #tpu.memory_space<vmem>>) semaphore(%arg15 : memref<!tpu.dma_semaphore, #tpu.memory_space<semaphore_mem>>)
    %dma_start3A_16 = arith.constant 2 : i32
    %dma_start3A_17 = arith.constant 0 : i32
    %dma_start3A_18 = tpu.memref_slice %arg8[%dma_start3A_16, %dma_start3A_17] : memref<16x64xi32, #tpu.memory_space<vmem>> -> memref<1x64xi32, #tpu.memory_space<vmem>>
    %dma_start3A_19 = tpu.memref_squeeze %dma_start3A_18 : memref<1x64xi32, #tpu.memory_space<vmem>> -> memref<64xi32, #tpu.memory_space<vmem>>
    %dma_start3A_20 = arith.constant 0 : i32
    %dma_start3A_21 = arith.constant 0 : i32
    %dma_start3A_22 = tpu.memref_slice %arg2[%dma_start3A_20, %dma_start3A_21] : memref<2048x544xbf16, #tpu.memory_space<hbm>> -> memref<2048x544xbf16, #tpu.memory_space<hbm>>
    tpu.enqueue_indirect_dma source(%dma_start3A_22 : memref<2048x544xbf16, #tpu.memory_space<hbm>>) target(%arg12 : memref<64x544xbf16, #tpu.memory_space<vmem>>) offsets(%dma_start3A_19 : memref<64xi32, #tpu.memory_space<vmem>>) semaphore(%arg16 : memref<!tpu.dma_semaphore, #tpu.memory_space<semaphore_mem>>)
    %dma_start3A_23 = arith.constant 3 : i32
    %dma_start3A_24 = arith.constant 0 : i32
    %dma_start3A_25 = tpu.memref_slice %arg8[%dma_start3A_23, %dma_start3A_24] : memref<16x64xi32, #tpu.memory_space<vmem>> -> memref<1x64xi32, #tpu.memory_space<vmem>>
    %dma_start3A_26 = tpu.memref_squeeze %dma_start3A_25 : memref<1x64xi32, #tpu.memory_space<vmem>> -> memref<64xi32, #tpu.memory_space<vmem>>
    %dma_start3A_27 = arith.constant 0 : i32
    %dma_start3A_28 = arith.constant 0 : i32
    %dma_start3A_29 = tpu.memref_slice %arg2[%dma_start3A_27, %dma_start3A_28] : memref<2048x544xbf16, #tpu.memory_space<hbm>> -> memref<2048x544xbf16, #tpu.memory_space<hbm>>
    tpu.enqueue_indirect_dma source(%dma_start3A_29 : memref<2048x544xbf16, #tpu.memory_space<hbm>>) target(%arg13 : memref<64x544xbf16, #tpu.memory_space<vmem>>) offsets(%dma_start3A_26 : memref<64xi32, #tpu.memory_space<vmem>>) semaphore(%arg17 : memref<!tpu.dma_semaphore, #tpu.memory_space<semaphore_mem>>)
    %scan3A = arith.constant 0 : i32
    %scan3A_30 = arith.constant 0 : i32
    %scan3A_31 = arith.constant 4 : i32
    %scan3A_32 = arith.addi %scan3A_30, %scan3A_31 : i32
    %scan3A_33 = arith.constant 1 : i32
    scf.for %scan3A_40 = %scan3A_30 to %scan3A_32 step %scan3A_33  : i32 {
      %mul3A_41 = arith.constant 4 : i32
      %mul3A_42 = arith.muli %scan3A_40, %mul3A_41 : i32
      %add3A_43 = arith.constant 0 : i32
      %add3A_44 = arith.addi %mul3A_42, %add3A_43 : i32
      %dma_wait3A = arith.constant 0 : i32
      %dma_wait3A_45 = tpu.memref_slice %arg8[%add3A_44, %dma_wait3A] : memref<16x64xi32, #tpu.memory_space<vmem>> -> memref<1x64xi32, #tpu.memory_space<vmem>>
      %dma_wait3A_46 = tpu.memref_squeeze %dma_wait3A_45 : memref<1x64xi32, #tpu.memory_space<vmem>> -> memref<64xi32, #tpu.memory_space<vmem>>
      %dma_wait3A_47 = arith.constant 0 : i32
      %dma_wait3A_48 = arith.constant 0 : i32
      %dma_wait3A_49 = tpu.memref_slice %arg2[%dma_wait3A_47, %dma_wait3A_48] : memref<2048x544xbf16, #tpu.memory_space<hbm>> -> memref<2048x544xbf16, #tpu.memory_space<hbm>>
      tpu.wait_indirect_dma semaphore(%arg14 : memref<!tpu.dma_semaphore, #tpu.memory_space<semaphore_mem>>) src(%dma_wait3A_49 : memref<2048x544xbf16, #tpu.memory_space<hbm>>) dst(%arg10 : memref<64x544xbf16, #tpu.memory_space<vmem>>)
      "tpu.region"() ({
        %run_scoped3A = tpu.sem_alloc : memref<!tpu.dma_semaphore, #tpu.memory_space<semaphore_mem>>
        %dma_start3A_105 = arith.constant 0 : i32
        %dma_start3A_106 = tpu.memref_slice %arg9[%add3A_44, %dma_start3A_105] : memref<16x64xi32, #tpu.memory_space<vmem>> -> memref<1x64xi32, #tpu.memory_space<vmem>>
        %dma_start3A_107 = tpu.memref_squeeze %dma_start3A_106 : memref<1x64xi32, #tpu.memory_space<vmem>> -> memref<64xi32, #tpu.memory_space<vmem>>
        %dma_start3A_108 = arith.constant 0 : i32
        %dma_start3A_109 = arith.constant 0 : i32
        %dma_start3A_110 = tpu.memref_slice %arg7[%dma_start3A_108, %dma_start3A_109] : memref<2048x544xbf16, #tpu.memory_space<vmem_shared>> -> memref<2048x544xbf16, #tpu.memory_space<vmem_shared>>
        tpu.enqueue_indirect_dma source(%arg10 : memref<64x544xbf16, #tpu.memory_space<vmem>>) target(%dma_start3A_110 : memref<2048x544xbf16, #tpu.memory_space<vmem_shared>>) offsets(%dma_start3A_107 : memref<64xi32, #tpu.memory_space<vmem>>) semaphore(%run_scoped3A : memref<!tpu.dma_semaphore, #tpu.memory_space<semaphore_mem>>) {add = true}
        %dma_wait3A_111 = arith.constant 0 : i32
        %dma_wait3A_112 = tpu.memref_slice %arg9[%add3A_44, %dma_wait3A_111] : memref<16x64xi32, #tpu.memory_space<vmem>> -> memref<1x64xi32, #tpu.memory_space<vmem>>
        %dma_wait3A_113 = tpu.memref_squeeze %dma_wait3A_112 : memref<1x64xi32, #tpu.memory_space<vmem>> -> memref<64xi32, #tpu.memory_space<vmem>>
        %dma_wait3A_114 = arith.constant 0 : i32
        %dma_wait3A_115 = arith.constant 0 : i32
        %dma_wait3A_116 = tpu.memref_slice %arg7[%dma_wait3A_114, %dma_wait3A_115] : memref<2048x544xbf16, #tpu.memory_space<vmem_shared>> -> memref<2048x544xbf16, #tpu.memory_space<vmem_shared>>
        tpu.wait_indirect_dma semaphore(%run_scoped3A : memref<!tpu.dma_semaphore, #tpu.memory_space<semaphore_mem>>) src(%arg10 : memref<64x544xbf16, #tpu.memory_space<vmem>>) dst(%dma_wait3A_116 : memref<2048x544xbf16, #tpu.memory_space<vmem_shared>>)
        tpu.yield
      }) : () -> ()
      %add3A_50 = arith.constant 4 : i32
      %add3A_51 = arith.addi %add3A_44, %add3A_50 : i32
      %lt3A = arith.constant 16 : i32
      %lt3A_52 = arith.cmpi slt, %add3A_51, %lt3A : i32
      %convert_element_type3A = arith.extui %lt3A_52 : i1 to i32
      %cond3A = arith.constant 0 : i32
      %cond3A_53 = arith.cmpi ne, %convert_element_type3A, %cond3A : i32
      scf.if %cond3A_53 {
        %dma_start3A_105 = arith.constant 0 : i32
        %dma_start3A_106 = tpu.memref_slice %arg8[%add3A_51, %dma_start3A_105] : memref<16x64xi32, #tpu.memory_space<vmem>> -> memref<1x64xi32, #tpu.memory_space<vmem>>
        %dma_start3A_107 = tpu.memref_squeeze %dma_start3A_106 : memref<1x64xi32, #tpu.memory_space<vmem>> -> memref<64xi32, #tpu.memory_space<vmem>>
        %dma_start3A_108 = arith.constant 0 : i32
        %dma_start3A_109 = arith.constant 0 : i32
        %dma_start3A_110 = tpu.memref_slice %arg2[%dma_start3A_108, %dma_start3A_109] : memref<2048x544xbf16, #tpu.memory_space<hbm>> -> memref<2048x544xbf16, #tpu.memory_space<hbm>>
        tpu.enqueue_indirect_dma source(%dma_start3A_110 : memref<2048x544xbf16, #tpu.memory_space<hbm>>) target(%arg10 : memref<64x544xbf16, #tpu.memory_space<vmem>>) offsets(%dma_start3A_107 : memref<64xi32, #tpu.memory_space<vmem>>) semaphore(%arg14 : memref<!tpu.dma_semaphore, #tpu.memory_space<semaphore_mem>>)
      } else {
      }
      %mul3A_54 = arith.constant 4 : i32
      %mul3A_55 = arith.muli %scan3A_40, %mul3A_54 : i32
      %add3A_56 = arith.constant 1 : i32
      %add3A_57 = arith.addi %mul3A_55, %add3A_56 : i32
      %dma_wait3A_58 = arith.constant 0 : i32
      %dma_wait3A_59 = tpu.memref_slice %arg8[%add3A_57, %dma_wait3A_58] : memref<16x64xi32, #tpu.memory_space<vmem>> -> memref<1x64xi32, #tpu.memory_space<vmem>>
      %dma_wait3A_60 = tpu.memref_squeeze %dma_wait3A_59 : memref<1x64xi32, #tpu.memory_space<vmem>> -> memref<64xi32, #tpu.memory_space<vmem>>
      %dma_wait3A_61 = arith.constant 0 : i32
      %dma_wait3A_62 = arith.constant 0 : i32
      %dma_wait3A_63 = tpu.memref_slice %arg2[%dma_wait3A_61, %dma_wait3A_62] : memref<2048x544xbf16, #tpu.memory_space<hbm>> -> memref<2048x544xbf16, #tpu.memory_space<hbm>>
      tpu.wait_indirect_dma semaphore(%arg15 : memref<!tpu.dma_semaphore, #tpu.memory_space<semaphore_mem>>) src(%dma_wait3A_63 : memref<2048x544xbf16, #tpu.memory_space<hbm>>) dst(%arg11 : memref<64x544xbf16, #tpu.memory_space<vmem>>)
      "tpu.region"() ({
        %run_scoped3A = tpu.sem_alloc : memref<!tpu.dma_semaphore, #tpu.memory_space<semaphore_mem>>
        %dma_start3A_105 = arith.constant 0 : i32
        %dma_start3A_106 = tpu.memref_slice %arg9[%add3A_57, %dma_start3A_105] : memref<16x64xi32, #tpu.memory_space<vmem>> -> memref<1x64xi32, #tpu.memory_space<vmem>>
        %dma_start3A_107 = tpu.memref_squeeze %dma_start3A_106 : memref<1x64xi32, #tpu.memory_space<vmem>> -> memref<64xi32, #tpu.memory_space<vmem>>
        %dma_start3A_108 = arith.constant 0 : i32
        %dma_start3A_109 = arith.constant 0 : i32
        %dma_start3A_110 = tpu.memref_slice %arg7[%dma_start3A_108, %dma_start3A_109] : memref<2048x544xbf16, #tpu.memory_space<vmem_shared>> -> memref<2048x544xbf16, #tpu.memory_space<vmem_shared>>
        tpu.enqueue_indirect_dma source(%arg11 : memref<64x544xbf16, #tpu.memory_space<vmem>>) target(%dma_start3A_110 : memref<2048x544xbf16, #tpu.memory_space<vmem_shared>>) offsets(%dma_start3A_107 : memref<64xi32, #tpu.memory_space<vmem>>) semaphore(%run_scoped3A : memref<!tpu.dma_semaphore, #tpu.memory_space<semaphore_mem>>) {add = true}
        %dma_wait3A_111 = arith.constant 0 : i32
        %dma_wait3A_112 = tpu.memref_slice %arg9[%add3A_57, %dma_wait3A_111] : memref<16x64xi32, #tpu.memory_space<vmem>> -> memref<1x64xi32, #tpu.memory_space<vmem>>
        %dma_wait3A_113 = tpu.memref_squeeze %dma_wait3A_112 : memref<1x64xi32, #tpu.memory_space<vmem>> -> memref<64xi32, #tpu.memory_space<vmem>>
        %dma_wait3A_114 = arith.constant 0 : i32
        %dma_wait3A_115 = arith.constant 0 : i32
        %dma_wait3A_116 = tpu.memref_slice %arg7[%dma_wait3A_114, %dma_wait3A_115] : memref<2048x544xbf16, #tpu.memory_space<vmem_shared>> -> memref<2048x544xbf16, #tpu.memory_space<vmem_shared>>
        tpu.wait_indirect_dma semaphore(%run_scoped3A : memref<!tpu.dma_semaphore, #tpu.memory_space<semaphore_mem>>) src(%arg11 : memref<64x544xbf16, #tpu.memory_space<vmem>>) dst(%dma_wait3A_116 : memref<2048x544xbf16, #tpu.memory_space<vmem_shared>>)
        tpu.yield
      }) : () -> ()
      %add3A_64 = arith.constant 4 : i32
      %add3A_65 = arith.addi %add3A_57, %add3A_64 : i32
      %lt3A_66 = arith.constant 16 : i32
      %lt3A_67 = arith.cmpi slt, %add3A_65, %lt3A_66 : i32
      %convert_element_type3A_68 = arith.extui %lt3A_67 : i1 to i32
      %cond3A_69 = arith.constant 0 : i32
      %cond3A_70 = arith.cmpi ne, %convert_element_type3A_68, %cond3A_69 : i32
      scf.if %cond3A_70 {
        %dma_start3A_105 = arith.constant 0 : i32
        %dma_start3A_106 = tpu.memref_slice %arg8[%add3A_65, %dma_start3A_105] : memref<16x64xi32, #tpu.memory_space<vmem>> -> memref<1x64xi32, #tpu.memory_space<vmem>>
        %dma_start3A_107 = tpu.memref_squeeze %dma_start3A_106 : memref<1x64xi32, #tpu.memory_space<vmem>> -> memref<64xi32, #tpu.memory_space<vmem>>
        %dma_start3A_108 = arith.constant 0 : i32
        %dma_start3A_109 = arith.constant 0 : i32
        %dma_start3A_110 = tpu.memref_slice %arg2[%dma_start3A_108, %dma_start3A_109] : memref<2048x544xbf16, #tpu.memory_space<hbm>> -> memref<2048x544xbf16, #tpu.memory_space<hbm>>
        tpu.enqueue_indirect_dma source(%dma_start3A_110 : memref<2048x544xbf16, #tpu.memory_space<hbm>>) target(%arg11 : memref<64x544xbf16, #tpu.memory_space<vmem>>) offsets(%dma_start3A_107 : memref<64xi32, #tpu.memory_space<vmem>>) semaphore(%arg15 : memref<!tpu.dma_semaphore, #tpu.memory_space<semaphore_mem>>)
      } else {
      }
      %mul3A_71 = arith.constant 4 : i32
      %mul3A_72 = arith.muli %scan3A_40, %mul3A_71 : i32
      %add3A_73 = arith.constant 2 : i32
      %add3A_74 = arith.addi %mul3A_72, %add3A_73 : i32
      %dma_wait3A_75 = arith.constant 0 : i32
      %dma_wait3A_76 = tpu.memref_slice %arg8[%add3A_74, %dma_wait3A_75] : memref<16x64xi32, #tpu.memory_space<vmem>> -> memref<1x64xi32, #tpu.memory_space<vmem>>
      %dma_wait3A_77 = tpu.memref_squeeze %dma_wait3A_76 : memref<1x64xi32, #tpu.memory_space<vmem>> -> memref<64xi32, #tpu.memory_space<vmem>>
      %dma_wait3A_78 = arith.constant 0 : i32
      %dma_wait3A_79 = arith.constant 0 : i32
      %dma_wait3A_80 = tpu.memref_slice %arg2[%dma_wait3A_78, %dma_wait3A_79] : memref<2048x544xbf16, #tpu.memory_space<hbm>> -> memref<2048x544xbf16, #tpu.memory_space<hbm>>
      tpu.wait_indirect_dma semaphore(%arg16 : memref<!tpu.dma_semaphore, #tpu.memory_space<semaphore_mem>>) src(%dma_wait3A_80 : memref<2048x544xbf16, #tpu.memory_space<hbm>>) dst(%arg12 : memref<64x544xbf16, #tpu.memory_space<vmem>>)
      "tpu.region"() ({
        %run_scoped3A = tpu.sem_alloc : memref<!tpu.dma_semaphore, #tpu.memory_space<semaphore_mem>>
        %dma_start3A_105 = arith.constant 0 : i32
        %dma_start3A_106 = tpu.memref_slice %arg9[%add3A_74, %dma_start3A_105] : memref<16x64xi32, #tpu.memory_space<vmem>> -> memref<1x64xi32, #tpu.memory_space<vmem>>
        %dma_start3A_107 = tpu.memref_squeeze %dma_start3A_106 : memref<1x64xi32, #tpu.memory_space<vmem>> -> memref<64xi32, #tpu.memory_space<vmem>>
        %dma_start3A_108 = arith.constant 0 : i32
        %dma_start3A_109 = arith.constant 0 : i32
        %dma_start3A_110 = tpu.memref_slice %arg7[%dma_start3A_108, %dma_start3A_109] : memref<2048x544xbf16, #tpu.memory_space<vmem_shared>> -> memref<2048x544xbf16, #tpu.memory_space<vmem_shared>>
        tpu.enqueue_indirect_dma source(%arg12 : memref<64x544xbf16, #tpu.memory_space<vmem>>) target(%dma_start3A_110 : memref<2048x544xbf16, #tpu.memory_space<vmem_shared>>) offsets(%dma_start3A_107 : memref<64xi32, #tpu.memory_space<vmem>>) semaphore(%run_scoped3A : memref<!tpu.dma_semaphore, #tpu.memory_space<semaphore_mem>>) {add = true}
        %dma_wait3A_111 = arith.constant 0 : i32
        %dma_wait3A_112 = tpu.memref_slice %arg9[%add3A_74, %dma_wait3A_111] : memref<16x64xi32, #tpu.memory_space<vmem>> -> memref<1x64xi32, #tpu.memory_space<vmem>>
        %dma_wait3A_113 = tpu.memref_squeeze %dma_wait3A_112 : memref<1x64xi32, #tpu.memory_space<vmem>> -> memref<64xi32, #tpu.memory_space<vmem>>
        %dma_wait3A_114 = arith.constant 0 : i32
        %dma_wait3A_115 = arith.constant 0 : i32
        %dma_wait3A_116 = tpu.memref_slice %arg7[%dma_wait3A_114, %dma_wait3A_115] : memref<2048x544xbf16, #tpu.memory_space<vmem_shared>> -> memref<2048x544xbf16, #tpu.memory_space<vmem_shared>>
        tpu.wait_indirect_dma semaphore(%run_scoped3A : memref<!tpu.dma_semaphore, #tpu.memory_space<semaphore_mem>>) src(%arg12 : memref<64x544xbf16, #tpu.memory_space<vmem>>) dst(%dma_wait3A_116 : memref<2048x544xbf16, #tpu.memory_space<vmem_shared>>)
        tpu.yield
      }) : () -> ()
      %add3A_81 = arith.constant 4 : i32
      %add3A_82 = arith.addi %add3A_74, %add3A_81 : i32
      %lt3A_83 = arith.constant 16 : i32
      %lt3A_84 = arith.cmpi slt, %add3A_82, %lt3A_83 : i32
      %convert_element_type3A_85 = arith.extui %lt3A_84 : i1 to i32
      %cond3A_86 = arith.constant 0 : i32
      %cond3A_87 = arith.cmpi ne, %convert_element_type3A_85, %cond3A_86 : i32
      scf.if %cond3A_87 {
        %dma_start3A_105 = arith.constant 0 : i32
        %dma_start3A_106 = tpu.memref_slice %arg8[%add3A_82, %dma_start3A_105] : memref<16x64xi32, #tpu.memory_space<vmem>> -> memref<1x64xi32, #tpu.memory_space<vmem>>
        %dma_start3A_107 = tpu.memref_squeeze %dma_start3A_106 : memref<1x64xi32, #tpu.memory_space<vmem>> -> memref<64xi32, #tpu.memory_space<vmem>>
        %dma_start3A_108 = arith.constant 0 : i32
        %dma_start3A_109 = arith.constant 0 : i32
        %dma_start3A_110 = tpu.memref_slice %arg2[%dma_start3A_108, %dma_start3A_109] : memref<2048x544xbf16, #tpu.memory_space<hbm>> -> memref<2048x544xbf16, #tpu.memory_space<hbm>>
        tpu.enqueue_indirect_dma source(%dma_start3A_110 : memref<2048x544xbf16, #tpu.memory_space<hbm>>) target(%arg12 : memref<64x544xbf16, #tpu.memory_space<vmem>>) offsets(%dma_start3A_107 : memref<64xi32, #tpu.memory_space<vmem>>) semaphore(%arg16 : memref<!tpu.dma_semaphore, #tpu.memory_space<semaphore_mem>>)
      } else {
      }
      %mul3A_88 = arith.constant 4 : i32
      %mul3A_89 = arith.muli %scan3A_40, %mul3A_88 : i32
      %add3A_90 = arith.constant 3 : i32
      %add3A_91 = arith.addi %mul3A_89, %add3A_90 : i32
      %dma_wait3A_92 = arith.constant 0 : i32
      %dma_wait3A_93 = tpu.memref_slice %arg8[%add3A_91, %dma_wait3A_92] : memref<16x64xi32, #tpu.memory_space<vmem>> -> memref<1x64xi32, #tpu.memory_space<vmem>>
      %dma_wait3A_94 = tpu.memref_squeeze %dma_wait3A_93 : memref<1x64xi32, #tpu.memory_space<vmem>> -> memref<64xi32, #tpu.memory_space<vmem>>
      %dma_wait3A_95 = arith.constant 0 : i32
      %dma_wait3A_96 = arith.constant 0 : i32
      %dma_wait3A_97 = tpu.memref_slice %arg2[%dma_wait3A_95, %dma_wait3A_96] : memref<2048x544xbf16, #tpu.memory_space<hbm>> -> memref<2048x544xbf16, #tpu.memory_space<hbm>>
      tpu.wait_indirect_dma semaphore(%arg17 : memref<!tpu.dma_semaphore, #tpu.memory_space<semaphore_mem>>) src(%dma_wait3A_97 : memref<2048x544xbf16, #tpu.memory_space<hbm>>) dst(%arg13 : memref<64x544xbf16, #tpu.memory_space<vmem>>)
      "tpu.region"() ({
        %run_scoped3A = tpu.sem_alloc : memref<!tpu.dma_semaphore, #tpu.memory_space<semaphore_mem>>
        %dma_start3A_105 = arith.constant 0 : i32
        %dma_start3A_106 = tpu.memref_slice %arg9[%add3A_91, %dma_start3A_105] : memref<16x64xi32, #tpu.memory_space<vmem>> -> memref<1x64xi32, #tpu.memory_space<vmem>>
        %dma_start3A_107 = tpu.memref_squeeze %dma_start3A_106 : memref<1x64xi32, #tpu.memory_space<vmem>> -> memref<64xi32, #tpu.memory_space<vmem>>
        %dma_start3A_108 = arith.constant 0 : i32
        %dma_start3A_109 = arith.constant 0 : i32
        %dma_start3A_110 = tpu.memref_slice %arg7[%dma_start3A_108, %dma_start3A_109] : memref<2048x544xbf16, #tpu.memory_space<vmem_shared>> -> memref<2048x544xbf16, #tpu.memory_space<vmem_shared>>
        tpu.enqueue_indirect_dma source(%arg13 : memref<64x544xbf16, #tpu.memory_space<vmem>>) target(%dma_start3A_110 : memref<2048x544xbf16, #tpu.memory_space<vmem_shared>>) offsets(%dma_start3A_107 : memref<64xi32, #tpu.memory_space<vmem>>) semaphore(%run_scoped3A : memref<!tpu.dma_semaphore, #tpu.memory_space<semaphore_mem>>) {add = true}
        %dma_wait3A_111 = arith.constant 0 : i32
        %dma_wait3A_112 = tpu.memref_slice %arg9[%add3A_91, %dma_wait3A_111] : memref<16x64xi32, #tpu.memory_space<vmem>> -> memref<1x64xi32, #tpu.memory_space<vmem>>
        %dma_wait3A_113 = tpu.memref_squeeze %dma_wait3A_112 : memref<1x64xi32, #tpu.memory_space<vmem>> -> memref<64xi32, #tpu.memory_space<vmem>>
        %dma_wait3A_114 = arith.constant 0 : i32
        %dma_wait3A_115 = arith.constant 0 : i32
        %dma_wait3A_116 = tpu.memref_slice %arg7[%dma_wait3A_114, %dma_wait3A_115] : memref<2048x544xbf16, #tpu.memory_space<vmem_shared>> -> memref<2048x544xbf16, #tpu.memory_space<vmem_shared>>
        tpu.wait_indirect_dma semaphore(%run_scoped3A : memref<!tpu.dma_semaphore, #tpu.memory_space<semaphore_mem>>) src(%arg13 : memref<64x544xbf16, #tpu.memory_space<vmem>>) dst(%dma_wait3A_116 : memref<2048x544xbf16, #tpu.memory_space<vmem_shared>>)
        tpu.yield
      }) : () -> ()
      %add3A_98 = arith.constant 4 : i32
      %add3A_99 = arith.addi %add3A_91, %add3A_98 : i32
      %lt3A_100 = arith.constant 16 : i32
      %lt3A_101 = arith.cmpi slt, %add3A_99, %lt3A_100 : i32
      %convert_element_type3A_102 = arith.extui %lt3A_101 : i1 to i32
      %cond3A_103 = arith.constant 0 : i32
      %cond3A_104 = arith.cmpi ne, %convert_element_type3A_102, %cond3A_103 : i32
      scf.if %cond3A_104 {
        %dma_start3A_105 = arith.constant 0 : i32
        %dma_start3A_106 = tpu.memref_slice %arg8[%add3A_99, %dma_start3A_105] : memref<16x64xi32, #tpu.memory_space<vmem>> -> memref<1x64xi32, #tpu.memory_space<vmem>>
        %dma_start3A_107 = tpu.memref_squeeze %dma_start3A_106 : memref<1x64xi32, #tpu.memory_space<vmem>> -> memref<64xi32, #tpu.memory_space<vmem>>
        %dma_start3A_108 = arith.constant 0 : i32
        %dma_start3A_109 = arith.constant 0 : i32
        %dma_start3A_110 = tpu.memref_slice %arg2[%dma_start3A_108, %dma_start3A_109] : memref<2048x544xbf16, #tpu.memory_space<hbm>> -> memref<2048x544xbf16, #tpu.memory_space<hbm>>
        tpu.enqueue_indirect_dma source(%dma_start3A_110 : memref<2048x544xbf16, #tpu.memory_space<hbm>>) target(%arg13 : memref<64x544xbf16, #tpu.memory_space<vmem>>) offsets(%dma_start3A_107 : memref<64xi32, #tpu.memory_space<vmem>>) semaphore(%arg17 : memref<!tpu.dma_semaphore, #tpu.memory_space<semaphore_mem>>)
      } else {
      }
    }
    %scan3A_34 = arith.constant 4 : i32
    %barrier3A_35 = arith.constant 0 : index
    tpu.barrier barrier_id(%barrier3A_35)
    %mul3A_36 = arith.constant 128 : i32
    %mul3A_37 = arith.muli %arg1, %mul3A_36 : i32
    %mul3A_38 = arith.constant 128 : i32
    %mul3A_39 = arith.muli %arg1, %mul3A_38 : i32
    "tpu.region"() ({
      %run_scoped3A = tpu.sem_alloc : memref<!tpu.dma_semaphore, #tpu.memory_space<semaphore_mem>>
      %dma_start3A_40 = arith.constant 0 : i32
      %dma_start3A_41 = tpu.memref_slice %arg6[%arg0, %mul3A_39, %dma_start3A_40] : memref<2x2048x544xbf16, #tpu.memory_space<hbm>> -> memref<1x128x544xbf16, #tpu.memory_space<hbm>>
      %dma_start3A_42 = tpu.memref_squeeze %dma_start3A_41 : memref<1x128x544xbf16, #tpu.memory_space<hbm>> -> memref<128x544xbf16, #tpu.memory_space<hbm>>
      %dma_start3A_43 = arith.constant 0 : i32
      %dma_start3A_44 = tpu.memref_slice %arg7[%mul3A_37, %dma_start3A_43] : memref<2048x544xbf16, #tpu.memory_space<vmem_shared>> -> memref<128x544xbf16, #tpu.memory_space<vmem_shared>>
      tpu.enqueue_dma source(%dma_start3A_44 : memref<128x544xbf16, #tpu.memory_space<vmem_shared>>) target(%dma_start3A_42 : memref<128x544xbf16, #tpu.memory_space<hbm>>) target_semaphore(%run_scoped3A : memref<!tpu.dma_semaphore, #tpu.memory_space<semaphore_mem>>)
      %dma_wait3A = arith.constant 0 : i32
      %dma_wait3A_45 = tpu.memref_slice %arg6[%arg0, %mul3A_39, %dma_wait3A] : memref<2x2048x544xbf16, #tpu.memory_space<hbm>> -> memref<1x128x544xbf16, #tpu.memory_space<hbm>>
      %dma_wait3A_46 = tpu.memref_squeeze %dma_wait3A_45 : memref<1x128x544xbf16, #tpu.memory_space<hbm>> -> memref<128x544xbf16, #tpu.memory_space<hbm>>
      %dma_wait3A_47 = arith.constant 0 : i32
      %dma_wait3A_48 = tpu.memref_slice %arg7[%mul3A_37, %dma_wait3A_47] : memref<2048x544xbf16, #tpu.memory_space<vmem_shared>> -> memref<128x544xbf16, #tpu.memory_space<vmem_shared>>
      tpu.wait_dma2 semaphore(%run_scoped3A : memref<!tpu.dma_semaphore, #tpu.memory_space<semaphore_mem>>) src(%dma_wait3A_48 : memref<128x544xbf16, #tpu.memory_space<vmem_shared>>) dst(%dma_wait3A_46 : memref<128x544xbf16, #tpu.memory_space<hbm>>)
      tpu.yield
    }) : () -> ()
    return
  }
}

module attributes {stable_mosaic.version = 14 : i64} {
  func.func @_stage_a_body(%arg0: i32, %arg1: memref<256x256xf32, #tpu.memory_space<vmem>>, %arg2: memref<256x256xf32, #tpu.memory_space<vmem>>, %arg3: memref<256x256xf32, #tpu.memory_space<vmem>>, %arg4: memref<1x256xf32, #tpu.memory_space<vmem>>, %arg5: memref<256x256xf32, #tpu.memory_space<vmem>>, %arg6: memref<1x256xf32, #tpu.memory_space<vmem>>, %arg7: memref<256x256xf32, #tpu.memory_space<vmem>>, %arg8: memref<1x256xf32, #tpu.memory_space<vmem>>, %arg9: memref<256x256xf32, #tpu.memory_space<vmem>>, %arg10: memref<1x256xf32, #tpu.memory_space<vmem>>, %arg11: memref<256x256xf32, #tpu.memory_space<vmem>>, %arg12: memref<1x256xf32, #tpu.memory_space<vmem>>, %arg13: memref<256x256xf32, #tpu.memory_space<vmem>>, %arg14: memref<1x256xf32, #tpu.memory_space<vmem>>, %arg15: memref<256x256xf32, #tpu.memory_space<vmem>>, %arg16: memref<256x256xf32, #tpu.memory_space<vmem>>, %arg17: memref<256x288xbf16, #tpu.memory_space<vmem>>, %arg18: memref<256x256xbf16, #tpu.memory_space<vmem>>) attributes {dimension_semantics = [#tpu.dimension_semantics<arbitrary>], iteration_bounds = array<i64: 8>, scalar_prefetch = 0 : i64, scratch_operands = 0 : i64, tpu.core_type = #tpu.core_type<tc>, window_params = [{transform_indices = @transform_0, window_bounds = array<i64: 256, 256>}, {transform_indices = @transform_1, window_bounds = array<i64: 256, 256>}, {pipeline_mode = #tpu.pipeline_mode<synchronous>, transform_indices = @transform_2, window_bounds = array<i64: 256, 256>}, {pipeline_mode = #tpu.pipeline_mode<synchronous>, transform_indices = @transform_3, window_bounds = array<i64: 1, 256>}, {pipeline_mode = #tpu.pipeline_mode<synchronous>, transform_indices = @transform_4, window_bounds = array<i64: 256, 256>}, {pipeline_mode = #tpu.pipeline_mode<synchronous>, transform_indices = @transform_5, window_bounds = array<i64: 1, 256>}, {pipeline_mode = #tpu.pipeline_mode<synchronous>, transform_indices = @transform_6, window_bounds = array<i64: 256, 256>}, {pipeline_mode = #tpu.pipeline_mode<synchronous>, transform_indices = @transform_7, window_bounds = array<i64: 1, 256>}, {pipeline_mode = #tpu.pipeline_mode<synchronous>, transform_indices = @transform_8, window_bounds = array<i64: 256, 256>}, {pipeline_mode = #tpu.pipeline_mode<synchronous>, transform_indices = @transform_9, window_bounds = array<i64: 1, 256>}, {pipeline_mode = #tpu.pipeline_mode<synchronous>, transform_indices = @transform_10, window_bounds = array<i64: 256, 256>}, {pipeline_mode = #tpu.pipeline_mode<synchronous>, transform_indices = @transform_11, window_bounds = array<i64: 1, 256>}, {pipeline_mode = #tpu.pipeline_mode<synchronous>, transform_indices = @transform_12, window_bounds = array<i64: 256, 256>}, {pipeline_mode = #tpu.pipeline_mode<synchronous>, transform_indices = @transform_13, window_bounds = array<i64: 1, 256>}, {transform_indices = @transform_14, window_bounds = array<i64: 256, 256>}, {transform_indices = @transform_15, window_bounds = array<i64: 256, 256>}, {transform_indices = @transform_16, window_bounds = array<i64: 256, 288>}, {transform_indices = @transform_17, window_bounds = array<i64: 256, 256>}]} {
    %get3A = arith.constant 0 : index
    %get3A_0 = arith.constant 0 : index
    %get3A_1 = vector.load %arg1[%get3A, %get3A_0] : memref<256x256xf32, #tpu.memory_space<vmem>>, vector<256x256xf32>
    %get3A_2 = arith.constant 0 : index
    %get3A_3 = arith.constant 0 : index
    %get3A_4 = vector.load %arg3[%get3A_2, %get3A_3] : memref<256x256xf32, #tpu.memory_space<vmem>>, vector<256x256xf32>
    %dot_general3A = arith.constant dense<0.000000e+00> : vector<256x256xf32>
    %dot_general3A_5 = tpu.matmul %get3A_1, %get3A_4, %dot_general3A {dimension_numbers = #tpu.dot_dimension_numbers<[1], [0], [0], [1], [0, 0, 1, 1], [], []>, transpose_lhs_hint = false} : vector<256x256xf32>, vector<256x256xf32>, vector<256x256xf32> -> vector<256x256xf32>
    %get3A_6 = arith.constant 0 : index
    %get3A_7 = arith.constant 0 : index
    %get3A_8 = vector.load %arg4[%get3A_6, %get3A_7] : memref<1x256xf32, #tpu.memory_space<vmem>>, vector<1x256xf32>
    %add3A = vector.broadcast %get3A_8 : vector<1x256xf32> to vector<256x256xf32>
    %add3A_9 = arith.addf %dot_general3A_5, %add3A : vector<256x256xf32>
    %get3A_10 = arith.constant 0 : index
    %get3A_11 = arith.constant 0 : index
    %get3A_12 = vector.load %arg2[%get3A_10, %get3A_11] : memref<256x256xf32, #tpu.memory_space<vmem>>, vector<256x256xf32>
    %get3A_13 = arith.constant 0 : index
    %get3A_14 = arith.constant 0 : index
    %get3A_15 = vector.load %arg5[%get3A_13, %get3A_14] : memref<256x256xf32, #tpu.memory_space<vmem>>, vector<256x256xf32>
    %dot_general3A_16 = arith.constant dense<0.000000e+00> : vector<256x256xf32>
    %dot_general3A_17 = tpu.matmul %get3A_12, %get3A_15, %dot_general3A_16 {dimension_numbers = #tpu.dot_dimension_numbers<[1], [0], [0], [1], [0, 0, 1, 1], [], []>, transpose_lhs_hint = false} : vector<256x256xf32>, vector<256x256xf32>, vector<256x256xf32> -> vector<256x256xf32>
    %get3A_18 = arith.constant 0 : index
    %get3A_19 = arith.constant 0 : index
    %get3A_20 = vector.load %arg6[%get3A_18, %get3A_19] : memref<1x256xf32, #tpu.memory_space<vmem>>, vector<1x256xf32>
    %add3A_21 = vector.broadcast %get3A_20 : vector<1x256xf32> to vector<256x256xf32>
    %add3A_22 = arith.addf %dot_general3A_17, %add3A_21 : vector<256x256xf32>
    %get3A_23 = arith.constant 0 : index
    %get3A_24 = arith.constant 0 : index
    %get3A_25 = vector.load %arg7[%get3A_23, %get3A_24] : memref<256x256xf32, #tpu.memory_space<vmem>>, vector<256x256xf32>
    %dot_general3A_26 = arith.constant dense<0.000000e+00> : vector<256x256xf32>
    %dot_general3A_27 = tpu.matmul %add3A_9, %get3A_25, %dot_general3A_26 {dimension_numbers = #tpu.dot_dimension_numbers<[1], [0], [0], [1], [0, 0, 1, 1], [], []>, transpose_lhs_hint = false} : vector<256x256xf32>, vector<256x256xf32>, vector<256x256xf32> -> vector<256x256xf32>
    %get3A_28 = arith.constant 0 : index
    %get3A_29 = arith.constant 0 : index
    %get3A_30 = vector.load %arg8[%get3A_28, %get3A_29] : memref<1x256xf32, #tpu.memory_space<vmem>>, vector<1x256xf32>
    %add3A_31 = vector.broadcast %get3A_30 : vector<1x256xf32> to vector<256x256xf32>
    %add3A_32 = arith.addf %dot_general3A_27, %add3A_31 : vector<256x256xf32>
    %get3A_33 = arith.constant 0 : index
    %get3A_34 = arith.constant 0 : index
    %get3A_35 = vector.load %arg9[%get3A_33, %get3A_34] : memref<256x256xf32, #tpu.memory_space<vmem>>, vector<256x256xf32>
    %dot_general3A_36 = arith.constant dense<0.000000e+00> : vector<256x256xf32>
    %dot_general3A_37 = tpu.matmul %add3A_32, %get3A_35, %dot_general3A_36 {dimension_numbers = #tpu.dot_dimension_numbers<[1], [0], [0], [1], [0, 0, 1, 1], [], []>, transpose_lhs_hint = false} : vector<256x256xf32>, vector<256x256xf32>, vector<256x256xf32> -> vector<256x256xf32>
    %get3A_38 = arith.constant 0 : index
    %get3A_39 = arith.constant 0 : index
    %get3A_40 = vector.load %arg10[%get3A_38, %get3A_39] : memref<1x256xf32, #tpu.memory_space<vmem>>, vector<1x256xf32>
    %add3A_41 = vector.broadcast %get3A_40 : vector<1x256xf32> to vector<256x256xf32>
    %add3A_42 = arith.addf %dot_general3A_37, %add3A_41 : vector<256x256xf32>
    %get3A_43 = arith.constant 0 : index
    %get3A_44 = arith.constant 0 : index
    %get3A_45 = vector.load %arg11[%get3A_43, %get3A_44] : memref<256x256xf32, #tpu.memory_space<vmem>>, vector<256x256xf32>
    %dot_general3A_46 = arith.constant dense<0.000000e+00> : vector<256x256xf32>
    %dot_general3A_47 = tpu.matmul %add3A_22, %get3A_45, %dot_general3A_46 {dimension_numbers = #tpu.dot_dimension_numbers<[1], [0], [0], [1], [0, 0, 1, 1], [], []>, transpose_lhs_hint = false} : vector<256x256xf32>, vector<256x256xf32>, vector<256x256xf32> -> vector<256x256xf32>
    %get3A_48 = arith.constant 0 : index
    %get3A_49 = arith.constant 0 : index
    %get3A_50 = vector.load %arg12[%get3A_48, %get3A_49] : memref<1x256xf32, #tpu.memory_space<vmem>>, vector<1x256xf32>
    %add3A_51 = vector.broadcast %get3A_50 : vector<1x256xf32> to vector<256x256xf32>
    %add3A_52 = arith.addf %dot_general3A_47, %add3A_51 : vector<256x256xf32>
    %get3A_53 = arith.constant 0 : index
    %get3A_54 = arith.constant 0 : index
    %get3A_55 = vector.load %arg13[%get3A_53, %get3A_54] : memref<256x256xf32, #tpu.memory_space<vmem>>, vector<256x256xf32>
    %dot_general3A_56 = arith.constant dense<0.000000e+00> : vector<256x256xf32>
    %dot_general3A_57 = tpu.matmul %add3A_52, %get3A_55, %dot_general3A_56 {dimension_numbers = #tpu.dot_dimension_numbers<[1], [0], [0], [1], [0, 0, 1, 1], [], []>, transpose_lhs_hint = false} : vector<256x256xf32>, vector<256x256xf32>, vector<256x256xf32> -> vector<256x256xf32>
    %get3A_58 = arith.constant 0 : index
    %get3A_59 = arith.constant 0 : index
    %get3A_60 = vector.load %arg14[%get3A_58, %get3A_59] : memref<1x256xf32, #tpu.memory_space<vmem>>, vector<1x256xf32>
    %add3A_61 = vector.broadcast %get3A_60 : vector<1x256xf32> to vector<256x256xf32>
    %add3A_62 = arith.addf %dot_general3A_57, %add3A_61 : vector<256x256xf32>
    %swap3A = arith.constant 0 : index
    %swap3A_63 = arith.constant 0 : index
    %swap3A_64 = vector.load %arg15[%swap3A, %swap3A_63] : memref<256x256xf32, #tpu.memory_space<vmem>>, vector<256x256xf32>
    tpu.vector_store %arg15[%swap3A, %swap3A_63], %add3A_9 {strides = array<i32>} : memref<256x256xf32, #tpu.memory_space<vmem>>, vector<256x256xf32>,
    %swap3A_65 = arith.constant 0 : index
    %swap3A_66 = arith.constant 0 : index
    %swap3A_67 = vector.load %arg16[%swap3A_65, %swap3A_66] : memref<256x256xf32, #tpu.memory_space<vmem>>, vector<256x256xf32>
    tpu.vector_store %arg16[%swap3A_65, %swap3A_66], %add3A_22 {strides = array<i32>} : memref<256x256xf32, #tpu.memory_space<vmem>>, vector<256x256xf32>,
    %convert_element_type3A = arith.truncf %add3A_42 : vector<256x256xf32> to vector<256x256xbf16>
    %swap3A_68 = arith.constant 0 : index
    %swap3A_69 = arith.constant 0 : index
    %swap3A_70 = vector.load %arg17[%swap3A_68, %swap3A_69] : memref<256x288xbf16, #tpu.memory_space<vmem>>, vector<256x256xbf16>
    tpu.vector_store %arg17[%swap3A_68, %swap3A_69], %convert_element_type3A {strides = array<i32>} : memref<256x288xbf16, #tpu.memory_space<vmem>>, vector<256x256xbf16>,
    %iota3A = tpu.iota {dimensions = array<i32: 1>} : vector<256x32xi32>
    %eq3A = arith.constant 0 : i32
    %eq3A_71 = vector.broadcast %eq3A : i32 to vector<256x32xi32>
    %eq3A_72 = arith.cmpi eq, %iota3A, %eq3A_71 : vector<256x32xi32>
    %convert_element_type3A_73 = arith.extui %eq3A_72 : vector<256x32xi1> to vector<256x32xi32>
    %convert_element_type3A_74 = arith.sitofp %convert_element_type3A_73 : vector<256x32xi32> to vector<256x32xf32>
    %convert_element_type3A_75 = arith.truncf %convert_element_type3A_74 : vector<256x32xf32> to vector<256x32xbf16>
    %swap3A_76 = arith.constant 0 : index
    %swap3A_77 = arith.constant 256 : index
    %swap3A_78 = vector.load %arg17[%swap3A_76, %swap3A_77] : memref<256x288xbf16, #tpu.memory_space<vmem>>, vector<256x32xbf16>
    tpu.vector_store %arg17[%swap3A_76, %swap3A_77], %convert_element_type3A_75 {strides = array<i32>} : memref<256x288xbf16, #tpu.memory_space<vmem>>, vector<256x32xbf16>,
    %convert_element_type3A_79 = arith.truncf %add3A_62 : vector<256x256xf32> to vector<256x256xbf16>
    %swap3A_80 = arith.constant 0 : index
    %swap3A_81 = arith.constant 0 : index
    %swap3A_82 = vector.load %arg18[%swap3A_80, %swap3A_81] : memref<256x256xbf16, #tpu.memory_space<vmem>>, vector<256x256xbf16>
    tpu.vector_store %arg18[%swap3A_80, %swap3A_81], %convert_element_type3A_79 {strides = array<i32>} : memref<256x256xbf16, #tpu.memory_space<vmem>>, vector<256x256xbf16>,
    return
  }
  func.func @transform_0(%arg0: i32) -> (i32, i32) {
    %c0_i32 = arith.constant 0 : i32
    %c0_i32_0 = arith.constant 0 : i32
    return %arg0, %c0_i32 : i32, i32
  }
  func.func @transform_1(%arg0: i32) -> (i32, i32) {
    %c0_i32 = arith.constant 0 : i32
    %c0_i32_0 = arith.constant 0 : i32
    return %arg0, %c0_i32 : i32, i32
  }
  func.func @transform_2(%arg0: i32) -> (i32, i32) {
    %c0_i32 = arith.constant 0 : i32
    %c0_i32_0 = arith.constant 0 : i32
    %c0_i32_1 = arith.constant 0 : i32
    return %c0_i32, %c0_i32_0 : i32, i32
  }
  func.func @transform_3(%arg0: i32) -> (i32, i32) {
    %c0_i32 = arith.constant 0 : i32
    %c0_i32_0 = arith.constant 0 : i32
    %c0_i32_1 = arith.constant 0 : i32
    return %c0_i32, %c0_i32_0 : i32, i32
  }
  func.func @transform_4(%arg0: i32) -> (i32, i32) {
    %c0_i32 = arith.constant 0 : i32
    %c0_i32_0 = arith.constant 0 : i32
    %c0_i32_1 = arith.constant 0 : i32
    return %c0_i32, %c0_i32_0 : i32, i32
  }
  func.func @transform_5(%arg0: i32) -> (i32, i32) {
    %c0_i32 = arith.constant 0 : i32
    %c0_i32_0 = arith.constant 0 : i32
    %c0_i32_1 = arith.constant 0 : i32
    return %c0_i32, %c0_i32_0 : i32, i32
  }
  func.func @transform_6(%arg0: i32) -> (i32, i32) {
    %c0_i32 = arith.constant 0 : i32
    %c0_i32_0 = arith.constant 0 : i32
    %c0_i32_1 = arith.constant 0 : i32
    return %c0_i32, %c0_i32_0 : i32, i32
  }
  func.func @transform_7(%arg0: i32) -> (i32, i32) {
    %c0_i32 = arith.constant 0 : i32
    %c0_i32_0 = arith.constant 0 : i32
    %c0_i32_1 = arith.constant 0 : i32
    return %c0_i32, %c0_i32_0 : i32, i32
  }
  func.func @transform_8(%arg0: i32) -> (i32, i32) {
    %c0_i32 = arith.constant 0 : i32
    %c0_i32_0 = arith.constant 0 : i32
    %c0_i32_1 = arith.constant 0 : i32
    return %c0_i32, %c0_i32_0 : i32, i32
  }
  func.func @transform_9(%arg0: i32) -> (i32, i32) {
    %c0_i32 = arith.constant 0 : i32
    %c0_i32_0 = arith.constant 0 : i32
    %c0_i32_1 = arith.constant 0 : i32
    return %c0_i32, %c0_i32_0 : i32, i32
  }
  func.func @transform_10(%arg0: i32) -> (i32, i32) {
    %c0_i32 = arith.constant 0 : i32
    %c0_i32_0 = arith.constant 0 : i32
    %c0_i32_1 = arith.constant 0 : i32
    return %c0_i32, %c0_i32_0 : i32, i32
  }
  func.func @transform_11(%arg0: i32) -> (i32, i32) {
    %c0_i32 = arith.constant 0 : i32
    %c0_i32_0 = arith.constant 0 : i32
    %c0_i32_1 = arith.constant 0 : i32
    return %c0_i32, %c0_i32_0 : i32, i32
  }
  func.func @transform_12(%arg0: i32) -> (i32, i32) {
    %c0_i32 = arith.constant 0 : i32
    %c0_i32_0 = arith.constant 0 : i32
    %c0_i32_1 = arith.constant 0 : i32
    return %c0_i32, %c0_i32_0 : i32, i32
  }
  func.func @transform_13(%arg0: i32) -> (i32, i32) {
    %c0_i32 = arith.constant 0 : i32
    %c0_i32_0 = arith.constant 0 : i32
    %c0_i32_1 = arith.constant 0 : i32
    return %c0_i32, %c0_i32_0 : i32, i32
  }
  func.func @transform_14(%arg0: i32) -> (i32, i32) {
    %c0_i32 = arith.constant 0 : i32
    %c0_i32_0 = arith.constant 0 : i32
    return %arg0, %c0_i32 : i32, i32
  }
  func.func @transform_15(%arg0: i32) -> (i32, i32) {
    %c0_i32 = arith.constant 0 : i32
    %c0_i32_0 = arith.constant 0 : i32
    return %arg0, %c0_i32 : i32, i32
  }
  func.func @transform_16(%arg0: i32) -> (i32, i32) {
    %c0_i32 = arith.constant 0 : i32
    %c0_i32_0 = arith.constant 0 : i32
    return %arg0, %c0_i32 : i32, i32
  }
  func.func @transform_17(%arg0: i32) -> (i32, i32) {
    %c0_i32 = arith.constant 0 : i32
    %c0_i32_0 = arith.constant 0 : i32
    return %arg0, %c0_i32 : i32, i32
  }
}

module attributes {stable_mosaic.version = 14 : i64} {
  func.func @_stage_b_body(%arg0: i32, %arg1: memref<2x256x288xbf16, #tpu.memory_space<vmem>>, %arg2: memref<256x256xf32, #tpu.memory_space<vmem>>, %arg3: memref<256x256xbf16, #tpu.memory_space<vmem>>, %arg4: memref<256x256xf32, #tpu.memory_space<vmem>>, %arg5: memref<1x256xf32, #tpu.memory_space<vmem>>, %arg6: memref<256x256xf32, #tpu.memory_space<vmem>>, %arg7: memref<1x256xf32, #tpu.memory_space<vmem>>, %arg8: memref<1x256xf32, #tpu.memory_space<vmem>>, %arg9: memref<1x256xf32, #tpu.memory_space<vmem>>, %arg10: memref<256x544xbf16, #tpu.memory_space<vmem>>) attributes {dimension_semantics = [#tpu.dimension_semantics<arbitrary>], iteration_bounds = array<i64: 8>, scalar_prefetch = 0 : i64, scratch_operands = 0 : i64, tpu.core_type = #tpu.core_type<tc>, window_params = [{transform_indices = @transform_0, window_bounds = array<i64: 2, 256, 288>}, {transform_indices = @transform_1, window_bounds = array<i64: 256, 256>}, {transform_indices = @transform_2, window_bounds = array<i64: 256, 256>}, {pipeline_mode = #tpu.pipeline_mode<synchronous>, transform_indices = @transform_3, window_bounds = array<i64: 256, 256>}, {pipeline_mode = #tpu.pipeline_mode<synchronous>, transform_indices = @transform_4, window_bounds = array<i64: 1, 256>}, {pipeline_mode = #tpu.pipeline_mode<synchronous>, transform_indices = @transform_5, window_bounds = array<i64: 256, 256>}, {pipeline_mode = #tpu.pipeline_mode<synchronous>, transform_indices = @transform_6, window_bounds = array<i64: 1, 256>}, {pipeline_mode = #tpu.pipeline_mode<synchronous>, transform_indices = @transform_7, window_bounds = array<i64: 1, 256>}, {pipeline_mode = #tpu.pipeline_mode<synchronous>, transform_indices = @transform_8, window_bounds = array<i64: 1, 256>}, {transform_indices = @transform_9, window_bounds = array<i64: 256, 544>}]} {
    %get3A = arith.constant 0 : index
    %get3A_0 = arith.constant 0 : index
    %get3A_1 = arith.constant 0 : index
    %get3A_2 = vector.load %arg1[%get3A, %get3A_0, %get3A_1] : memref<2x256x288xbf16, #tpu.memory_space<vmem>>, vector<1x256x288xbf16>
    %get3A_3 = vector.shape_cast %get3A_2 : vector<1x256x288xbf16> to vector<256x288xbf16>
    %convert_element_type3A = arith.extf %get3A_3 : vector<256x288xbf16> to vector<256x288xf32>
    %get3A_4 = arith.constant 1 : index
    %get3A_5 = arith.constant 0 : index
    %get3A_6 = arith.constant 0 : index
    %get3A_7 = vector.load %arg1[%get3A_4, %get3A_5, %get3A_6] : memref<2x256x288xbf16, #tpu.memory_space<vmem>>, vector<1x256x288xbf16>
    %get3A_8 = vector.shape_cast %get3A_7 : vector<1x256x288xbf16> to vector<256x288xbf16>
    %convert_element_type3A_9 = arith.extf %get3A_8 : vector<256x288xbf16> to vector<256x288xf32>
    %add3A = arith.addf %convert_element_type3A, %convert_element_type3A_9 : vector<256x288xf32>
    %slice3A = vector.extract_strided_slice %add3A {offsets = [0, 256], sizes = [256, 1], strides = [1, 1]} : vector<256x288xf32> to vector<256x1xf32>
    %max3A = arith.constant 1.000000e+00 : f32
    %max3A_10 = vector.broadcast %max3A : f32 to vector<256x1xf32>
    %max3A_11 = arith.maximumf %slice3A, %max3A_10 : vector<256x1xf32>
    %slice3A_12 = vector.extract_strided_slice %add3A {offsets = [0, 0], sizes = [256, 256], strides = [1, 1]} : vector<256x288xf32> to vector<256x256xf32>
    %div3A = vector.broadcast %max3A_11 : vector<256x1xf32> to vector<256x256xf32>
    %div3A_13 = arith.divf %slice3A_12, %div3A : vector<256x256xf32>
    %get3A_14 = arith.constant 0 : index
    %get3A_15 = arith.constant 0 : index
    %get3A_16 = vector.load %arg2[%get3A_14, %get3A_15] : memref<256x256xf32, #tpu.memory_space<vmem>>, vector<256x256xf32>
    %add3A_17 = arith.addf %div3A_13, %get3A_16 : vector<256x256xf32>
    %get3A_18 = arith.constant 0 : index
    %get3A_19 = arith.constant 0 : index
    %get3A_20 = vector.load %arg8[%get3A_18, %get3A_19] : memref<1x256xf32, #tpu.memory_space<vmem>>, vector<1x256xf32>
    %get3A_21 = arith.constant 0 : index
    %get3A_22 = arith.constant 0 : index
    %get3A_23 = vector.load %arg9[%get3A_21, %get3A_22] : memref<1x256xf32, #tpu.memory_space<vmem>>, vector<1x256xf32>
    %reduce_sum3A = arith.constant dense<0.000000e+00> : vector<256xf32>
    %reduce_sum3A_24 = vector.multi_reduction <add>, %add3A_17, %reduce_sum3A [1] : vector<256x256xf32> to vector<256xf32>
    %broadcast_in_dim3A = vector.shape_cast %reduce_sum3A_24 : vector<256xf32> to vector<256x1xf32>
    %div3A_25 = arith.constant 2.560000e+02 : f32
    %div3A_26 = vector.broadcast %div3A_25 : f32 to vector<256x1xf32>
    %div3A_27 = arith.divf %broadcast_in_dim3A, %div3A_26 : vector<256x1xf32>
    %sub3A = vector.broadcast %div3A_27 : vector<256x1xf32> to vector<256x256xf32>
    %sub3A_28 = arith.subf %add3A_17, %sub3A : vector<256x256xf32>
    %integer_pow3A = arith.mulf %sub3A_28, %sub3A_28 : vector<256x256xf32>
    %reduce_sum3A_29 = arith.constant dense<0.000000e+00> : vector<256xf32>
    %reduce_sum3A_30 = vector.multi_reduction <add>, %integer_pow3A, %reduce_sum3A_29 [1] : vector<256x256xf32> to vector<256xf32>
    %broadcast_in_dim3A_31 = vector.shape_cast %reduce_sum3A_30 : vector<256xf32> to vector<256x1xf32>
    %div3A_32 = arith.constant 2.560000e+02 : f32
    %div3A_33 = vector.broadcast %div3A_32 : f32 to vector<256x1xf32>
    %div3A_34 = arith.divf %broadcast_in_dim3A_31, %div3A_33 : vector<256x1xf32>
    %sub3A_35 = vector.broadcast %div3A_27 : vector<256x1xf32> to vector<256x256xf32>
    %sub3A_36 = arith.subf %add3A_17, %sub3A_35 : vector<256x256xf32>
    %add3A_37 = arith.constant 9.99999974E-6 : f32
    %add3A_38 = vector.broadcast %add3A_37 : f32 to vector<256x1xf32>
    %add3A_39 = arith.addf %div3A_34, %add3A_38 : vector<256x1xf32>
    %sqrt3A = math.sqrt %add3A_39 : vector<256x1xf32>
    %div3A_40 = vector.broadcast %sqrt3A : vector<256x1xf32> to vector<256x256xf32>
    %div3A_41 = arith.divf %sub3A_36, %div3A_40 : vector<256x256xf32>
    %mul3A = vector.broadcast %get3A_20 : vector<1x256xf32> to vector<256x256xf32>
    %mul3A_42 = arith.mulf %div3A_41, %mul3A : vector<256x256xf32>
    %add3A_43 = vector.broadcast %get3A_23 : vector<1x256xf32> to vector<256x256xf32>
    %add3A_44 = arith.addf %mul3A_42, %add3A_43 : vector<256x256xf32>
    %get3A_45 = arith.constant 0 : index
    %get3A_46 = arith.constant 0 : index
    %get3A_47 = vector.load %arg4[%get3A_45, %get3A_46] : memref<256x256xf32, #tpu.memory_space<vmem>>, vector<256x256xf32>
    %dot_general3A = arith.constant dense<0.000000e+00> : vector<256x256xf32>
    %dot_general3A_48 = tpu.matmul %add3A_44, %get3A_47, %dot_general3A {dimension_numbers = #tpu.dot_dimension_numbers<[1], [0], [0], [1], [0, 0, 1, 1], [], []>, transpose_lhs_hint = false} : vector<256x256xf32>, vector<256x256xf32>, vector<256x256xf32> -> vector<256x256xf32>
    %get3A_49 = arith.constant 0 : index
    %get3A_50 = arith.constant 0 : index
    %get3A_51 = vector.load %arg5[%get3A_49, %get3A_50] : memref<1x256xf32, #tpu.memory_space<vmem>>, vector<1x256xf32>
    %add3A_52 = vector.broadcast %get3A_51 : vector<1x256xf32> to vector<256x256xf32>
    %add3A_53 = arith.addf %dot_general3A_48, %add3A_52 : vector<256x256xf32>
    %get3A_54 = arith.constant 0 : index
    %get3A_55 = arith.constant 0 : index
    %get3A_56 = vector.load %arg6[%get3A_54, %get3A_55] : memref<256x256xf32, #tpu.memory_space<vmem>>, vector<256x256xf32>
    %dot_general3A_57 = arith.constant dense<0.000000e+00> : vector<256x256xf32>
    %dot_general3A_58 = tpu.matmul %add3A_53, %get3A_56, %dot_general3A_57 {dimension_numbers = #tpu.dot_dimension_numbers<[1], [0], [0], [1], [0, 0, 1, 1], [], []>, transpose_lhs_hint = false} : vector<256x256xf32>, vector<256x256xf32>, vector<256x256xf32> -> vector<256x256xf32>
    %get3A_59 = arith.constant 0 : index
    %get3A_60 = arith.constant 0 : index
    %get3A_61 = vector.load %arg7[%get3A_59, %get3A_60] : memref<1x256xf32, #tpu.memory_space<vmem>>, vector<1x256xf32>
    %add3A_62 = vector.broadcast %get3A_61 : vector<1x256xf32> to vector<256x256xf32>
    %add3A_63 = arith.addf %dot_general3A_58, %add3A_62 : vector<256x256xf32>
    %convert_element_type3A_64 = arith.truncf %add3A_63 : vector<256x256xf32> to vector<256x256xbf16>
    %swap3A = arith.constant 0 : index
    %swap3A_65 = arith.constant 0 : index
    %swap3A_66 = vector.load %arg10[%swap3A, %swap3A_65] : memref<256x544xbf16, #tpu.memory_space<vmem>>, vector<256x256xbf16>
    tpu.vector_store %arg10[%swap3A, %swap3A_65], %convert_element_type3A_64 {strides = array<i32>} : memref<256x544xbf16, #tpu.memory_space<vmem>>, vector<256x256xbf16>,
    %get3A_67 = arith.constant 0 : index
    %get3A_68 = arith.constant 0 : index
    %get3A_69 = vector.load %arg3[%get3A_67, %get3A_68] : memref<256x256xbf16, #tpu.memory_space<vmem>>, vector<256x256xbf16>
    %swap3A_70 = arith.constant 0 : index
    %swap3A_71 = arith.constant 256 : index
    %swap3A_72 = vector.load %arg10[%swap3A_70, %swap3A_71] : memref<256x544xbf16, #tpu.memory_space<vmem>>, vector<256x256xbf16>
    tpu.vector_store %arg10[%swap3A_70, %swap3A_71], %get3A_69 {strides = array<i32>} : memref<256x544xbf16, #tpu.memory_space<vmem>>, vector<256x256xbf16>,
    %iota3A = tpu.iota {dimensions = array<i32: 1>} : vector<256x32xi32>
    %eq3A = arith.constant 0 : i32
    %eq3A_73 = vector.broadcast %eq3A : i32 to vector<256x32xi32>
    %eq3A_74 = arith.cmpi eq, %iota3A, %eq3A_73 : vector<256x32xi32>
    %convert_element_type3A_75 = arith.extui %eq3A_74 : vector<256x32xi1> to vector<256x32xi32>
    %convert_element_type3A_76 = arith.sitofp %convert_element_type3A_75 : vector<256x32xi32> to vector<256x32xf32>
    %convert_element_type3A_77 = arith.truncf %convert_element_type3A_76 : vector<256x32xf32> to vector<256x32xbf16>
    %swap3A_78 = arith.constant 0 : index
    %swap3A_79 = arith.constant 512 : index
    %swap3A_80 = vector.load %arg10[%swap3A_78, %swap3A_79] : memref<256x544xbf16, #tpu.memory_space<vmem>>, vector<256x32xbf16>
    tpu.vector_store %arg10[%swap3A_78, %swap3A_79], %convert_element_type3A_77 {strides = array<i32>} : memref<256x544xbf16, #tpu.memory_space<vmem>>, vector<256x32xbf16>,
    return
  }
  func.func @transform_0(%arg0: i32) -> (i32, i32, i32) {
    %c0_i32 = arith.constant 0 : i32
    %c0_i32_0 = arith.constant 0 : i32
    %c0_i32_1 = arith.constant 0 : i32
    return %c0_i32, %arg0, %c0_i32_0 : i32, i32, i32
  }
  func.func @transform_1(%arg0: i32) -> (i32, i32) {
    %c0_i32 = arith.constant 0 : i32
    %c0_i32_0 = arith.constant 0 : i32
    return %arg0, %c0_i32 : i32, i32
  }
  func.func @transform_2(%arg0: i32) -> (i32, i32) {
    %c0_i32 = arith.constant 0 : i32
    %c0_i32_0 = arith.constant 0 : i32
    return %arg0, %c0_i32 : i32, i32
  }
  func.func @transform_3(%arg0: i32) -> (i32, i32) {
    %c0_i32 = arith.constant 0 : i32
    %c0_i32_0 = arith.constant 0 : i32
    %c0_i32_1 = arith.constant 0 : i32
    return %c0_i32, %c0_i32_0 : i32, i32
  }
  func.func @transform_4(%arg0: i32) -> (i32, i32) {
    %c0_i32 = arith.constant 0 : i32
    %c0_i32_0 = arith.constant 0 : i32
    %c0_i32_1 = arith.constant 0 : i32
    return %c0_i32, %c0_i32_0 : i32, i32
  }
  func.func @transform_5(%arg0: i32) -> (i32, i32) {
    %c0_i32 = arith.constant 0 : i32
    %c0_i32_0 = arith.constant 0 : i32
    %c0_i32_1 = arith.constant 0 : i32
    return %c0_i32, %c0_i32_0 : i32, i32
  }
  func.func @transform_6(%arg0: i32) -> (i32, i32) {
    %c0_i32 = arith.constant 0 : i32
    %c0_i32_0 = arith.constant 0 : i32
    %c0_i32_1 = arith.constant 0 : i32
    return %c0_i32, %c0_i32_0 : i32, i32
  }
  func.func @transform_7(%arg0: i32) -> (i32, i32) {
    %c0_i32 = arith.constant 0 : i32
    %c0_i32_0 = arith.constant 0 : i32
    %c0_i32_1 = arith.constant 0 : i32
    return %c0_i32, %c0_i32_0 : i32, i32
  }
  func.func @transform_8(%arg0: i32) -> (i32, i32) {
    %c0_i32 = arith.constant 0 : i32
    %c0_i32_0 = arith.constant 0 : i32
    %c0_i32_1 = arith.constant 0 : i32
    return %c0_i32, %c0_i32_0 : i32, i32
  }
  func.func @transform_9(%arg0: i32) -> (i32, i32) {
    %c0_i32 = arith.constant 0 : i32
    %c0_i32_0 = arith.constant 0 : i32
    return %arg0, %c0_i32 : i32, i32
  }
}

module attributes {stable_mosaic.version = 14 : i64} {
  func.func @_stage_d_body(%arg0: i32, %arg1: memref<2x256x544xbf16, #tpu.memory_space<vmem>>, %arg2: memref<256x256xf32, #tpu.memory_space<vmem>>, %arg3: memref<1x256xf32, #tpu.memory_space<vmem>>, %arg4: memref<1x256xf32, #tpu.memory_space<vmem>>, %arg5: memref<1x256xf32, #tpu.memory_space<vmem>>, %arg6: memref<1x256xf32, #tpu.memory_space<vmem>>, %arg7: memref<256x768xf32, #tpu.memory_space<vmem>>, %arg8: memref<1x768xf32, #tpu.memory_space<vmem>>, %arg9: memref<2x256x256xf32, #tpu.memory_space<vmem>>, %arg10: memref<2x256x768xbf16, #tpu.memory_space<vmem>>) attributes {dimension_semantics = [#tpu.dimension_semantics<arbitrary>], iteration_bounds = array<i64: 8>, scalar_prefetch = 0 : i64, scratch_operands = 0 : i64, tpu.core_type = #tpu.core_type<tc>, window_params = [{transform_indices = @transform_0, window_bounds = array<i64: 2, 256, 544>}, {transform_indices = @transform_1, window_bounds = array<i64: 256, 256>}, {pipeline_mode = #tpu.pipeline_mode<synchronous>, transform_indices = @transform_2, window_bounds = array<i64: 1, 256>}, {pipeline_mode = #tpu.pipeline_mode<synchronous>, transform_indices = @transform_3, window_bounds = array<i64: 1, 256>}, {pipeline_mode = #tpu.pipeline_mode<synchronous>, transform_indices = @transform_4, window_bounds = array<i64: 1, 256>}, {pipeline_mode = #tpu.pipeline_mode<synchronous>, transform_indices = @transform_5, window_bounds = array<i64: 1, 256>}, {pipeline_mode = #tpu.pipeline_mode<synchronous>, transform_indices = @transform_6, window_bounds = array<i64: 256, 768>}, {pipeline_mode = #tpu.pipeline_mode<synchronous>, transform_indices = @transform_7, window_bounds = array<i64: 1, 768>}, {transform_indices = @transform_8, window_bounds = array<i64: 2, 256, 256>}, {transform_indices = @transform_9, window_bounds = array<i64: 2, 256, 768>}]} {
    %get3A = arith.constant 0 : index
    %get3A_0 = arith.constant 0 : index
    %get3A_1 = arith.constant 0 : index
    %get3A_2 = vector.load %arg1[%get3A, %get3A_0, %get3A_1] : memref<2x256x544xbf16, #tpu.memory_space<vmem>>, vector<1x256x544xbf16>
    %get3A_3 = vector.shape_cast %get3A_2 : vector<1x256x544xbf16> to vector<256x544xbf16>
    %convert_element_type3A = arith.extf %get3A_3 : vector<256x544xbf16> to vector<256x544xf32>
    %get3A_4 = arith.constant 1 : index
    %get3A_5 = arith.constant 0 : index
    %get3A_6 = arith.constant 0 : index
    %get3A_7 = vector.load %arg1[%get3A_4, %get3A_5, %get3A_6] : memref<2x256x544xbf16, #tpu.memory_space<vmem>>, vector<1x256x544xbf16>
    %get3A_8 = vector.shape_cast %get3A_7 : vector<1x256x544xbf16> to vector<256x544xbf16>
    %convert_element_type3A_9 = arith.extf %get3A_8 : vector<256x544xbf16> to vector<256x544xf32>
    %add3A = arith.addf %convert_element_type3A, %convert_element_type3A_9 : vector<256x544xf32>
    %slice3A = vector.extract_strided_slice %add3A {offsets = [0, 512], sizes = [256, 1], strides = [1, 1]} : vector<256x544xf32> to vector<256x1xf32>
    %max3A = arith.constant 1.000000e+00 : f32
    %max3A_10 = vector.broadcast %max3A : f32 to vector<256x1xf32>
    %max3A_11 = arith.maximumf %slice3A, %max3A_10 : vector<256x1xf32>
    %get3A_12 = arith.constant 0 : index
    %get3A_13 = arith.constant 0 : index
    %get3A_14 = vector.load %arg2[%get3A_12, %get3A_13] : memref<256x256xf32, #tpu.memory_space<vmem>>, vector<256x256xf32>
    %slice3A_15 = vector.extract_strided_slice %add3A {offsets = [0, 0], sizes = [256, 256], strides = [1, 1]} : vector<256x544xf32> to vector<256x256xf32>
    %div3A = vector.broadcast %max3A_11 : vector<256x1xf32> to vector<256x256xf32>
    %div3A_16 = arith.divf %slice3A_15, %div3A : vector<256x256xf32>
    %add3A_17 = arith.addf %div3A_16, %get3A_14 : vector<256x256xf32>
    %get3A_18 = arith.constant 0 : index
    %get3A_19 = arith.constant 0 : index
    %get3A_20 = vector.load %arg3[%get3A_18, %get3A_19] : memref<1x256xf32, #tpu.memory_space<vmem>>, vector<1x256xf32>
    %get3A_21 = arith.constant 0 : index
    %get3A_22 = arith.constant 0 : index
    %get3A_23 = vector.load %arg4[%get3A_21, %get3A_22] : memref<1x256xf32, #tpu.memory_space<vmem>>, vector<1x256xf32>
    %reduce_sum3A = arith.constant dense<0.000000e+00> : vector<256xf32>
    %reduce_sum3A_24 = vector.multi_reduction <add>, %add3A_17, %reduce_sum3A [1] : vector<256x256xf32> to vector<256xf32>
    %broadcast_in_dim3A = vector.shape_cast %reduce_sum3A_24 : vector<256xf32> to vector<256x1xf32>
    %div3A_25 = arith.constant 2.560000e+02 : f32
    %div3A_26 = vector.broadcast %div3A_25 : f32 to vector<256x1xf32>
    %div3A_27 = arith.divf %broadcast_in_dim3A, %div3A_26 : vector<256x1xf32>
    %sub3A = vector.broadcast %div3A_27 : vector<256x1xf32> to vector<256x256xf32>
    %sub3A_28 = arith.subf %add3A_17, %sub3A : vector<256x256xf32>
    %integer_pow3A = arith.mulf %sub3A_28, %sub3A_28 : vector<256x256xf32>
    %reduce_sum3A_29 = arith.constant dense<0.000000e+00> : vector<256xf32>
    %reduce_sum3A_30 = vector.multi_reduction <add>, %integer_pow3A, %reduce_sum3A_29 [1] : vector<256x256xf32> to vector<256xf32>
    %broadcast_in_dim3A_31 = vector.shape_cast %reduce_sum3A_30 : vector<256xf32> to vector<256x1xf32>
    %div3A_32 = arith.constant 2.560000e+02 : f32
    %div3A_33 = vector.broadcast %div3A_32 : f32 to vector<256x1xf32>
    %div3A_34 = arith.divf %broadcast_in_dim3A_31, %div3A_33 : vector<256x1xf32>
    %sub3A_35 = vector.broadcast %div3A_27 : vector<256x1xf32> to vector<256x256xf32>
    %sub3A_36 = arith.subf %add3A_17, %sub3A_35 : vector<256x256xf32>
    %add3A_37 = arith.constant 9.99999974E-6 : f32
    %add3A_38 = vector.broadcast %add3A_37 : f32 to vector<256x1xf32>
    %add3A_39 = arith.addf %div3A_34, %add3A_38 : vector<256x1xf32>
    %sqrt3A = math.sqrt %add3A_39 : vector<256x1xf32>
    %div3A_40 = vector.broadcast %sqrt3A : vector<256x1xf32> to vector<256x256xf32>
    %div3A_41 = arith.divf %sub3A_36, %div3A_40 : vector<256x256xf32>
    %mul3A = vector.broadcast %get3A_20 : vector<1x256xf32> to vector<256x256xf32>
    %mul3A_42 = arith.mulf %div3A_41, %mul3A : vector<256x256xf32>
    %add3A_43 = vector.broadcast %get3A_23 : vector<1x256xf32> to vector<256x256xf32>
    %add3A_44 = arith.addf %mul3A_42, %add3A_43 : vector<256x256xf32>
    %slice3A_45 = vector.extract_strided_slice %add3A {offsets = [0, 256], sizes = [256, 256], strides = [1, 1]} : vector<256x544xf32> to vector<256x256xf32>
    %div3A_46 = vector.broadcast %max3A_11 : vector<256x1xf32> to vector<256x256xf32>
    %div3A_47 = arith.divf %slice3A_45, %div3A_46 : vector<256x256xf32>
    %add3A_48 = arith.addf %div3A_47, %get3A_14 : vector<256x256xf32>
    %get3A_49 = arith.constant 0 : index
    %get3A_50 = arith.constant 0 : index
    %get3A_51 = vector.load %arg5[%get3A_49, %get3A_50] : memref<1x256xf32, #tpu.memory_space<vmem>>, vector<1x256xf32>
    %get3A_52 = arith.constant 0 : index
    %get3A_53 = arith.constant 0 : index
    %get3A_54 = vector.load %arg6[%get3A_52, %get3A_53] : memref<1x256xf32, #tpu.memory_space<vmem>>, vector<1x256xf32>
    %reduce_sum3A_55 = arith.constant dense<0.000000e+00> : vector<256xf32>
    %reduce_sum3A_56 = vector.multi_reduction <add>, %add3A_48, %reduce_sum3A_55 [1] : vector<256x256xf32> to vector<256xf32>
    %broadcast_in_dim3A_57 = vector.shape_cast %reduce_sum3A_56 : vector<256xf32> to vector<256x1xf32>
    %div3A_58 = arith.constant 2.560000e+02 : f32
    %div3A_59 = vector.broadcast %div3A_58 : f32 to vector<256x1xf32>
    %div3A_60 = arith.divf %broadcast_in_dim3A_57, %div3A_59 : vector<256x1xf32>
    %sub3A_61 = vector.broadcast %div3A_60 : vector<256x1xf32> to vector<256x256xf32>
    %sub3A_62 = arith.subf %add3A_48, %sub3A_61 : vector<256x256xf32>
    %integer_pow3A_63 = arith.mulf %sub3A_62, %sub3A_62 : vector<256x256xf32>
    %reduce_sum3A_64 = arith.constant dense<0.000000e+00> : vector<256xf32>
    %reduce_sum3A_65 = vector.multi_reduction <add>, %integer_pow3A_63, %reduce_sum3A_64 [1] : vector<256x256xf32> to vector<256xf32>
    %broadcast_in_dim3A_66 = vector.shape_cast %reduce_sum3A_65 : vector<256xf32> to vector<256x1xf32>
    %div3A_67 = arith.constant 2.560000e+02 : f32
    %div3A_68 = vector.broadcast %div3A_67 : f32 to vector<256x1xf32>
    %div3A_69 = arith.divf %broadcast_in_dim3A_66, %div3A_68 : vector<256x1xf32>
    %sub3A_70 = vector.broadcast %div3A_60 : vector<256x1xf32> to vector<256x256xf32>
    %sub3A_71 = arith.subf %add3A_48, %sub3A_70 : vector<256x256xf32>
    %add3A_72 = arith.constant 9.99999974E-6 : f32
    %add3A_73 = vector.broadcast %add3A_72 : f32 to vector<256x1xf32>
    %add3A_74 = arith.addf %div3A_69, %add3A_73 : vector<256x1xf32>
    %sqrt3A_75 = math.sqrt %add3A_74 : vector<256x1xf32>
    %div3A_76 = vector.broadcast %sqrt3A_75 : vector<256x1xf32> to vector<256x256xf32>
    %div3A_77 = arith.divf %sub3A_71, %div3A_76 : vector<256x256xf32>
    %mul3A_78 = vector.broadcast %get3A_51 : vector<1x256xf32> to vector<256x256xf32>
    %mul3A_79 = arith.mulf %div3A_77, %mul3A_78 : vector<256x256xf32>
    %add3A_80 = vector.broadcast %get3A_54 : vector<1x256xf32> to vector<256x256xf32>
    %add3A_81 = arith.addf %mul3A_79, %add3A_80 : vector<256x256xf32>
    %swap3A = arith.constant 0 : index
    %swap3A_82 = arith.constant 0 : index
    %swap3A_83 = arith.constant 0 : index
    %swap3A_84 = vector.load %arg9[%swap3A, %swap3A_82, %swap3A_83] : memref<2x256x256xf32, #tpu.memory_space<vmem>>, vector<1x256x256xf32>
    %swap3A_85 = vector.shape_cast %swap3A_84 : vector<1x256x256xf32> to vector<256x256xf32>
    %swap3A_86 = vector.shape_cast %add3A_44 : vector<256x256xf32> to vector<1x256x256xf32>
    tpu.vector_store %arg9[%swap3A, %swap3A_82, %swap3A_83], %swap3A_86 {strides = array<i32>} : memref<2x256x256xf32, #tpu.memory_space<vmem>>, vector<1x256x256xf32>,
    %swap3A_87 = arith.constant 1 : index
    %swap3A_88 = arith.constant 0 : index
    %swap3A_89 = arith.constant 0 : index
    %swap3A_90 = vector.load %arg9[%swap3A_87, %swap3A_88, %swap3A_89] : memref<2x256x256xf32, #tpu.memory_space<vmem>>, vector<1x256x256xf32>
    %swap3A_91 = vector.shape_cast %swap3A_90 : vector<1x256x256xf32> to vector<256x256xf32>
    %swap3A_92 = vector.shape_cast %add3A_81 : vector<256x256xf32> to vector<1x256x256xf32>
    tpu.vector_store %arg9[%swap3A_87, %swap3A_88, %swap3A_89], %swap3A_92 {strides = array<i32>} : memref<2x256x256xf32, #tpu.memory_space<vmem>>, vector<1x256x256xf32>,
    %get3A_93 = arith.constant 0 : index
    %get3A_94 = arith.constant 0 : index
    %get3A_95 = vector.load %arg7[%get3A_93, %get3A_94] : memref<256x768xf32, #tpu.memory_space<vmem>>, vector<256x768xf32>
    %dot_general3A = arith.constant dense<0.000000e+00> : vector<256x768xf32>
    %dot_general3A_96 = tpu.matmul %add3A_44, %get3A_95, %dot_general3A {dimension_numbers = #tpu.dot_dimension_numbers<[1], [0], [0], [1], [0, 0, 1, 1], [], []>, transpose_lhs_hint = false} : vector<256x256xf32>, vector<256x768xf32>, vector<256x768xf32> -> vector<256x768xf32>
    %get3A_97 = arith.constant 0 : index
    %get3A_98 = arith.constant 0 : index
    %get3A_99 = vector.load %arg8[%get3A_97, %get3A_98] : memref<1x768xf32, #tpu.memory_space<vmem>>, vector<1x768xf32>
    %add3A_100 = vector.broadcast %get3A_99 : vector<1x768xf32> to vector<256x768xf32>
    %add3A_101 = arith.addf %dot_general3A_96, %add3A_100 : vector<256x768xf32>
    %convert_element_type3A_102 = arith.truncf %add3A_101 : vector<256x768xf32> to vector<256x768xbf16>
    %swap3A_103 = arith.constant 0 : index
    %swap3A_104 = arith.constant 0 : index
    %swap3A_105 = arith.constant 0 : index
    %swap3A_106 = vector.load %arg10[%swap3A_103, %swap3A_104, %swap3A_105] : memref<2x256x768xbf16, #tpu.memory_space<vmem>>, vector<1x256x768xbf16>
    %swap3A_107 = vector.shape_cast %swap3A_106 : vector<1x256x768xbf16> to vector<256x768xbf16>
    %swap3A_108 = vector.shape_cast %convert_element_type3A_102 : vector<256x768xbf16> to vector<1x256x768xbf16>
    tpu.vector_store %arg10[%swap3A_103, %swap3A_104, %swap3A_105], %swap3A_108 {strides = array<i32>} : memref<2x256x768xbf16, #tpu.memory_space<vmem>>, vector<1x256x768xbf16>,
    %get3A_109 = arith.constant 0 : index
    %get3A_110 = arith.constant 0 : index
    %get3A_111 = vector.load %arg7[%get3A_109, %get3A_110] : memref<256x768xf32, #tpu.memory_space<vmem>>, vector<256x768xf32>
    %dot_general3A_112 = arith.constant dense<0.000000e+00> : vector<256x768xf32>
    %dot_general3A_113 = tpu.matmul %add3A_81, %get3A_111, %dot_general3A_112 {dimension_numbers = #tpu.dot_dimension_numbers<[1], [0], [0], [1], [0, 0, 1, 1], [], []>, transpose_lhs_hint = false} : vector<256x256xf32>, vector<256x768xf32>, vector<256x768xf32> -> vector<256x768xf32>
    %get3A_114 = arith.constant 0 : index
    %get3A_115 = arith.constant 0 : index
    %get3A_116 = vector.load %arg8[%get3A_114, %get3A_115] : memref<1x768xf32, #tpu.memory_space<vmem>>, vector<1x768xf32>
    %add3A_117 = vector.broadcast %get3A_116 : vector<1x768xf32> to vector<256x768xf32>
    %add3A_118 = arith.addf %dot_general3A_113, %add3A_117 : vector<256x768xf32>
    %convert_element_type3A_119 = arith.truncf %add3A_118 : vector<256x768xf32> to vector<256x768xbf16>
    %swap3A_120 = arith.constant 1 : index
    %swap3A_121 = arith.constant 0 : index
    %swap3A_122 = arith.constant 0 : index
    %swap3A_123 = vector.load %arg10[%swap3A_120, %swap3A_121, %swap3A_122] : memref<2x256x768xbf16, #tpu.memory_space<vmem>>, vector<1x256x768xbf16>
    %swap3A_124 = vector.shape_cast %swap3A_123 : vector<1x256x768xbf16> to vector<256x768xbf16>
    %swap3A_125 = vector.shape_cast %convert_element_type3A_119 : vector<256x768xbf16> to vector<1x256x768xbf16>
    tpu.vector_store %arg10[%swap3A_120, %swap3A_121, %swap3A_122], %swap3A_125 {strides = array<i32>} : memref<2x256x768xbf16, #tpu.memory_space<vmem>>, vector<1x256x768xbf16>,
    return
  }
  func.func @transform_0(%arg0: i32) -> (i32, i32, i32) {
    %c0_i32 = arith.constant 0 : i32
    %c0_i32_0 = arith.constant 0 : i32
    %c0_i32_1 = arith.constant 0 : i32
    return %c0_i32, %arg0, %c0_i32_0 : i32, i32, i32
  }
  func.func @transform_1(%arg0: i32) -> (i32, i32) {
    %c0_i32 = arith.constant 0 : i32
    %c0_i32_0 = arith.constant 0 : i32
    return %arg0, %c0_i32 : i32, i32
  }
  func.func @transform_2(%arg0: i32) -> (i32, i32) {
    %c0_i32 = arith.constant 0 : i32
    %c0_i32_0 = arith.constant 0 : i32
    %c0_i32_1 = arith.constant 0 : i32
    return %c0_i32, %c0_i32_0 : i32, i32
  }
  func.func @transform_3(%arg0: i32) -> (i32, i32) {
    %c0_i32 = arith.constant 0 : i32
    %c0_i32_0 = arith.constant 0 : i32
    %c0_i32_1 = arith.constant 0 : i32
    return %c0_i32, %c0_i32_0 : i32, i32
  }
  func.func @transform_4(%arg0: i32) -> (i32, i32) {
    %c0_i32 = arith.constant 0 : i32
    %c0_i32_0 = arith.constant 0 : i32
    %c0_i32_1 = arith.constant 0 : i32
    return %c0_i32, %c0_i32_0 : i32, i32
  }
  func.func @transform_5(%arg0: i32) -> (i32, i32) {
    %c0_i32 = arith.constant 0 : i32
    %c0_i32_0 = arith.constant 0 : i32
    %c0_i32_1 = arith.constant 0 : i32
    return %c0_i32, %c0_i32_0 : i32, i32
  }
  func.func @transform_6(%arg0: i32) -> (i32, i32) {
    %c0_i32 = arith.constant 0 : i32
    %c0_i32_0 = arith.constant 0 : i32
    %c0_i32_1 = arith.constant 0 : i32
    return %c0_i32, %c0_i32_0 : i32, i32
  }
  func.func @transform_7(%arg0: i32) -> (i32, i32) {
    %c0_i32 = arith.constant 0 : i32
    %c0_i32_0 = arith.constant 0 : i32
    %c0_i32_1 = arith.constant 0 : i32
    return %c0_i32, %c0_i32_0 : i32, i32
  }
  func.func @transform_8(%arg0: i32) -> (i32, i32, i32) {
    %c0_i32 = arith.constant 0 : i32
    %c0_i32_0 = arith.constant 0 : i32
    %c0_i32_1 = arith.constant 0 : i32
    return %c0_i32, %arg0, %c0_i32_0 : i32, i32, i32
  }
  func.func @transform_9(%arg0: i32) -> (i32, i32, i32) {
    %c0_i32 = arith.constant 0 : i32
    %c0_i32_0 = arith.constant 0 : i32
    %c0_i32_1 = arith.constant 0 : i32
    return %c0_i32, %arg0, %c0_i32_0 : i32, i32, i32
  }
}

module attributes {stable_mosaic.version = 14 : i64} {
  func.func @_stage_ef_body(%arg0: i32, %arg1: memref<2x512x768xbf16, #tpu.memory_space<vmem>>, %arg2: memref<2x2048x768xbf16, #tpu.memory_space<vmem>>, %arg3: memref<2x512x256xf32, #tpu.memory_space<vmem>>, %arg4: memref<256x256xf32, #tpu.memory_space<vmem>>, %arg5: memref<1x256xf32, #tpu.memory_space<vmem>>, %arg6: memref<256x2048xf32, #tpu.memory_space<vmem>>, %arg7: memref<1x2048xf32, #tpu.memory_space<vmem>>, %arg8: memref<2048x256xf32, #tpu.memory_space<vmem>>, %arg9: memref<1x256xf32, #tpu.memory_space<vmem>>, %arg10: memref<1x256xf32, #tpu.memory_space<vmem>>, %arg11: memref<1x256xf32, #tpu.memory_space<vmem>>, %arg12: memref<1x256xf32, #tpu.memory_space<vmem>>, %arg13: memref<1x256xf32, #tpu.memory_space<vmem>>, %arg14: memref<256x16xf32, #tpu.memory_space<vmem>>, %arg15: memref<1x16xf32, #tpu.memory_space<vmem>>, %arg16: memref<512x16xf32, #tpu.memory_space<vmem>>) attributes {dimension_semantics = [#tpu.dimension_semantics<arbitrary>], iteration_bounds = array<i64: 4>, scalar_prefetch = 0 : i64, scratch_operands = 0 : i64, tpu.core_type = #tpu.core_type<tc>, window_params = [{transform_indices = @transform_0, window_bounds = array<i64: 2, 512, 768>}, {pipeline_mode = #tpu.pipeline_mode<synchronous>, transform_indices = @transform_1, window_bounds = array<i64: 2, 2048, 768>}, {transform_indices = @transform_2, window_bounds = array<i64: 2, 512, 256>}, {pipeline_mode = #tpu.pipeline_mode<synchronous>, transform_indices = @transform_3, window_bounds = array<i64: 256, 256>}, {pipeline_mode = #tpu.pipeline_mode<synchronous>, transform_indices = @transform_4, window_bounds = array<i64: 1, 256>}, {pipeline_mode = #tpu.pipeline_mode<synchronous>, transform_indices = @transform_5, window_bounds = array<i64: 256, 2048>}, {pipeline_mode = #tpu.pipeline_mode<synchronous>, transform_indices = @transform_6, window_bounds = array<i64: 1, 2048>}, {pipeline_mode = #tpu.pipeline_mode<synchronous>, transform_indices = @transform_7, window_bounds = array<i64: 2048, 256>}, {pipeline_mode = #tpu.pipeline_mode<synchronous>, transform_indices = @transform_8, window_bounds = array<i64: 1, 256>}, {pipeline_mode = #tpu.pipeline_mode<synchronous>, transform_indices = @transform_9, window_bounds = array<i64: 1, 256>}, {pipeline_mode = #tpu.pipeline_mode<synchronous>, transform_indices = @transform_10, window_bounds = array<i64: 1, 256>}, {pipeline_mode = #tpu.pipeline_mode<synchronous>, transform_indices = @transform_11, window_bounds = array<i64: 1, 256>}, {pipeline_mode = #tpu.pipeline_mode<synchronous>, transform_indices = @transform_12, window_bounds = array<i64: 1, 256>}, {pipeline_mode = #tpu.pipeline_mode<synchronous>, transform_indices = @transform_13, window_bounds = array<i64: 256, 16>}, {pipeline_mode = #tpu.pipeline_mode<synchronous>, transform_indices = @transform_14, window_bounds = array<i64: 1, 16>}, {transform_indices = @transform_15, window_bounds = array<i64: 512, 16>}]} {
    %get3A = arith.constant 0 : index
    %get3A_0 = arith.constant 0 : index
    %get3A_1 = arith.constant 0 : index
    %get3A_2 = vector.load %arg1[%get3A, %get3A_0, %get3A_1] : memref<2x512x768xbf16, #tpu.memory_space<vmem>>, vector<1x512x64xbf16>
    %get3A_3 = vector.shape_cast %get3A_2 : vector<1x512x64xbf16> to vector<512x64xbf16>
    %mul3A = arith.constant 1.250000e-01 : bf16
    %mul3A_4 = vector.broadcast %mul3A : bf16 to vector<512x64xbf16>
    %mul3A_5 = arith.mulf %get3A_3, %mul3A_4 : vector<512x64xbf16>
    %get3A_6 = arith.constant 0 : index
    %get3A_7 = arith.constant 0 : index
    %get3A_8 = arith.constant 256 : index
    %get3A_9 = vector.load %arg2[%get3A_6, %get3A_7, %get3A_8] : memref<2x2048x768xbf16, #tpu.memory_space<vmem>>, vector<1x2048x64xbf16>
    %get3A_10 = vector.shape_cast %get3A_9 : vector<1x2048x64xbf16> to vector<2048x64xbf16>
    %get3A_11 = arith.constant 0 : index
    %get3A_12 = arith.constant 0 : index
    %get3A_13 = arith.constant 512 : index
    %get3A_14 = vector.load %arg2[%get3A_11, %get3A_12, %get3A_13] : memref<2x2048x768xbf16, #tpu.memory_space<vmem>>, vector<1x2048x64xbf16>
    %get3A_15 = vector.shape_cast %get3A_14 : vector<1x2048x64xbf16> to vector<2048x64xbf16>
    %dot_general3A = arith.constant dense<0.000000e+00> : vector<512x2048xf32>
    %dot_general3A_16 = tpu.matmul %mul3A_5, %get3A_10, %dot_general3A {dimension_numbers = #tpu.dot_dimension_numbers<[1], [1], [0], [0], [0, 0, 1, 0], [], []>, transpose_lhs_hint = false} : vector<512x64xbf16>, vector<2048x64xbf16>, vector<512x2048xf32> -> vector<512x2048xf32>
    %convert_element_type3A = arith.truncf %dot_general3A_16 : vector<512x2048xf32> to vector<512x2048xbf16>
    %min3A = arith.constant 8.000000e+01 : bf16
    %min3A_17 = vector.broadcast %min3A : bf16 to vector<512x2048xbf16>
    %min3A_18 = arith.minimumf %convert_element_type3A, %min3A_17 : vector<512x2048xbf16>
    %exp3A = math.exp %min3A_18 : vector<512x2048xbf16>
    %broadcast_in_dim3A = arith.constant 1.000000e+00 : bf16
    %broadcast_in_dim3A_19 = vector.broadcast %broadcast_in_dim3A : bf16 to vector<2048x1xbf16>
    %concatenate3A = tpu.concatenate %get3A_15, %broadcast_in_dim3A_19 in 1 : vector<2048x64xbf16>, vector<2048x1xbf16> -> vector<2048x65xbf16>
    %dot_general3A_20 = arith.constant dense<0.000000e+00> : vector<512x65xf32>
    %dot_general3A_21 = tpu.matmul %exp3A, %concatenate3A, %dot_general3A_20 {dimension_numbers = #tpu.dot_dimension_numbers<[1], [0], [0], [1], [0, 0, 1, 1], [], []>, transpose_lhs_hint = false} : vector<512x2048xbf16>, vector<2048x65xbf16>, vector<512x65xf32> -> vector<512x65xf32>
    %slice3A = vector.extract_strided_slice %dot_general3A_21 {offsets = [0, 64], sizes = [512, 1], strides = [1, 1]} : vector<512x65xf32> to vector<512x1xf32>
    %div3A = arith.constant 1.000000e+00 : f32
    %div3A_22 = vector.broadcast %div3A : f32 to vector<512x1xf32>
    %div3A_23 = arith.divf %div3A_22, %slice3A : vector<512x1xf32>
    %slice3A_24 = vector.extract_strided_slice %dot_general3A_21 {offsets = [0, 0], sizes = [512, 64], strides = [1, 1]} : vector<512x65xf32> to vector<512x64xf32>
    %mul3A_25 = vector.broadcast %div3A_23 : vector<512x1xf32> to vector<512x64xf32>
    %mul3A_26 = arith.mulf %slice3A_24, %mul3A_25 : vector<512x64xf32>
    %get3A_27 = arith.constant 0 : index
    %get3A_28 = arith.constant 0 : index
    %get3A_29 = arith.constant 64 : index
    %get3A_30 = vector.load %arg1[%get3A_27, %get3A_28, %get3A_29] : memref<2x512x768xbf16, #tpu.memory_space<vmem>>, vector<1x512x64xbf16>
    %get3A_31 = vector.shape_cast %get3A_30 : vector<1x512x64xbf16> to vector<512x64xbf16>
    %mul3A_32 = arith.constant 1.250000e-01 : bf16
    %mul3A_33 = vector.broadcast %mul3A_32 : bf16 to vector<512x64xbf16>
    %mul3A_34 = arith.mulf %get3A_31, %mul3A_33 : vector<512x64xbf16>
    %get3A_35 = arith.constant 0 : index
    %get3A_36 = arith.constant 0 : index
    %get3A_37 = arith.constant 320 : index
    %get3A_38 = vector.load %arg2[%get3A_35, %get3A_36, %get3A_37] : memref<2x2048x768xbf16, #tpu.memory_space<vmem>>, vector<1x2048x64xbf16>
    %get3A_39 = vector.shape_cast %get3A_38 : vector<1x2048x64xbf16> to vector<2048x64xbf16>
    %get3A_40 = arith.constant 0 : index
    %get3A_41 = arith.constant 0 : index
    %get3A_42 = arith.constant 576 : index
    %get3A_43 = vector.load %arg2[%get3A_40, %get3A_41, %get3A_42] : memref<2x2048x768xbf16, #tpu.memory_space<vmem>>, vector<1x2048x64xbf16>
    %get3A_44 = vector.shape_cast %get3A_43 : vector<1x2048x64xbf16> to vector<2048x64xbf16>
    %dot_general3A_45 = arith.constant dense<0.000000e+00> : vector<512x2048xf32>
    %dot_general3A_46 = tpu.matmul %mul3A_34, %get3A_39, %dot_general3A_45 {dimension_numbers = #tpu.dot_dimension_numbers<[1], [1], [0], [0], [0, 0, 1, 0], [], []>, transpose_lhs_hint = false} : vector<512x64xbf16>, vector<2048x64xbf16>, vector<512x2048xf32> -> vector<512x2048xf32>
    %convert_element_type3A_47 = arith.truncf %dot_general3A_46 : vector<512x2048xf32> to vector<512x2048xbf16>
    %min3A_48 = arith.constant 8.000000e+01 : bf16
    %min3A_49 = vector.broadcast %min3A_48 : bf16 to vector<512x2048xbf16>
    %min3A_50 = arith.minimumf %convert_element_type3A_47, %min3A_49 : vector<512x2048xbf16>
    %exp3A_51 = math.exp %min3A_50 : vector<512x2048xbf16>
    %broadcast_in_dim3A_52 = arith.constant 1.000000e+00 : bf16
    %broadcast_in_dim3A_53 = vector.broadcast %broadcast_in_dim3A_52 : bf16 to vector<2048x1xbf16>
    %concatenate3A_54 = tpu.concatenate %get3A_44, %broadcast_in_dim3A_53 in 1 : vector<2048x64xbf16>, vector<2048x1xbf16> -> vector<2048x65xbf16>
    %dot_general3A_55 = arith.constant dense<0.000000e+00> : vector<512x65xf32>
    %dot_general3A_56 = tpu.matmul %exp3A_51, %concatenate3A_54, %dot_general3A_55 {dimension_numbers = #tpu.dot_dimension_numbers<[1], [0], [0], [1], [0, 0, 1, 1], [], []>, transpose_lhs_hint = false} : vector<512x2048xbf16>, vector<2048x65xbf16>, vector<512x65xf32> -> vector<512x65xf32>
    %slice3A_57 = vector.extract_strided_slice %dot_general3A_56 {offsets = [0, 64], sizes = [512, 1], strides = [1, 1]} : vector<512x65xf32> to vector<512x1xf32>
    %div3A_58 = arith.constant 1.000000e+00 : f32
    %div3A_59 = vector.broadcast %div3A_58 : f32 to vector<512x1xf32>
    %div3A_60 = arith.divf %div3A_59, %slice3A_57 : vector<512x1xf32>
    %slice3A_61 = vector.extract_strided_slice %dot_general3A_56 {offsets = [0, 0], sizes = [512, 64], strides = [1, 1]} : vector<512x65xf32> to vector<512x64xf32>
    %mul3A_62 = vector.broadcast %div3A_60 : vector<512x1xf32> to vector<512x64xf32>
    %mul3A_63 = arith.mulf %slice3A_61, %mul3A_62 : vector<512x64xf32>
    %get3A_64 = arith.constant 0 : index
    %get3A_65 = arith.constant 0 : index
    %get3A_66 = arith.constant 128 : index
    %get3A_67 = vector.load %arg1[%get3A_64, %get3A_65, %get3A_66] : memref<2x512x768xbf16, #tpu.memory_space<vmem>>, vector<1x512x64xbf16>
    %get3A_68 = vector.shape_cast %get3A_67 : vector<1x512x64xbf16> to vector<512x64xbf16>
    %mul3A_69 = arith.constant 1.250000e-01 : bf16
    %mul3A_70 = vector.broadcast %mul3A_69 : bf16 to vector<512x64xbf16>
    %mul3A_71 = arith.mulf %get3A_68, %mul3A_70 : vector<512x64xbf16>
    %get3A_72 = arith.constant 0 : index
    %get3A_73 = arith.constant 0 : index
    %get3A_74 = arith.constant 384 : index
    %get3A_75 = vector.load %arg2[%get3A_72, %get3A_73, %get3A_74] : memref<2x2048x768xbf16, #tpu.memory_space<vmem>>, vector<1x2048x64xbf16>
    %get3A_76 = vector.shape_cast %get3A_75 : vector<1x2048x64xbf16> to vector<2048x64xbf16>
    %get3A_77 = arith.constant 0 : index
    %get3A_78 = arith.constant 0 : index
    %get3A_79 = arith.constant 640 : index
    %get3A_80 = vector.load %arg2[%get3A_77, %get3A_78, %get3A_79] : memref<2x2048x768xbf16, #tpu.memory_space<vmem>>, vector<1x2048x64xbf16>
    %get3A_81 = vector.shape_cast %get3A_80 : vector<1x2048x64xbf16> to vector<2048x64xbf16>
    %dot_general3A_82 = arith.constant dense<0.000000e+00> : vector<512x2048xf32>
    %dot_general3A_83 = tpu.matmul %mul3A_71, %get3A_76, %dot_general3A_82 {dimension_numbers = #tpu.dot_dimension_numbers<[1], [1], [0], [0], [0, 0, 1, 0], [], []>, transpose_lhs_hint = false} : vector<512x64xbf16>, vector<2048x64xbf16>, vector<512x2048xf32> -> vector<512x2048xf32>
    %convert_element_type3A_84 = arith.truncf %dot_general3A_83 : vector<512x2048xf32> to vector<512x2048xbf16>
    %min3A_85 = arith.constant 8.000000e+01 : bf16
    %min3A_86 = vector.broadcast %min3A_85 : bf16 to vector<512x2048xbf16>
    %min3A_87 = arith.minimumf %convert_element_type3A_84, %min3A_86 : vector<512x2048xbf16>
    %exp3A_88 = math.exp %min3A_87 : vector<512x2048xbf16>
    %broadcast_in_dim3A_89 = arith.constant 1.000000e+00 : bf16
    %broadcast_in_dim3A_90 = vector.broadcast %broadcast_in_dim3A_89 : bf16 to vector<2048x1xbf16>
    %concatenate3A_91 = tpu.concatenate %get3A_81, %broadcast_in_dim3A_90 in 1 : vector<2048x64xbf16>, vector<2048x1xbf16> -> vector<2048x65xbf16>
    %dot_general3A_92 = arith.constant dense<0.000000e+00> : vector<512x65xf32>
    %dot_general3A_93 = tpu.matmul %exp3A_88, %concatenate3A_91, %dot_general3A_92 {dimension_numbers = #tpu.dot_dimension_numbers<[1], [0], [0], [1], [0, 0, 1, 1], [], []>, transpose_lhs_hint = false} : vector<512x2048xbf16>, vector<2048x65xbf16>, vector<512x65xf32> -> vector<512x65xf32>
    %slice3A_94 = vector.extract_strided_slice %dot_general3A_93 {offsets = [0, 64], sizes = [512, 1], strides = [1, 1]} : vector<512x65xf32> to vector<512x1xf32>
    %div3A_95 = arith.constant 1.000000e+00 : f32
    %div3A_96 = vector.broadcast %div3A_95 : f32 to vector<512x1xf32>
    %div3A_97 = arith.divf %div3A_96, %slice3A_94 : vector<512x1xf32>
    %slice3A_98 = vector.extract_strided_slice %dot_general3A_93 {offsets = [0, 0], sizes = [512, 64], strides = [1, 1]} : vector<512x65xf32> to vector<512x64xf32>
    %mul3A_99 = vector.broadcast %div3A_97 : vector<512x1xf32> to vector<512x64xf32>
    %mul3A_100 = arith.mulf %slice3A_98, %mul3A_99 : vector<512x64xf32>
    %get3A_101 = arith.constant 0 : index
    %get3A_102 = arith.constant 0 : index
    %get3A_103 = arith.constant 192 : index
    %get3A_104 = vector.load %arg1[%get3A_101, %get3A_102, %get3A_103] : memref<2x512x768xbf16, #tpu.memory_space<vmem>>, vector<1x512x64xbf16>
    %get3A_105 = vector.shape_cast %get3A_104 : vector<1x512x64xbf16> to vector<512x64xbf16>
    %mul3A_106 = arith.constant 1.250000e-01 : bf16
    %mul3A_107 = vector.broadcast %mul3A_106 : bf16 to vector<512x64xbf16>
    %mul3A_108 = arith.mulf %get3A_105, %mul3A_107 : vector<512x64xbf16>
    %get3A_109 = arith.constant 0 : index
    %get3A_110 = arith.constant 0 : index
    %get3A_111 = arith.constant 448 : index
    %get3A_112 = vector.load %arg2[%get3A_109, %get3A_110, %get3A_111] : memref<2x2048x768xbf16, #tpu.memory_space<vmem>>, vector<1x2048x64xbf16>
    %get3A_113 = vector.shape_cast %get3A_112 : vector<1x2048x64xbf16> to vector<2048x64xbf16>
    %get3A_114 = arith.constant 0 : index
    %get3A_115 = arith.constant 0 : index
    %get3A_116 = arith.constant 704 : index
    %get3A_117 = vector.load %arg2[%get3A_114, %get3A_115, %get3A_116] : memref<2x2048x768xbf16, #tpu.memory_space<vmem>>, vector<1x2048x64xbf16>
    %get3A_118 = vector.shape_cast %get3A_117 : vector<1x2048x64xbf16> to vector<2048x64xbf16>
    %dot_general3A_119 = arith.constant dense<0.000000e+00> : vector<512x2048xf32>
    %dot_general3A_120 = tpu.matmul %mul3A_108, %get3A_113, %dot_general3A_119 {dimension_numbers = #tpu.dot_dimension_numbers<[1], [1], [0], [0], [0, 0, 1, 0], [], []>, transpose_lhs_hint = false} : vector<512x64xbf16>, vector<2048x64xbf16>, vector<512x2048xf32> -> vector<512x2048xf32>
    %convert_element_type3A_121 = arith.truncf %dot_general3A_120 : vector<512x2048xf32> to vector<512x2048xbf16>
    %min3A_122 = arith.constant 8.000000e+01 : bf16
    %min3A_123 = vector.broadcast %min3A_122 : bf16 to vector<512x2048xbf16>
    %min3A_124 = arith.minimumf %convert_element_type3A_121, %min3A_123 : vector<512x2048xbf16>
    %exp3A_125 = math.exp %min3A_124 : vector<512x2048xbf16>
    %broadcast_in_dim3A_126 = arith.constant 1.000000e+00 : bf16
    %broadcast_in_dim3A_127 = vector.broadcast %broadcast_in_dim3A_126 : bf16 to vector<2048x1xbf16>
    %concatenate3A_128 = tpu.concatenate %get3A_118, %broadcast_in_dim3A_127 in 1 : vector<2048x64xbf16>, vector<2048x1xbf16> -> vector<2048x65xbf16>
    %dot_general3A_129 = arith.constant dense<0.000000e+00> : vector<512x65xf32>
    %dot_general3A_130 = tpu.matmul %exp3A_125, %concatenate3A_128, %dot_general3A_129 {dimension_numbers = #tpu.dot_dimension_numbers<[1], [0], [0], [1], [0, 0, 1, 1], [], []>, transpose_lhs_hint = false} : vector<512x2048xbf16>, vector<2048x65xbf16>, vector<512x65xf32> -> vector<512x65xf32>
    %slice3A_131 = vector.extract_strided_slice %dot_general3A_130 {offsets = [0, 64], sizes = [512, 1], strides = [1, 1]} : vector<512x65xf32> to vector<512x1xf32>
    %div3A_132 = arith.constant 1.000000e+00 : f32
    %div3A_133 = vector.broadcast %div3A_132 : f32 to vector<512x1xf32>
    %div3A_134 = arith.divf %div3A_133, %slice3A_131 : vector<512x1xf32>
    %slice3A_135 = vector.extract_strided_slice %dot_general3A_130 {offsets = [0, 0], sizes = [512, 64], strides = [1, 1]} : vector<512x65xf32> to vector<512x64xf32>
    %mul3A_136 = vector.broadcast %div3A_134 : vector<512x1xf32> to vector<512x64xf32>
    %mul3A_137 = arith.mulf %slice3A_135, %mul3A_136 : vector<512x64xf32>
    %concatenate3A_138 = tpu.concatenate %mul3A_26, %mul3A_63, %mul3A_100, %mul3A_137 in 1 : vector<512x64xf32>, vector<512x64xf32>, vector<512x64xf32>, vector<512x64xf32> -> vector<512x256xf32>
    %get3A_139 = arith.constant 0 : index
    %get3A_140 = arith.constant 0 : index
    %get3A_141 = vector.load %arg4[%get3A_139, %get3A_140] : memref<256x256xf32, #tpu.memory_space<vmem>>, vector<256x256xf32>
    %dot_general3A_142 = arith.constant dense<0.000000e+00> : vector<512x256xf32>
    %dot_general3A_143 = tpu.matmul %concatenate3A_138, %get3A_141, %dot_general3A_142 {dimension_numbers = #tpu.dot_dimension_numbers<[1], [0], [0], [1], [0, 0, 1, 1], [], []>, transpose_lhs_hint = false} : vector<512x256xf32>, vector<256x256xf32>, vector<512x256xf32> -> vector<512x256xf32>
    %get3A_144 = arith.constant 0 : index
    %get3A_145 = arith.constant 0 : index
    %get3A_146 = vector.load %arg5[%get3A_144, %get3A_145] : memref<1x256xf32, #tpu.memory_space<vmem>>, vector<1x256xf32>
    %add3A = vector.broadcast %get3A_146 : vector<1x256xf32> to vector<512x256xf32>
    %add3A_147 = arith.addf %dot_general3A_143, %add3A : vector<512x256xf32>
    %get3A_148 = arith.constant 0 : index
    %get3A_149 = arith.constant 0 : index
    %get3A_150 = arith.constant 0 : index
    %get3A_151 = vector.load %arg3[%get3A_148, %get3A_149, %get3A_150] : memref<2x512x256xf32, #tpu.memory_space<vmem>>, vector<1x512x256xf32>
    %get3A_152 = vector.shape_cast %get3A_151 : vector<1x512x256xf32> to vector<512x256xf32>
    %add3A_153 = arith.addf %get3A_152, %add3A_147 : vector<512x256xf32>
    %get3A_154 = arith.constant 0 : index
    %get3A_155 = arith.constant 0 : index
    %get3A_156 = vector.load %arg10[%get3A_154, %get3A_155] : memref<1x256xf32, #tpu.memory_space<vmem>>, vector<1x256xf32>
    %get3A_157 = arith.constant 0 : index
    %get3A_158 = arith.constant 0 : index
    %get3A_159 = vector.load %arg11[%get3A_157, %get3A_158] : memref<1x256xf32, #tpu.memory_space<vmem>>, vector<1x256xf32>
    %reduce_sum3A = arith.constant dense<0.000000e+00> : vector<512xf32>
    %reduce_sum3A_160 = vector.multi_reduction <add>, %add3A_153, %reduce_sum3A [1] : vector<512x256xf32> to vector<512xf32>
    %broadcast_in_dim3A_161 = vector.shape_cast %reduce_sum3A_160 : vector<512xf32> to vector<512x1xf32>
    %div3A_162 = arith.constant 2.560000e+02 : f32
    %div3A_163 = vector.broadcast %div3A_162 : f32 to vector<512x1xf32>
    %div3A_164 = arith.divf %broadcast_in_dim3A_161, %div3A_163 : vector<512x1xf32>
    %sub3A = vector.broadcast %div3A_164 : vector<512x1xf32> to vector<512x256xf32>
    %sub3A_165 = arith.subf %add3A_153, %sub3A : vector<512x256xf32>
    %integer_pow3A = arith.mulf %sub3A_165, %sub3A_165 : vector<512x256xf32>
    %reduce_sum3A_166 = arith.constant dense<0.000000e+00> : vector<512xf32>
    %reduce_sum3A_167 = vector.multi_reduction <add>, %integer_pow3A, %reduce_sum3A_166 [1] : vector<512x256xf32> to vector<512xf32>
    %broadcast_in_dim3A_168 = vector.shape_cast %reduce_sum3A_167 : vector<512xf32> to vector<512x1xf32>
    %div3A_169 = arith.constant 2.560000e+02 : f32
    %div3A_170 = vector.broadcast %div3A_169 : f32 to vector<512x1xf32>
    %div3A_171 = arith.divf %broadcast_in_dim3A_168, %div3A_170 : vector<512x1xf32>
    %sub3A_172 = vector.broadcast %div3A_164 : vector<512x1xf32> to vector<512x256xf32>
    %sub3A_173 = arith.subf %add3A_153, %sub3A_172 : vector<512x256xf32>
    %add3A_174 = arith.constant 9.99999974E-6 : f32
    %add3A_175 = vector.broadcast %add3A_174 : f32 to vector<512x1xf32>
    %add3A_176 = arith.addf %div3A_171, %add3A_175 : vector<512x1xf32>
    %sqrt3A = math.sqrt %add3A_176 : vector<512x1xf32>
    %div3A_177 = vector.broadcast %sqrt3A : vector<512x1xf32> to vector<512x256xf32>
    %div3A_178 = arith.divf %sub3A_173, %div3A_177 : vector<512x256xf32>
    %mul3A_179 = vector.broadcast %get3A_156 : vector<1x256xf32> to vector<512x256xf32>
    %mul3A_180 = arith.mulf %div3A_178, %mul3A_179 : vector<512x256xf32>
    %add3A_181 = vector.broadcast %get3A_159 : vector<1x256xf32> to vector<512x256xf32>
    %add3A_182 = arith.addf %mul3A_180, %add3A_181 : vector<512x256xf32>
    %get3A_183 = arith.constant 0 : index
    %get3A_184 = arith.constant 0 : index
    %get3A_185 = vector.load %arg6[%get3A_183, %get3A_184] : memref<256x2048xf32, #tpu.memory_space<vmem>>, vector<256x2048xf32>
    %dot_general3A_186 = arith.constant dense<0.000000e+00> : vector<512x2048xf32>
    %dot_general3A_187 = tpu.matmul %add3A_182, %get3A_185, %dot_general3A_186 {dimension_numbers = #tpu.dot_dimension_numbers<[1], [0], [0], [1], [0, 0, 1, 1], [], []>, transpose_lhs_hint = false} : vector<512x256xf32>, vector<256x2048xf32>, vector<512x2048xf32> -> vector<512x2048xf32>
    %get3A_188 = arith.constant 0 : index
    %get3A_189 = arith.constant 0 : index
    %get3A_190 = vector.load %arg7[%get3A_188, %get3A_189] : memref<1x2048xf32, #tpu.memory_space<vmem>>, vector<1x2048xf32>
    %add3A_191 = vector.broadcast %get3A_190 : vector<1x2048xf32> to vector<512x2048xf32>
    %add3A_192 = arith.addf %dot_general3A_187, %add3A_191 : vector<512x2048xf32>
    %max3A = arith.constant 0.000000e+00 : f32
    %max3A_193 = vector.broadcast %max3A : f32 to vector<512x2048xf32>
    %max3A_194 = arith.maximumf %add3A_192, %max3A_193 : vector<512x2048xf32>
    %get3A_195 = arith.constant 0 : index
    %get3A_196 = arith.constant 0 : index
    %get3A_197 = vector.load %arg8[%get3A_195, %get3A_196] : memref<2048x256xf32, #tpu.memory_space<vmem>>, vector<2048x256xf32>
    %dot_general3A_198 = arith.constant dense<0.000000e+00> : vector<512x256xf32>
    %dot_general3A_199 = tpu.matmul %max3A_194, %get3A_197, %dot_general3A_198 {dimension_numbers = #tpu.dot_dimension_numbers<[1], [0], [0], [1], [0, 0, 1, 1], [], []>, transpose_lhs_hint = false} : vector<512x2048xf32>, vector<2048x256xf32>, vector<512x256xf32> -> vector<512x256xf32>
    %get3A_200 = arith.constant 0 : index
    %get3A_201 = arith.constant 0 : index
    %get3A_202 = vector.load %arg9[%get3A_200, %get3A_201] : memref<1x256xf32, #tpu.memory_space<vmem>>, vector<1x256xf32>
    %add3A_203 = vector.broadcast %get3A_202 : vector<1x256xf32> to vector<512x256xf32>
    %add3A_204 = arith.addf %dot_general3A_199, %add3A_203 : vector<512x256xf32>
    %add3A_205 = arith.addf %add3A_182, %add3A_204 : vector<512x256xf32>
    %get3A_206 = arith.constant 0 : index
    %get3A_207 = arith.constant 0 : index
    %get3A_208 = vector.load %arg12[%get3A_206, %get3A_207] : memref<1x256xf32, #tpu.memory_space<vmem>>, vector<1x256xf32>
    %get3A_209 = arith.constant 0 : index
    %get3A_210 = arith.constant 0 : index
    %get3A_211 = vector.load %arg13[%get3A_209, %get3A_210] : memref<1x256xf32, #tpu.memory_space<vmem>>, vector<1x256xf32>
    %reduce_sum3A_212 = arith.constant dense<0.000000e+00> : vector<512xf32>
    %reduce_sum3A_213 = vector.multi_reduction <add>, %add3A_205, %reduce_sum3A_212 [1] : vector<512x256xf32> to vector<512xf32>
    %broadcast_in_dim3A_214 = vector.shape_cast %reduce_sum3A_213 : vector<512xf32> to vector<512x1xf32>
    %div3A_215 = arith.constant 2.560000e+02 : f32
    %div3A_216 = vector.broadcast %div3A_215 : f32 to vector<512x1xf32>
    %div3A_217 = arith.divf %broadcast_in_dim3A_214, %div3A_216 : vector<512x1xf32>
    %sub3A_218 = vector.broadcast %div3A_217 : vector<512x1xf32> to vector<512x256xf32>
    %sub3A_219 = arith.subf %add3A_205, %sub3A_218 : vector<512x256xf32>
    %integer_pow3A_220 = arith.mulf %sub3A_219, %sub3A_219 : vector<512x256xf32>
    %reduce_sum3A_221 = arith.constant dense<0.000000e+00> : vector<512xf32>
    %reduce_sum3A_222 = vector.multi_reduction <add>, %integer_pow3A_220, %reduce_sum3A_221 [1] : vector<512x256xf32> to vector<512xf32>
    %broadcast_in_dim3A_223 = vector.shape_cast %reduce_sum3A_222 : vector<512xf32> to vector<512x1xf32>
    %div3A_224 = arith.constant 2.560000e+02 : f32
    %div3A_225 = vector.broadcast %div3A_224 : f32 to vector<512x1xf32>
    %div3A_226 = arith.divf %broadcast_in_dim3A_223, %div3A_225 : vector<512x1xf32>
    %sub3A_227 = vector.broadcast %div3A_217 : vector<512x1xf32> to vector<512x256xf32>
    %sub3A_228 = arith.subf %add3A_205, %sub3A_227 : vector<512x256xf32>
    %add3A_229 = arith.constant 9.99999974E-6 : f32
    %add3A_230 = vector.broadcast %add3A_229 : f32 to vector<512x1xf32>
    %add3A_231 = arith.addf %div3A_226, %add3A_230 : vector<512x1xf32>
    %sqrt3A_232 = math.sqrt %add3A_231 : vector<512x1xf32>
    %div3A_233 = vector.broadcast %sqrt3A_232 : vector<512x1xf32> to vector<512x256xf32>
    %div3A_234 = arith.divf %sub3A_228, %div3A_233 : vector<512x256xf32>
    %mul3A_235 = vector.broadcast %get3A_208 : vector<1x256xf32> to vector<512x256xf32>
    %mul3A_236 = arith.mulf %div3A_234, %mul3A_235 : vector<512x256xf32>
    %add3A_237 = vector.broadcast %get3A_211 : vector<1x256xf32> to vector<512x256xf32>
    %add3A_238 = arith.addf %mul3A_236, %add3A_237 : vector<512x256xf32>
    %get3A_239 = arith.constant 1 : index
    %get3A_240 = arith.constant 0 : index
    %get3A_241 = arith.constant 0 : index
    %get3A_242 = vector.load %arg1[%get3A_239, %get3A_240, %get3A_241] : memref<2x512x768xbf16, #tpu.memory_space<vmem>>, vector<1x512x64xbf16>
    %get3A_243 = vector.shape_cast %get3A_242 : vector<1x512x64xbf16> to vector<512x64xbf16>
    %mul3A_244 = arith.constant 1.250000e-01 : bf16
    %mul3A_245 = vector.broadcast %mul3A_244 : bf16 to vector<512x64xbf16>
    %mul3A_246 = arith.mulf %get3A_243, %mul3A_245 : vector<512x64xbf16>
    %get3A_247 = arith.constant 1 : index
    %get3A_248 = arith.constant 0 : index
    %get3A_249 = arith.constant 256 : index
    %get3A_250 = vector.load %arg2[%get3A_247, %get3A_248, %get3A_249] : memref<2x2048x768xbf16, #tpu.memory_space<vmem>>, vector<1x2048x64xbf16>
    %get3A_251 = vector.shape_cast %get3A_250 : vector<1x2048x64xbf16> to vector<2048x64xbf16>
    %get3A_252 = arith.constant 1 : index
    %get3A_253 = arith.constant 0 : index
    %get3A_254 = arith.constant 512 : index
    %get3A_255 = vector.load %arg2[%get3A_252, %get3A_253, %get3A_254] : memref<2x2048x768xbf16, #tpu.memory_space<vmem>>, vector<1x2048x64xbf16>
    %get3A_256 = vector.shape_cast %get3A_255 : vector<1x2048x64xbf16> to vector<2048x64xbf16>
    %dot_general3A_257 = arith.constant dense<0.000000e+00> : vector<512x2048xf32>
    %dot_general3A_258 = tpu.matmul %mul3A_246, %get3A_251, %dot_general3A_257 {dimension_numbers = #tpu.dot_dimension_numbers<[1], [1], [0], [0], [0, 0, 1, 0], [], []>, transpose_lhs_hint = false} : vector<512x64xbf16>, vector<2048x64xbf16>, vector<512x2048xf32> -> vector<512x2048xf32>
    %convert_element_type3A_259 = arith.truncf %dot_general3A_258 : vector<512x2048xf32> to vector<512x2048xbf16>
    %min3A_260 = arith.constant 8.000000e+01 : bf16
    %min3A_261 = vector.broadcast %min3A_260 : bf16 to vector<512x2048xbf16>
    %min3A_262 = arith.minimumf %convert_element_type3A_259, %min3A_261 : vector<512x2048xbf16>
    %exp3A_263 = math.exp %min3A_262 : vector<512x2048xbf16>
    %broadcast_in_dim3A_264 = arith.constant 1.000000e+00 : bf16
    %broadcast_in_dim3A_265 = vector.broadcast %broadcast_in_dim3A_264 : bf16 to vector<2048x1xbf16>
    %concatenate3A_266 = tpu.concatenate %get3A_256, %broadcast_in_dim3A_265 in 1 : vector<2048x64xbf16>, vector<2048x1xbf16> -> vector<2048x65xbf16>
    %dot_general3A_267 = arith.constant dense<0.000000e+00> : vector<512x65xf32>
    %dot_general3A_268 = tpu.matmul %exp3A_263, %concatenate3A_266, %dot_general3A_267 {dimension_numbers = #tpu.dot_dimension_numbers<[1], [0], [0], [1], [0, 0, 1, 1], [], []>, transpose_lhs_hint = false} : vector<512x2048xbf16>, vector<2048x65xbf16>, vector<512x65xf32> -> vector<512x65xf32>
    %slice3A_269 = vector.extract_strided_slice %dot_general3A_268 {offsets = [0, 64], sizes = [512, 1], strides = [1, 1]} : vector<512x65xf32> to vector<512x1xf32>
    %div3A_270 = arith.constant 1.000000e+00 : f32
    %div3A_271 = vector.broadcast %div3A_270 : f32 to vector<512x1xf32>
    %div3A_272 = arith.divf %div3A_271, %slice3A_269 : vector<512x1xf32>
    %slice3A_273 = vector.extract_strided_slice %dot_general3A_268 {offsets = [0, 0], sizes = [512, 64], strides = [1, 1]} : vector<512x65xf32> to vector<512x64xf32>
    %mul3A_274 = vector.broadcast %div3A_272 : vector<512x1xf32> to vector<512x64xf32>
    %mul3A_275 = arith.mulf %slice3A_273, %mul3A_274 : vector<512x64xf32>
    %get3A_276 = arith.constant 1 : index
    %get3A_277 = arith.constant 0 : index
    %get3A_278 = arith.constant 64 : index
    %get3A_279 = vector.load %arg1[%get3A_276, %get3A_277, %get3A_278] : memref<2x512x768xbf16, #tpu.memory_space<vmem>>, vector<1x512x64xbf16>
    %get3A_280 = vector.shape_cast %get3A_279 : vector<1x512x64xbf16> to vector<512x64xbf16>
    %mul3A_281 = arith.constant 1.250000e-01 : bf16
    %mul3A_282 = vector.broadcast %mul3A_281 : bf16 to vector<512x64xbf16>
    %mul3A_283 = arith.mulf %get3A_280, %mul3A_282 : vector<512x64xbf16>
    %get3A_284 = arith.constant 1 : index
    %get3A_285 = arith.constant 0 : index
    %get3A_286 = arith.constant 320 : index
    %get3A_287 = vector.load %arg2[%get3A_284, %get3A_285, %get3A_286] : memref<2x2048x768xbf16, #tpu.memory_space<vmem>>, vector<1x2048x64xbf16>
    %get3A_288 = vector.shape_cast %get3A_287 : vector<1x2048x64xbf16> to vector<2048x64xbf16>
    %get3A_289 = arith.constant 1 : index
    %get3A_290 = arith.constant 0 : index
    %get3A_291 = arith.constant 576 : index
    %get3A_292 = vector.load %arg2[%get3A_289, %get3A_290, %get3A_291] : memref<2x2048x768xbf16, #tpu.memory_space<vmem>>, vector<1x2048x64xbf16>
    %get3A_293 = vector.shape_cast %get3A_292 : vector<1x2048x64xbf16> to vector<2048x64xbf16>
    %dot_general3A_294 = arith.constant dense<0.000000e+00> : vector<512x2048xf32>
    %dot_general3A_295 = tpu.matmul %mul3A_283, %get3A_288, %dot_general3A_294 {dimension_numbers = #tpu.dot_dimension_numbers<[1], [1], [0], [0], [0, 0, 1, 0], [], []>, transpose_lhs_hint = false} : vector<512x64xbf16>, vector<2048x64xbf16>, vector<512x2048xf32> -> vector<512x2048xf32>
    %convert_element_type3A_296 = arith.truncf %dot_general3A_295 : vector<512x2048xf32> to vector<512x2048xbf16>
    %min3A_297 = arith.constant 8.000000e+01 : bf16
    %min3A_298 = vector.broadcast %min3A_297 : bf16 to vector<512x2048xbf16>
    %min3A_299 = arith.minimumf %convert_element_type3A_296, %min3A_298 : vector<512x2048xbf16>
    %exp3A_300 = math.exp %min3A_299 : vector<512x2048xbf16>
    %broadcast_in_dim3A_301 = arith.constant 1.000000e+00 : bf16
    %broadcast_in_dim3A_302 = vector.broadcast %broadcast_in_dim3A_301 : bf16 to vector<2048x1xbf16>
    %concatenate3A_303 = tpu.concatenate %get3A_293, %broadcast_in_dim3A_302 in 1 : vector<2048x64xbf16>, vector<2048x1xbf16> -> vector<2048x65xbf16>
    %dot_general3A_304 = arith.constant dense<0.000000e+00> : vector<512x65xf32>
    %dot_general3A_305 = tpu.matmul %exp3A_300, %concatenate3A_303, %dot_general3A_304 {dimension_numbers = #tpu.dot_dimension_numbers<[1], [0], [0], [1], [0, 0, 1, 1], [], []>, transpose_lhs_hint = false} : vector<512x2048xbf16>, vector<2048x65xbf16>, vector<512x65xf32> -> vector<512x65xf32>
    %slice3A_306 = vector.extract_strided_slice %dot_general3A_305 {offsets = [0, 64], sizes = [512, 1], strides = [1, 1]} : vector<512x65xf32> to vector<512x1xf32>
    %div3A_307 = arith.constant 1.000000e+00 : f32
    %div3A_308 = vector.broadcast %div3A_307 : f32 to vector<512x1xf32>
    %div3A_309 = arith.divf %div3A_308, %slice3A_306 : vector<512x1xf32>
    %slice3A_310 = vector.extract_strided_slice %dot_general3A_305 {offsets = [0, 0], sizes = [512, 64], strides = [1, 1]} : vector<512x65xf32> to vector<512x64xf32>
    %mul3A_311 = vector.broadcast %div3A_309 : vector<512x1xf32> to vector<512x64xf32>
    %mul3A_312 = arith.mulf %slice3A_310, %mul3A_311 : vector<512x64xf32>
    %get3A_313 = arith.constant 1 : index
    %get3A_314 = arith.constant 0 : index
    %get3A_315 = arith.constant 128 : index
    %get3A_316 = vector.load %arg1[%get3A_313, %get3A_314, %get3A_315] : memref<2x512x768xbf16, #tpu.memory_space<vmem>>, vector<1x512x64xbf16>
    %get3A_317 = vector.shape_cast %get3A_316 : vector<1x512x64xbf16> to vector<512x64xbf16>
    %mul3A_318 = arith.constant 1.250000e-01 : bf16
    %mul3A_319 = vector.broadcast %mul3A_318 : bf16 to vector<512x64xbf16>
    %mul3A_320 = arith.mulf %get3A_317, %mul3A_319 : vector<512x64xbf16>
    %get3A_321 = arith.constant 1 : index
    %get3A_322 = arith.constant 0 : index
    %get3A_323 = arith.constant 384 : index
    %get3A_324 = vector.load %arg2[%get3A_321, %get3A_322, %get3A_323] : memref<2x2048x768xbf16, #tpu.memory_space<vmem>>, vector<1x2048x64xbf16>
    %get3A_325 = vector.shape_cast %get3A_324 : vector<1x2048x64xbf16> to vector<2048x64xbf16>
    %get3A_326 = arith.constant 1 : index
    %get3A_327 = arith.constant 0 : index
    %get3A_328 = arith.constant 640 : index
    %get3A_329 = vector.load %arg2[%get3A_326, %get3A_327, %get3A_328] : memref<2x2048x768xbf16, #tpu.memory_space<vmem>>, vector<1x2048x64xbf16>
    %get3A_330 = vector.shape_cast %get3A_329 : vector<1x2048x64xbf16> to vector<2048x64xbf16>
    %dot_general3A_331 = arith.constant dense<0.000000e+00> : vector<512x2048xf32>
    %dot_general3A_332 = tpu.matmul %mul3A_320, %get3A_325, %dot_general3A_331 {dimension_numbers = #tpu.dot_dimension_numbers<[1], [1], [0], [0], [0, 0, 1, 0], [], []>, transpose_lhs_hint = false} : vector<512x64xbf16>, vector<2048x64xbf16>, vector<512x2048xf32> -> vector<512x2048xf32>
    %convert_element_type3A_333 = arith.truncf %dot_general3A_332 : vector<512x2048xf32> to vector<512x2048xbf16>
    %min3A_334 = arith.constant 8.000000e+01 : bf16
    %min3A_335 = vector.broadcast %min3A_334 : bf16 to vector<512x2048xbf16>
    %min3A_336 = arith.minimumf %convert_element_type3A_333, %min3A_335 : vector<512x2048xbf16>
    %exp3A_337 = math.exp %min3A_336 : vector<512x2048xbf16>
    %broadcast_in_dim3A_338 = arith.constant 1.000000e+00 : bf16
    %broadcast_in_dim3A_339 = vector.broadcast %broadcast_in_dim3A_338 : bf16 to vector<2048x1xbf16>
    %concatenate3A_340 = tpu.concatenate %get3A_330, %broadcast_in_dim3A_339 in 1 : vector<2048x64xbf16>, vector<2048x1xbf16> -> vector<2048x65xbf16>
    %dot_general3A_341 = arith.constant dense<0.000000e+00> : vector<512x65xf32>
    %dot_general3A_342 = tpu.matmul %exp3A_337, %concatenate3A_340, %dot_general3A_341 {dimension_numbers = #tpu.dot_dimension_numbers<[1], [0], [0], [1], [0, 0, 1, 1], [], []>, transpose_lhs_hint = false} : vector<512x2048xbf16>, vector<2048x65xbf16>, vector<512x65xf32> -> vector<512x65xf32>
    %slice3A_343 = vector.extract_strided_slice %dot_general3A_342 {offsets = [0, 64], sizes = [512, 1], strides = [1, 1]} : vector<512x65xf32> to vector<512x1xf32>
    %div3A_344 = arith.constant 1.000000e+00 : f32
    %div3A_345 = vector.broadcast %div3A_344 : f32 to vector<512x1xf32>
    %div3A_346 = arith.divf %div3A_345, %slice3A_343 : vector<512x1xf32>
    %slice3A_347 = vector.extract_strided_slice %dot_general3A_342 {offsets = [0, 0], sizes = [512, 64], strides = [1, 1]} : vector<512x65xf32> to vector<512x64xf32>
    %mul3A_348 = vector.broadcast %div3A_346 : vector<512x1xf32> to vector<512x64xf32>
    %mul3A_349 = arith.mulf %slice3A_347, %mul3A_348 : vector<512x64xf32>
    %get3A_350 = arith.constant 1 : index
    %get3A_351 = arith.constant 0 : index
    %get3A_352 = arith.constant 192 : index
    %get3A_353 = vector.load %arg1[%get3A_350, %get3A_351, %get3A_352] : memref<2x512x768xbf16, #tpu.memory_space<vmem>>, vector<1x512x64xbf16>
    %get3A_354 = vector.shape_cast %get3A_353 : vector<1x512x64xbf16> to vector<512x64xbf16>
    %mul3A_355 = arith.constant 1.250000e-01 : bf16
    %mul3A_356 = vector.broadcast %mul3A_355 : bf16 to vector<512x64xbf16>
    %mul3A_357 = arith.mulf %get3A_354, %mul3A_356 : vector<512x64xbf16>
    %get3A_358 = arith.constant 1 : index
    %get3A_359 = arith.constant 0 : index
    %get3A_360 = arith.constant 448 : index
    %get3A_361 = vector.load %arg2[%get3A_358, %get3A_359, %get3A_360] : memref<2x2048x768xbf16, #tpu.memory_space<vmem>>, vector<1x2048x64xbf16>
    %get3A_362 = vector.shape_cast %get3A_361 : vector<1x2048x64xbf16> to vector<2048x64xbf16>
    %get3A_363 = arith.constant 1 : index
    %get3A_364 = arith.constant 0 : index
    %get3A_365 = arith.constant 704 : index
    %get3A_366 = vector.load %arg2[%get3A_363, %get3A_364, %get3A_365] : memref<2x2048x768xbf16, #tpu.memory_space<vmem>>, vector<1x2048x64xbf16>
    %get3A_367 = vector.shape_cast %get3A_366 : vector<1x2048x64xbf16> to vector<2048x64xbf16>
    %dot_general3A_368 = arith.constant dense<0.000000e+00> : vector<512x2048xf32>
    %dot_general3A_369 = tpu.matmul %mul3A_357, %get3A_362, %dot_general3A_368 {dimension_numbers = #tpu.dot_dimension_numbers<[1], [1], [0], [0], [0, 0, 1, 0], [], []>, transpose_lhs_hint = false} : vector<512x64xbf16>, vector<2048x64xbf16>, vector<512x2048xf32> -> vector<512x2048xf32>
    %convert_element_type3A_370 = arith.truncf %dot_general3A_369 : vector<512x2048xf32> to vector<512x2048xbf16>
    %min3A_371 = arith.constant 8.000000e+01 : bf16
    %min3A_372 = vector.broadcast %min3A_371 : bf16 to vector<512x2048xbf16>
    %min3A_373 = arith.minimumf %convert_element_type3A_370, %min3A_372 : vector<512x2048xbf16>
    %exp3A_374 = math.exp %min3A_373 : vector<512x2048xbf16>
    %broadcast_in_dim3A_375 = arith.constant 1.000000e+00 : bf16
    %broadcast_in_dim3A_376 = vector.broadcast %broadcast_in_dim3A_375 : bf16 to vector<2048x1xbf16>
    %concatenate3A_377 = tpu.concatenate %get3A_367, %broadcast_in_dim3A_376 in 1 : vector<2048x64xbf16>, vector<2048x1xbf16> -> vector<2048x65xbf16>
    %dot_general3A_378 = arith.constant dense<0.000000e+00> : vector<512x65xf32>
    %dot_general3A_379 = tpu.matmul %exp3A_374, %concatenate3A_377, %dot_general3A_378 {dimension_numbers = #tpu.dot_dimension_numbers<[1], [0], [0], [1], [0, 0, 1, 1], [], []>, transpose_lhs_hint = false} : vector<512x2048xbf16>, vector<2048x65xbf16>, vector<512x65xf32> -> vector<512x65xf32>
    %slice3A_380 = vector.extract_strided_slice %dot_general3A_379 {offsets = [0, 64], sizes = [512, 1], strides = [1, 1]} : vector<512x65xf32> to vector<512x1xf32>
    %div3A_381 = arith.constant 1.000000e+00 : f32
    %div3A_382 = vector.broadcast %div3A_381 : f32 to vector<512x1xf32>
    %div3A_383 = arith.divf %div3A_382, %slice3A_380 : vector<512x1xf32>
    %slice3A_384 = vector.extract_strided_slice %dot_general3A_379 {offsets = [0, 0], sizes = [512, 64], strides = [1, 1]} : vector<512x65xf32> to vector<512x64xf32>
    %mul3A_385 = vector.broadcast %div3A_383 : vector<512x1xf32> to vector<512x64xf32>
    %mul3A_386 = arith.mulf %slice3A_384, %mul3A_385 : vector<512x64xf32>
    %concatenate3A_387 = tpu.concatenate %mul3A_275, %mul3A_312, %mul3A_349, %mul3A_386 in 1 : vector<512x64xf32>, vector<512x64xf32>, vector<512x64xf32>, vector<512x64xf32> -> vector<512x256xf32>
    %get3A_388 = arith.constant 0 : index
    %get3A_389 = arith.constant 0 : index
    %get3A_390 = vector.load %arg4[%get3A_388, %get3A_389] : memref<256x256xf32, #tpu.memory_space<vmem>>, vector<256x256xf32>
    %dot_general3A_391 = arith.constant dense<0.000000e+00> : vector<512x256xf32>
    %dot_general3A_392 = tpu.matmul %concatenate3A_387, %get3A_390, %dot_general3A_391 {dimension_numbers = #tpu.dot_dimension_numbers<[1], [0], [0], [1], [0, 0, 1, 1], [], []>, transpose_lhs_hint = false} : vector<512x256xf32>, vector<256x256xf32>, vector<512x256xf32> -> vector<512x256xf32>
    %get3A_393 = arith.constant 0 : index
    %get3A_394 = arith.constant 0 : index
    %get3A_395 = vector.load %arg5[%get3A_393, %get3A_394] : memref<1x256xf32, #tpu.memory_space<vmem>>, vector<1x256xf32>
    %add3A_396 = vector.broadcast %get3A_395 : vector<1x256xf32> to vector<512x256xf32>
    %add3A_397 = arith.addf %dot_general3A_392, %add3A_396 : vector<512x256xf32>
    %get3A_398 = arith.constant 1 : index
    %get3A_399 = arith.constant 0 : index
    %get3A_400 = arith.constant 0 : index
    %get3A_401 = vector.load %arg3[%get3A_398, %get3A_399, %get3A_400] : memref<2x512x256xf32, #tpu.memory_space<vmem>>, vector<1x512x256xf32>
    %get3A_402 = vector.shape_cast %get3A_401 : vector<1x512x256xf32> to vector<512x256xf32>
    %add3A_403 = arith.addf %get3A_402, %add3A_397 : vector<512x256xf32>
    %get3A_404 = arith.constant 0 : index
    %get3A_405 = arith.constant 0 : index
    %get3A_406 = vector.load %arg10[%get3A_404, %get3A_405] : memref<1x256xf32, #tpu.memory_space<vmem>>, vector<1x256xf32>
    %get3A_407 = arith.constant 0 : index
    %get3A_408 = arith.constant 0 : index
    %get3A_409 = vector.load %arg11[%get3A_407, %get3A_408] : memref<1x256xf32, #tpu.memory_space<vmem>>, vector<1x256xf32>
    %reduce_sum3A_410 = arith.constant dense<0.000000e+00> : vector<512xf32>
    %reduce_sum3A_411 = vector.multi_reduction <add>, %add3A_403, %reduce_sum3A_410 [1] : vector<512x256xf32> to vector<512xf32>
    %broadcast_in_dim3A_412 = vector.shape_cast %reduce_sum3A_411 : vector<512xf32> to vector<512x1xf32>
    %div3A_413 = arith.constant 2.560000e+02 : f32
    %div3A_414 = vector.broadcast %div3A_413 : f32 to vector<512x1xf32>
    %div3A_415 = arith.divf %broadcast_in_dim3A_412, %div3A_414 : vector<512x1xf32>
    %sub3A_416 = vector.broadcast %div3A_415 : vector<512x1xf32> to vector<512x256xf32>
    %sub3A_417 = arith.subf %add3A_403, %sub3A_416 : vector<512x256xf32>
    %integer_pow3A_418 = arith.mulf %sub3A_417, %sub3A_417 : vector<512x256xf32>
    %reduce_sum3A_419 = arith.constant dense<0.000000e+00> : vector<512xf32>
    %reduce_sum3A_420 = vector.multi_reduction <add>, %integer_pow3A_418, %reduce_sum3A_419 [1] : vector<512x256xf32> to vector<512xf32>
    %broadcast_in_dim3A_421 = vector.shape_cast %reduce_sum3A_420 : vector<512xf32> to vector<512x1xf32>
    %div3A_422 = arith.constant 2.560000e+02 : f32
    %div3A_423 = vector.broadcast %div3A_422 : f32 to vector<512x1xf32>
    %div3A_424 = arith.divf %broadcast_in_dim3A_421, %div3A_423 : vector<512x1xf32>
    %sub3A_425 = vector.broadcast %div3A_415 : vector<512x1xf32> to vector<512x256xf32>
    %sub3A_426 = arith.subf %add3A_403, %sub3A_425 : vector<512x256xf32>
    %add3A_427 = arith.constant 9.99999974E-6 : f32
    %add3A_428 = vector.broadcast %add3A_427 : f32 to vector<512x1xf32>
    %add3A_429 = arith.addf %div3A_424, %add3A_428 : vector<512x1xf32>
    %sqrt3A_430 = math.sqrt %add3A_429 : vector<512x1xf32>
    %div3A_431 = vector.broadcast %sqrt3A_430 : vector<512x1xf32> to vector<512x256xf32>
    %div3A_432 = arith.divf %sub3A_426, %div3A_431 : vector<512x256xf32>
    %mul3A_433 = vector.broadcast %get3A_406 : vector<1x256xf32> to vector<512x256xf32>
    %mul3A_434 = arith.mulf %div3A_432, %mul3A_433 : vector<512x256xf32>
    %add3A_435 = vector.broadcast %get3A_409 : vector<1x256xf32> to vector<512x256xf32>
    %add3A_436 = arith.addf %mul3A_434, %add3A_435 : vector<512x256xf32>
    %get3A_437 = arith.constant 0 : index
    %get3A_438 = arith.constant 0 : index
    %get3A_439 = vector.load %arg6[%get3A_437, %get3A_438] : memref<256x2048xf32, #tpu.memory_space<vmem>>, vector<256x2048xf32>
    %dot_general3A_440 = arith.constant dense<0.000000e+00> : vector<512x2048xf32>
    %dot_general3A_441 = tpu.matmul %add3A_436, %get3A_439, %dot_general3A_440 {dimension_numbers = #tpu.dot_dimension_numbers<[1], [0], [0], [1], [0, 0, 1, 1], [], []>, transpose_lhs_hint = false} : vector<512x256xf32>, vector<256x2048xf32>, vector<512x2048xf32> -> vector<512x2048xf32>
    %get3A_442 = arith.constant 0 : index
    %get3A_443 = arith.constant 0 : index
    %get3A_444 = vector.load %arg7[%get3A_442, %get3A_443] : memref<1x2048xf32, #tpu.memory_space<vmem>>, vector<1x2048xf32>
    %add3A_445 = vector.broadcast %get3A_444 : vector<1x2048xf32> to vector<512x2048xf32>
    %add3A_446 = arith.addf %dot_general3A_441, %add3A_445 : vector<512x2048xf32>
    %max3A_447 = arith.constant 0.000000e+00 : f32
    %max3A_448 = vector.broadcast %max3A_447 : f32 to vector<512x2048xf32>
    %max3A_449 = arith.maximumf %add3A_446, %max3A_448 : vector<512x2048xf32>
    %get3A_450 = arith.constant 0 : index
    %get3A_451 = arith.constant 0 : index
    %get3A_452 = vector.load %arg8[%get3A_450, %get3A_451] : memref<2048x256xf32, #tpu.memory_space<vmem>>, vector<2048x256xf32>
    %dot_general3A_453 = arith.constant dense<0.000000e+00> : vector<512x256xf32>
    %dot_general3A_454 = tpu.matmul %max3A_449, %get3A_452, %dot_general3A_453 {dimension_numbers = #tpu.dot_dimension_numbers<[1], [0], [0], [1], [0, 0, 1, 1], [], []>, transpose_lhs_hint = false} : vector<512x2048xf32>, vector<2048x256xf32>, vector<512x256xf32> -> vector<512x256xf32>
    %get3A_455 = arith.constant 0 : index
    %get3A_456 = arith.constant 0 : index
    %get3A_457 = vector.load %arg9[%get3A_455, %get3A_456] : memref<1x256xf32, #tpu.memory_space<vmem>>, vector<1x256xf32>
    %add3A_458 = vector.broadcast %get3A_457 : vector<1x256xf32> to vector<512x256xf32>
    %add3A_459 = arith.addf %dot_general3A_454, %add3A_458 : vector<512x256xf32>
    %add3A_460 = arith.addf %add3A_436, %add3A_459 : vector<512x256xf32>
    %get3A_461 = arith.constant 0 : index
    %get3A_462 = arith.constant 0 : index
    %get3A_463 = vector.load %arg12[%get3A_461, %get3A_462] : memref<1x256xf32, #tpu.memory_space<vmem>>, vector<1x256xf32>
    %get3A_464 = arith.constant 0 : index
    %get3A_465 = arith.constant 0 : index
    %get3A_466 = vector.load %arg13[%get3A_464, %get3A_465] : memref<1x256xf32, #tpu.memory_space<vmem>>, vector<1x256xf32>
    %reduce_sum3A_467 = arith.constant dense<0.000000e+00> : vector<512xf32>
    %reduce_sum3A_468 = vector.multi_reduction <add>, %add3A_460, %reduce_sum3A_467 [1] : vector<512x256xf32> to vector<512xf32>
    %broadcast_in_dim3A_469 = vector.shape_cast %reduce_sum3A_468 : vector<512xf32> to vector<512x1xf32>
    %div3A_470 = arith.constant 2.560000e+02 : f32
    %div3A_471 = vector.broadcast %div3A_470 : f32 to vector<512x1xf32>
    %div3A_472 = arith.divf %broadcast_in_dim3A_469, %div3A_471 : vector<512x1xf32>
    %sub3A_473 = vector.broadcast %div3A_472 : vector<512x1xf32> to vector<512x256xf32>
    %sub3A_474 = arith.subf %add3A_460, %sub3A_473 : vector<512x256xf32>
    %integer_pow3A_475 = arith.mulf %sub3A_474, %sub3A_474 : vector<512x256xf32>
    %reduce_sum3A_476 = arith.constant dense<0.000000e+00> : vector<512xf32>
    %reduce_sum3A_477 = vector.multi_reduction <add>, %integer_pow3A_475, %reduce_sum3A_476 [1] : vector<512x256xf32> to vector<512xf32>
    %broadcast_in_dim3A_478 = vector.shape_cast %reduce_sum3A_477 : vector<512xf32> to vector<512x1xf32>
    %div3A_479 = arith.constant 2.560000e+02 : f32
    %div3A_480 = vector.broadcast %div3A_479 : f32 to vector<512x1xf32>
    %div3A_481 = arith.divf %broadcast_in_dim3A_478, %div3A_480 : vector<512x1xf32>
    %sub3A_482 = vector.broadcast %div3A_472 : vector<512x1xf32> to vector<512x256xf32>
    %sub3A_483 = arith.subf %add3A_460, %sub3A_482 : vector<512x256xf32>
    %add3A_484 = arith.constant 9.99999974E-6 : f32
    %add3A_485 = vector.broadcast %add3A_484 : f32 to vector<512x1xf32>
    %add3A_486 = arith.addf %div3A_481, %add3A_485 : vector<512x1xf32>
    %sqrt3A_487 = math.sqrt %add3A_486 : vector<512x1xf32>
    %div3A_488 = vector.broadcast %sqrt3A_487 : vector<512x1xf32> to vector<512x256xf32>
    %div3A_489 = arith.divf %sub3A_483, %div3A_488 : vector<512x256xf32>
    %mul3A_490 = vector.broadcast %get3A_463 : vector<1x256xf32> to vector<512x256xf32>
    %mul3A_491 = arith.mulf %div3A_489, %mul3A_490 : vector<512x256xf32>
    %add3A_492 = vector.broadcast %get3A_466 : vector<1x256xf32> to vector<512x256xf32>
    %add3A_493 = arith.addf %mul3A_491, %add3A_492 : vector<512x256xf32>
    %add3A_494 = arith.addf %add3A_238, %add3A_493 : vector<512x256xf32>
    %mul3A_495 = arith.constant 5.000000e-01 : f32
    %mul3A_496 = vector.broadcast %mul3A_495 : f32 to vector<512x256xf32>
    %mul3A_497 = arith.mulf %mul3A_496, %add3A_494 : vector<512x256xf32>
    %get3A_498 = arith.constant 0 : index
    %get3A_499 = arith.constant 0 : index
    %get3A_500 = vector.load %arg14[%get3A_498, %get3A_499] : memref<256x16xf32, #tpu.memory_space<vmem>>, vector<256x16xf32>
    %dot_general3A_501 = arith.constant dense<0.000000e+00> : vector<512x16xf32>
    %dot_general3A_502 = tpu.matmul %mul3A_497, %get3A_500, %dot_general3A_501 {dimension_numbers = #tpu.dot_dimension_numbers<[1], [0], [0], [1], [0, 0, 1, 1], [], []>, transpose_lhs_hint = false} : vector<512x256xf32>, vector<256x16xf32>, vector<512x16xf32> -> vector<512x16xf32>
    %get3A_503 = arith.constant 0 : index
    %get3A_504 = arith.constant 0 : index
    %get3A_505 = vector.load %arg15[%get3A_503, %get3A_504] : memref<1x16xf32, #tpu.memory_space<vmem>>, vector<1x16xf32>
    %add3A_506 = vector.broadcast %get3A_505 : vector<1x16xf32> to vector<512x16xf32>
    %add3A_507 = arith.addf %dot_general3A_502, %add3A_506 : vector<512x16xf32>
    %swap3A = arith.constant 0 : index
    %swap3A_508 = arith.constant 0 : index
    %swap3A_509 = vector.load %arg16[%swap3A, %swap3A_508] : memref<512x16xf32, #tpu.memory_space<vmem>>, vector<512x16xf32>
    tpu.vector_store %arg16[%swap3A, %swap3A_508], %add3A_507 {strides = array<i32>} : memref<512x16xf32, #tpu.memory_space<vmem>>, vector<512x16xf32>,
    return
  }
  func.func @transform_0(%arg0: i32) -> (i32, i32, i32) {
    %c0_i32 = arith.constant 0 : i32
    %c0_i32_0 = arith.constant 0 : i32
    %c0_i32_1 = arith.constant 0 : i32
    return %c0_i32, %arg0, %c0_i32_0 : i32, i32, i32
  }
  func.func @transform_1(%arg0: i32) -> (i32, i32, i32) {
    %c0_i32 = arith.constant 0 : i32
    %c0_i32_0 = arith.constant 0 : i32
    %c0_i32_1 = arith.constant 0 : i32
    %c0_i32_2 = arith.constant 0 : i32
    return %c0_i32, %c0_i32_0, %c0_i32_1 : i32, i32, i32
  }
  func.func @transform_2(%arg0: i32) -> (i32, i32, i32) {
    %c0_i32 = arith.constant 0 : i32
    %c0_i32_0 = arith.constant 0 : i32
    %c0_i32_1 = arith.constant 0 : i32
    return %c0_i32, %arg0, %c0_i32_0 : i32, i32, i32
  }
  func.func @transform_3(%arg0: i32) -> (i32, i32) {
    %c0_i32 = arith.constant 0 : i32
    %c0_i32_0 = arith.constant 0 : i32
    %c0_i32_1 = arith.constant 0 : i32
    return %c0_i32, %c0_i32_0 : i32, i32
  }
  func.func @transform_4(%arg0: i32) -> (i32, i32) {
    %c0_i32 = arith.constant 0 : i32
    %c0_i32_0 = arith.constant 0 : i32
    %c0_i32_1 = arith.constant 0 : i32
    return %c0_i32, %c0_i32_0 : i32, i32
  }
  func.func @transform_5(%arg0: i32) -> (i32, i32) {
    %c0_i32 = arith.constant 0 : i32
    %c0_i32_0 = arith.constant 0 : i32
    %c0_i32_1 = arith.constant 0 : i32
    return %c0_i32, %c0_i32_0 : i32, i32
  }
  func.func @transform_6(%arg0: i32) -> (i32, i32) {
    %c0_i32 = arith.constant 0 : i32
    %c0_i32_0 = arith.constant 0 : i32
    %c0_i32_1 = arith.constant 0 : i32
    return %c0_i32, %c0_i32_0 : i32, i32
  }
  func.func @transform_7(%arg0: i32) -> (i32, i32) {
    %c0_i32 = arith.constant 0 : i32
    %c0_i32_0 = arith.constant 0 : i32
    %c0_i32_1 = arith.constant 0 : i32
    return %c0_i32, %c0_i32_0 : i32, i32
  }
  func.func @transform_8(%arg0: i32) -> (i32, i32) {
    %c0_i32 = arith.constant 0 : i32
    %c0_i32_0 = arith.constant 0 : i32
    %c0_i32_1 = arith.constant 0 : i32
    return %c0_i32, %c0_i32_0 : i32, i32
  }
  func.func @transform_9(%arg0: i32) -> (i32, i32) {
    %c0_i32 = arith.constant 0 : i32
    %c0_i32_0 = arith.constant 0 : i32
    %c0_i32_1 = arith.constant 0 : i32
    return %c0_i32, %c0_i32_0 : i32, i32
  }
  func.func @transform_10(%arg0: i32) -> (i32, i32) {
    %c0_i32 = arith.constant 0 : i32
    %c0_i32_0 = arith.constant 0 : i32
    %c0_i32_1 = arith.constant 0 : i32
    return %c0_i32, %c0_i32_0 : i32, i32
  }
  func.func @transform_11(%arg0: i32) -> (i32, i32) {
    %c0_i32 = arith.constant 0 : i32
    %c0_i32_0 = arith.constant 0 : i32
    %c0_i32_1 = arith.constant 0 : i32
    return %c0_i32, %c0_i32_0 : i32, i32
  }
  func.func @transform_12(%arg0: i32) -> (i32, i32) {
    %c0_i32 = arith.constant 0 : i32
    %c0_i32_0 = arith.constant 0 : i32
    %c0_i32_1 = arith.constant 0 : i32
    return %c0_i32, %c0_i32_0 : i32, i32
  }
  func.func @transform_13(%arg0: i32) -> (i32, i32) {
    %c0_i32 = arith.constant 0 : i32
    %c0_i32_0 = arith.constant 0 : i32
    %c0_i32_1 = arith.constant 0 : i32
    return %c0_i32, %c0_i32_0 : i32, i32
  }
  func.func @transform_14(%arg0: i32) -> (i32, i32) {
    %c0_i32 = arith.constant 0 : i32
    %c0_i32_0 = arith.constant 0 : i32
    %c0_i32_1 = arith.constant 0 : i32
    return %c0_i32, %c0_i32_0 : i32, i32
  }
  func.func @transform_15(%arg0: i32) -> (i32, i32) {
    %c0_i32 = arith.constant 0 : i32
    %c0_i32_0 = arith.constant 0 : i32
    return %arg0, %c0_i32 : i32, i32
  }
}

</mosaic_0001>

<sc_bundles>
// kernel: kernel.11.cloned.1.call-start
scs
__scs_entry_jumppad:
0x0: {  	(pc) =	sbr.rel $0x88, $3  }
0x1: {  	(tag) =	ssettag $0x0;
	lr =	simm.s32 $0x1  }
0x2: {  	[smem:$0x3F79] =	sst lr;
	_ =	strace $0xD0000000  }
0x3: {  	_ = 	snop  }
0x4: {  	_ = 	snop  }
0x5: {  	_ = 	snop  }
0x6: {  	_ = 	snop  }
0x7: {  	_ = 	snop  }
__scs_overlays_trampoline_lowered:
0x8: {  	[smem:$0x3F88] =	sst s0  }
0x9: {  	[smem:$0x3F89] =	sst s1  }
0xa: {  	[smem:$0x3F8A] =	sst s2  }
0xb: {  	[smem:$0x3F8B] =	sst s3  }
0xc: {  	[smem:$0x3F8C] =	sst s4  }
0xd: {  	[smem:$0x3F8D] =	sst s5  }
0xe: {  	[smem:$0x3F8E] =	sst s6  }
0xf: {  	[smem:$0x3F8F] =	sst s7  }
0x10: {  	[smem:$0x3F90] =	sst s8  }
0x11: {  	[smem:$0x3F91] =	sst s9;
	s0 =	simm.s32 @!p0 $0x0  }
0x12: {  	s1 =	sld [smem:$0x3F77];
	s0 =	simm.s32 @p0 $0x1  }
0x13: {  	[smem:$0x3F92] =	sst s0;
	s0 =	simm.s32 @!p1 $0x0  }
0x14: {  	s2 =	sld [smem:$0x3F76];
	s0 =	simm.s32 @p1 $0x1  }
0x15: {  	[smem:$0x3F93] =	sst s0;
	s0 =	simm.s32 @!p2 $0x0  }
0x16: {  	s3 =	sld [smem:$0x3FDB];
	s0 =	simm.s32 @p2 $0x1  }
0x17: {  	s4 =	simm.s32 $0x1BF5;
	[smem:$0x3F95] =	sst s0  }
0x18: {  	s0 =	sld [smem:$0x3F78];
	_ =	swait.ge [sflag:s4], $0x0  }
0x19: {  	s7 =	sld [smem:$0x3F79]  }
0x1a: {  	s8 =	sadd.s32 $0xFFFFE003, lr  }
0x1b: {  	s9 =	sadd.s32 $0xFFFFFEF7, lr;
	s5 =	simm.s32 $0xFFFFFFFF;
	p2 =	slt.u32 s8, $0xFFFFF086  }
0x1c: {  	p1 =	slt.u32 s9, $0xF7A;
	s5 =	simm.s32 @!p2 $0x0  }
0x1d: {  	s5 =	simm.s32 @p1 $0x1;
	p0 =	seq.s32 s7, s2  }
0x1e: {  	s7 =	smul.u32 @!p0 $0xF7A, s2;
	p2 =	seq.s32 @!p0 s5, $0x0  }
0x1f: {  	s9 =	smul.u32 $0xF7A, s1;
	s8 =	simm.s32 @!p0 $0x1BF5;
	p2 =	por !p2, p0  }
0x20: {  	[sflag:s8] =	ssyncset.s32 @!p0 $0xFFFFF086;
	s6 =	sadd.s32 @!p0 s3, s7;
	s7 =	simm.s32 @!p0 $0x108  }
0x21: {  	s3 =	sadd.s32 s3, s9;
	s6 =	sadd.s32 @!p0 $0x88, s6;
	s7 =	simm.s32 @p2 $0x1082  }
0x22: {  	[simem:s7], [sflag:s8] =	dma.local @!p0 [hbm:s6], $0xF7A  }
0x23: {  	s9 =	sor.u32 $0xD0000000, s2;
	s6 =	simm.s32 $0x108;
	_ =	swait.ge @!p0 [sflag:s8], $0x0  }
0x24: {  	s3 =	sadd.s32 $0x88, s3;
	s6 =	simm.s32 @!p1 $0x1082;
	[sflag:s4] =	ssyncset.s32 $0xFFFFF086  }
0x25: {  	[simem:s6], [sflag:s4] =	dma.local [hbm:s3], $0xF7A  }
0x26: {  	[smem:$0x3F79] =	sst s1;
	(tag) =	ssettag s2;
	_ =	strace s9  }
0x27: {  	s1 =	sld [smem:$0x3F89]  }
0x28: {  	s2 =	sld [smem:$0x3F8A]  }
0x29: {  	s4 =	sld [smem:$0x3F8C]  }
0x2a: {  	p0 =	seq.s32 s5, $0x0;
	s5 =	sld [smem:$0x3F8D]  }
0x2b: {  	s6 =	sld [smem:$0x3F8E]  }
0x2c: {  	s7 =	sld [smem:$0x3F8F]  }
0x2d: {  	s3 =	simm.s32 $0x108;
	s8 =	sld [smem:$0x3F90]  }
0x2e: {  	s3 =	simm.s32 @!p0 $0x1082;
	s9 =	sld [smem:$0x3F91]  }
0x2f: {  	lr =	sadd.s32 s0, s3;
	s0 =	sld [smem:$0x3F88]  }
0x30: {  	s3 =	sld [smem:$0x3F8B]  }
0x31: {  	[smem:$0x3F94] =	sst s10  }
0x32: {  	s10 =	sld [smem:$0x3F92];
	_ =	sdelay $0x3  }
0x33: {  	p0 =	seq.s32 s10, $0x1;
	s10 =	sld [smem:$0x3F94];
	_ =	sdelay $0x3  }
0x34: {  	[smem:$0x3F94] =	sst s10  }
0x35: {  	s10 =	sld [smem:$0x3F93];
	_ =	sdelay $0x3  }
0x36: {  	p1 =	seq.s32 s10, $0x1;
	s10 =	sld [smem:$0x3F94];
	_ =	sdelay $0x3  }
0x37: {  	[smem:$0x3F94] =	sst s10  }
0x38: {  	s10 =	sld [smem:$0x3F95]  }
0x39: {  	_ = 	snop;
	(pc) =	sbr.ind lr, $3  }
0x3a: {  	_ = 	snop  }
0x3b: {  	_ = 	snop  }
0x3c: {  	p2 =	seq.s32 s10, $0x1;
	s10 =	sld [smem:$0x3F94]  }
0x3d: {  	_ =	shalt  }
0x3e: {  	_ =	shalt  }
0x3f: {  	_ =	shalt  }
0x40: {  	_ =	shalt  }
0x41: {  	_ =	shalt  }
0x42: {  	_ =	shalt  }
0x43: {  	_ =	shalt  }
0x44: {  	_ =	shalt  }
0x45: {  	_ =	shalt  }
0x46: {  	_ =	shalt  }
0x47: {  	_ =	shalt  }
0x48: {  	_ =	shalt  }
0x49: {  	_ =	shalt  }
0x4a: {  	_ =	shalt  }
0x4b: {  	_ =	shalt  }
0x4c: {  	_ =	shalt  }
0x4d: {  	_ =	shalt  }
0x4e: {  	_ =	shalt  }
0x4f: {  	_ =	shalt  }
0x50: {  	_ =	shalt  }
0x51: {  	_ =	shalt  }
0x52: {  	_ =	shalt  }
0x53: {  	_ =	shalt  }
0x54: {  	_ =	shalt  }
0x55: {  	_ =	shalt  }
0x56: {  	_ =	shalt  }
0x57: {  	_ =	shalt  }
0x58: {  	_ =	shalt  }
0x59: {  	_ =	shalt  }
0x5a: {  	_ =	shalt  }
0x5b: {  	_ =	shalt  }
0x5c: {  	_ =	shalt  }
0x5d: {  	_ =	shalt  }
0x5e: {  	_ =	shalt  }
0x5f: {  	_ =	shalt  }
0x60: {  	_ =	shalt  }
0x61: {  	_ =	shalt  }
0x62: {  	_ =	shalt  }
0x63: {  	_ =	shalt  }
0x64: {  	_ =	shalt  }
0x65: {  	_ =	shalt  }
0x66: {  	_ =	shalt  }
0x67: {  	_ =	shalt  }
0x68: {  	_ =	shalt  }
0x69: {  	_ =	shalt  }
0x6a: {  	_ =	shalt  }
0x6b: {  	_ =	shalt  }
0x6c: {  	_ =	shalt  }
0x6d: {  	_ =	shalt  }
0x6e: {  	_ =	shalt  }
0x6f: {  	_ =	shalt  }
0x70: {  	_ =	shalt  }
0x71: {  	_ =	shalt  }
0x72: {  	_ =	shalt  }
0x73: {  	_ =	shalt  }
0x74: {  	_ =	shalt  }
0x75: {  	_ =	shalt  }
0x76: {  	_ =	shalt  }
0x77: {  	_ =	shalt  }
0x78: {  	_ =	shalt  }
0x79: {  	_ =	shalt  }
0x7a: {  	_ =	shalt  }
0x7b: {  	_ =	shalt  }
0x7c: {  	_ =	shalt  }
0x7d: {  	_ =	shalt  }
0x7e: {  	_ =	shalt  }
0x7f: {  	_ =	shalt  }
0x80: {  	_ =	shalt  }
0x81: {  	_ =	shalt  }
0x82: {  	_ =	shalt  }
0x83: {  	_ =	shalt  }
0x84: {  	_ =	shalt  }
0x85: {  	_ =	shalt  }
0x86: {  	_ =	shalt  }
0x87: {  	_ =	shalt  }
.Lfunc_end0:
.L_simem_size_0:
called_computation.1_lowered:
.L_overlay_start_0:
0x88: {  	s2 =	sld [smem:$0x3FD9]  }
0x89: {  	s3 =	sld [smem:$0x3FFE];
	_ =	sdelay $0x1  }
0x8a: {  	s1 =	srdreg.scid  }
0x8b: {  	s0 =	sand.u32 $0x1, s1  }
0x8c: {  	s16 =	sshll.u32 s0, $0xA;
	s2 =	sadd.s32 s3, s2  }
0x8d: {  	s2 =	sadd.s32 s2, s16  }
0x8e: {  	[smem:$0x3FA0] =	sst s2  }
0x8f: {  	_ = 	snop  }
0x90: {  	(tm) =	ssettm $0x1  }
0x91: {  	s17 =	sld [smem:$0x3FFB];
	_ =	sdelay $0x3  }
0x92: {  	_ =	strace s17  }
0x93: {  	s2 =	sld [smem:$0x3FFC];
	_ =	sdelay $0x3  }
0x94: {  	_ =	strace s2  }
0x95: {  	s2 =	sld [smem:$0x3FFD];
	_ =	sdelay $0x3  }
0x96: {  	_ =	strace s2  }
0x97: {  	_ =	strace $0x8FFFFFFF  }
0x98: {  	s18 =	sld [smem:$0x3FDB];
	_ =	sdelay $0x1  }
0x99: {  	s19 =	simm.s32 $_scs_section_size  }
0x9a: {  	s4 =	simm.s32 $_size__tile_overlayer_lowered;
	s5 =	simm.s32 $_tile_overlayer_lowered  }
0x9b: {  	s22 =	simm.s32 $0x1BFF;
	s21 =	sshll.u32 s5, $0x1;
	s2 =	sadd.s32 s19, s18  }
0x9c: {  	s6 =	simm.s32 $0x0;
	s20 =	sshll.u32 s4, $0x1;
	s4 =	sadd.s32 s21, s2  }
0x9d: {  	[timem:s6], [sflag:s22] =	dma.local [hbm:s4], s20  }
0x9e: {  	_ =	swait.ge [sflag:s22], s20  }
0x9f: {  	s3 =	ssub.s32 $0x0, s20;
	[sflag:s22] =	ssyncset.done $0x0  }
0xa0: {  	[sflag:s22] =	ssyncadd.s32 s3;
	_ =	sdelay $0x1  }
0xa1: {  	s23 =	simm.s32 $0x1B8B  }
0xa2: {  	_ =	swait.ge [sflag:s23], $0x1  }
0xa3: {  	[sflag:s23] =	ssyncset.done $0x0  }
0xa4: {  	s25 =	simm.s32 $0x1B8E;
	s24 =	sld [smem:$0x3FFE];
	[sflag:s23] =	ssyncadd.s32 $0xFFFFFFFF  }
0xa5: {  	s26 =	simm.s32 $execute0_lowered;
	[smem:$0x3FD2] =	sst s25  }
0xa6: {  	s4 =	sshll.u32 s26, $0x1;
	_ =	strace $0x80000049;
	[dreg:$0x1] =	wrdreg $0xFFFFFFFF  }
0xa7: {  	s28 =	simm.s32 $_size_execute0_lowered;
	s2 =	sadd.s32 s2, s4;
	[dreg:$0x0] =	wrdreg $0x0  }
0xa8: {  	s4 =	sshll.u32 s28, $0x1;
	[dreg:$0x2] =	wrdreg s2  }
0xa9: {  	[dreg:$0x3] =	wrdreg s4  }
0xaa: {  	[dreg:$0x4] =	wrdreg $0xC0  }
0xab: {  	_ =	task [dreg:s6], $0x5FFFF  }
0xac: {  	[dreg:$0x1] =	wrdreg $0xFFFFFFFF  }
0xad: {  	[dreg:$0x0] =	wrdreg $0x60  }
0xae: {  	[dreg:$0x2] =	wrdreg s24  }
0xaf: {  	[dreg:$0x3] =	wrdreg $0x0  }
0xb0: {  	[dreg:$0x4] =	wrdreg $0x9  }
0xb1: {  	_ =	task.clear_ibuf [dreg:s6], $0x5FFFF;
	_ =	strace $0x90000049  }
0xb2: {  	s29 =	simm.s32 $0x9;
	_ =	strace $0x8000004B  }
0xb3: {  	_ =	swait.ge [sflag:s29], $0x1  }
0xb4: {  	[sflag:s29] =	ssyncadd.s32 $0xFFFFFFFF  }
0xb5: {  	_ =	strace $0x9000004B  }
0xb6: {  	_ =	sfence  }
0xb7: {  	s30 =	sld [smem:$0x0];
	_ =	sdelay $0x2  }
0xb8: {  	s31 =	sshll.u32 s1, $0xD;
	s1 =	sshrl.u32 s1, $0x2  }
0xb9: {  	s3 =	sand.u32 $0x4000, s31;
	s1 =	sadd.s32 s1, s30  }
0xba: {  	s0 =	sor.u32 s3, s0;
	s1 =	sshll.u32 s1, $0x11  }
0xbb: {  	s0 =	sor.u32 s1, s0  }
0xbc: {  	s0 =	sadd.s32 $0x8F2B, s0  }
0xbd: {  	[sflag:s0] =	ssyncadd.remote.s32 $0x1  }
0xbe: {  	_ =	sfence.sel $0xFFFF  }
0xbf: {  	[dreg:$0x0] =	wrdreg $0xFFFFFFFF;
	(pc) =	sbr.abs _section_cstart, $3  }
0xc0: {  	[dreg:$0x1] =	wrdreg $0xFFFFFFFF  }
0xc1: {  	_ =	task.clear_ibuf [dreg:s6], $0x2FFFF;
	_ =	strace $0x9FFFFFFF  }
0xc2: {  	(tm) =	ssettm $0x7FFFFFFF  }
0xc3: {  	_ =	shalt  }
tec
execute0_lowered:
.L_overlay_start_1:
0x0: {  	(tag) =	ssettag $0x1  }
0x1: {  	s0 =	rddreg [dreg:$0x0]  }
0x2: {  	s2 =	rddreg [dreg:$0x1]  }
0x3: {  	s16 =	rddreg [dreg:$0x2];
	s1 =	srdreg.scid  }
0x4: {  	s8 =	stileid.u32;
	s29 =	simm.s32 $0x0;
	s9 =	simm.s32 $0x88C0  }
0x5: {  	s10 =	simm.s32 $0x8900;
	s31 =	simm.s32 $0x8800;
	s11 =	simm.s32 $0x8C40  }
0x6: {  	s12 =	simm.s32 $0x8940;
	[smem:$0x7FF] =	sst s29;
	s23 =	sadd.s32 $0x21A00, s0  }
0x7: {  	s30 =	simm.s32 $0x8C00;
	_ =	strace $0x8000004A;
	[dreg:$0x3] =	wrdreg s23  }
0x8: {  	s13 =	simm.s32 $0x8C80;
	s15 =	simm.s32 $0x8980;
	[dreg:$0x9] =	wrdreg s9  }
0x9: {  	s17 =	simm.s32 $0x8CC0;
	s18 =	simm.s32 $0x89C0;
	[dreg:$0xa] =	wrdreg s10  }
0xa: {  	s19 =	simm.s32 $0x8D00;
	s20 =	simm.s32 $0x8A00;
	[dreg:$0xb] =	wrdreg s11  }
0xb: {  	s21 =	simm.s32 $0x8D40;
	s22 =	simm.s32 $0x8A40;
	[dreg:$0xc] =	wrdreg s12  }
0xc: {  	s28 =	simm.s32 $0x8B00;
	p0 =	por $0x0, $0x0;
	[dreg:$0xd] =	wrdreg s13  }
0xd: {  	s1 =	sand.u32 $0x1, s1;
	s3 =	smul.u32 $0x11000, s8;
	[dreg:$0xe] =	wrdreg s15  }
0xe: {  	s6 =	sshll.u32 s8, $0x8;
	s4 =	sadd.s32 $0x5000, s0;
	[dreg:$0xf] =	wrdreg s17  }
0xf: {  	s14 =	sshll.u32 s8, $0x6;
	s8 =	simm.s32 $0x15C00;
	[dreg:$0x10] =	wrdreg s18  }
0x10: {  	s5 =	smul.u32 $0x110000, s1;
	s7 =	sshll.u32 s1, $0x7;
	[dreg:$0x11] =	wrdreg s19  }
0x11: {  	s1 =	ssub.s32 $0x2, s1;
	s11 =	simm.s32 $0x9000;
	[dreg:$0x12] =	wrdreg s20  }
0x12: {  	s10 =	simm.s32 $0xD400;
	s9 =	simm.s32 $0x11800;
	[dreg:$0x13] =	wrdreg s21  }
0x13: {  	[dreg:$0x14] =	wrdreg s22;
	s23 =	simm.s32 $0x8D80;
	s15 =	simm.s32 $0x1  }
0x14: {  	s13 =	simm.s32 $0x3;
	s12 =	simm.s32 $0x4;
	s22 =	simm.s32 $0x8E00  }
0x15: {  	s21 =	simm.s32 $0x8BC0;
	s20 =	simm.s32 $0x8F00;
	s19 =	simm.s32 $0x8F40  }
0x16: {  	s18 =	simm.s32 $0x8F80;
	s17 =	simm.s32 $0x8FC0;
	s6 =	sor.u32 s7, s6  }
0x17: {  	s26 =	sshrl.u32 s1, $0x1;
	[dreg:$0x15] =	wrdreg s23;
	s23 =	simm.s32 $0x8EC0  }
0x18: {  	s5 =	sadd.s32 s3, s5;
	s6 =	sadd.s32 s6, s0;
	s1 =	ssub.s32 s1, s26  }
0x19: {  	s3 =	sshrl.u32 s3, $0x1;
	s26 =	simm.s32 $0x8AC0;
	s5 =	sshrl.u32 s5, $0x4  }
0x1a: {  	s24 =	sadd.s32 $0x23C00, s6;
	s25 =	sadd.s32 $0x22C00, s6;
	s6 =	simm.s32 $0x8880  }
0x1b: {  	s7 =	sadd.s32 s3, s2;
	s1 =	smax.u32 s1, $0x1;
	[dreg:$0x18] =	wrdreg s26  }
0x1c: {  	s3 =	simm.s32 $0x5;
	s26 =	simm.s32 $0x8E40;
	[dreg:$0x4] =	wrdreg s24  }
0x1d: {  	s0 =	sadd.s32 s5, s0;
	[dreg:$0x5] =	wrdreg s25;
	s5 =	simm.s32 $0x8840  }
0x1e: {  	[dreg:$0x8] =	wrdreg s6;
	s6 =	sshrl.u32 s7, $0x3;
	p1 =	sne.s32 s1, $0x1  }
.Ltmp0:
0x1f: {  	s24 =	simm.s32 $0x8A80;
	[dreg:$0x7] =	wrdreg s5;
	(pc) =	sbr.rel @!p1 .LBB2_1-.Ltmp0, $4  }
0x20: {  	s7 =	simm.s32 $0x40;
	s25 =	simm.s32 $0x8DC0;
	[dreg:$0x16] =	wrdreg s24  }
0x21: {  	s0 =	sadd.s32 $0x24C00, s0;
	s5 =	sor.u32 $0x1C05, s14;
	[dreg:$0x17] =	wrdreg s25  }
0x22: {  	s14 =	simm.s32 $0x2;
	s25 =	simm.s32 $0x8B40;
	[dreg:$0x6] =	wrdreg s0  }
0x23: {  	s24 =	simm.s32 $0x8E80;
	s0 =	sadd.s32 $0xFFFFFFFF, s1;
	s1 =	rddreg [dreg:$0x4]  }
0x24: {  	[tilespmem:s31], [sflag:$0x5] =	stream.linear.gather [hbm4b:s1+s29], $0x400, $0x38;
	[tilespmem:$0x1A000] =	vst v63  }
0x25: {  	_ =	swait.ge [sflag:s3], $0x400  }
0x26: {  	[sflag:s3] =	ssyncset.done $0x0  }
0x27: {  	s16 =	rddreg [dreg:$0x5];
	[sflag:s3] =	ssyncadd.s32 $0xFFFFFC00  }
0x28: {  	[tilespmem:s30], [sflag:$0x5] =	stream.linear.gather [hbm4b:s16+s29], $0x400, $0x38;
	[tilespmem:$0x1A000] =	vst v63  }
0x29: {  	_ =	swait.ge [sflag:s3], $0x400  }
0x2a: {  	[sflag:s3] =	ssyncset.done $0x0  }
0x2b: {  	s16 =	rddreg [dreg:$0x3];
	[sflag:s3] =	ssyncadd.s32 $0xFFFFFC00  }
0x2c: {  	[spmem:s6], [sflag:s5] =	dma.local [hbm:s16], $0x1100  }
0x2d: {  	_ =	swait.ge [sflag:s3], $0x1100  }
0x2e: {  	[sflag:s3] =	ssyncset.done $0x0  }
0x2f: {  	[sflag:s3] =	ssyncadd.s32 $0xFFFFEF00  }
0x30: {  	[bflag:$0x0] =	sbarrier.arrive $0xFFFF  }
0x31: {  	[tilespmem:s11], [sflag:$0x1] =	stream.indirect.gather [hbm4b:s4+s7], $0x110, s31, s7, $0xb8;
	[tilespmem:$0x1A000] =	vst v63  }
0x32: {  	s1 =	rddreg [dreg:$0x7]  }
0x33: {  	[tilespmem:s10], [sflag:$0x2] =	stream.indirect.gather [hbm4b:s4+s7], $0x110, s1, s7, $0xb8;
	[tilespmem:$0x1A000] =	vst v63  }
0x34: {  	s16 =	smov.u32 s0;
	s0 =	rddreg [dreg:$0x8]  }
0x35: {  	[tilespmem:s9], [sflag:$0x3] =	stream.indirect.gather [hbm4b:s4+s7], $0x110, s0, s7, $0xb8;
	[tilespmem:$0x1A000] =	vst v63  }
0x36: {  	s1 =	rddreg [dreg:$0x9]  }
0x37: {  	[tilespmem:s8], [sflag:$0x4] =	stream.indirect.gather [hbm4b:s4+s7], $0x110, s1, s7, $0xb8;
	[tilespmem:$0x1A000] =	vst v63  }
0x38: {  	_ =	swait.ge [sflag:s15], $0x4400  }
0x39: {  	[sflag:s15] =	ssyncset.done $0x0  }
0x3a: {  	[sflag:s15] =	ssyncadd.s32 $0xFFFFBC00  }
0x3b: {  	[spmem:s2] =	stream.indirect.scatter.add.bf16 [tilespmem:s11], [sflag:$0x5], $0x110, s30, s7, $0xb8;
	[tilespmem:$0x1A000] =	vst v63  }
0x3c: {  	_ =	swait.ge [sflag:s3], $0x4400  }
0x3d: {  	[sflag:s3] =	ssyncset.done $0x0  }
0x3e: {  	s1 =	rddreg [dreg:$0xa];
	[sflag:s3] =	ssyncadd.s32 $0xFFFFBC00  }
0x3f: {  	[tilespmem:s11], [sflag:$0x1] =	stream.indirect.gather [hbm4b:s4+s7], $0x110, s1, s7, $0xb8;
	[tilespmem:$0x1A000] =	vst v63  }
0x40: {  	_ =	swait.ge [sflag:s14], $0x4400  }
0x41: {  	[sflag:s14] =	ssyncset.done $0x0  }
0x42: {  	s1 =	rddreg [dreg:$0xb];
	[sflag:s14] =	ssyncadd.s32 $0xFFFFBC00  }
0x43: {  	[spmem:s2] =	stream.indirect.scatter.add.bf16 [tilespmem:s10], [sflag:$0x5], $0x110, s1, s7, $0xb8;
	[tilespmem:$0x1A000] =	vst v63  }
0x44: {  	_ =	swait.ge [sflag:s3], $0x4400  }
0x45: {  	[sflag:s3] =	ssyncset.done $0x0  }
0x46: {  	s1 =	rddreg [dreg:$0xc];
	[sflag:s3] =	ssyncadd.s32 $0xFFFFBC00  }
0x47: {  	[tilespmem:s10], [sflag:$0x2] =	stream.indirect.gather [hbm4b:s4+s7], $0x110, s1, s7, $0xb8;
	[tilespmem:$0x1A000] =	vst v63  }
0x48: {  	_ =	swait.ge [sflag:s13], $0x4400  }
0x49: {  	[sflag:s13] =	ssyncset.done $0x0  }
0x4a: {  	s1 =	rddreg [dreg:$0xd];
	[sflag:s13] =	ssyncadd.s32 $0xFFFFBC00  }
0x4b: {  	[spmem:s2] =	stream.indirect.scatter.add.bf16 [tilespmem:s9], [sflag:$0x5], $0x110, s1, s7, $0xb8;
	[tilespmem:$0x1A000] =	vst v63  }
0x4c: {  	_ =	swait.ge [sflag:s3], $0x4400  }
0x4d: {  	[sflag:s3] =	ssyncset.done $0x0  }
0x4e: {  	s1 =	rddreg [dreg:$0xe];
	[sflag:s3] =	ssyncadd.s32 $0xFFFFBC00  }
0x4f: {  	[tilespmem:s9], [sflag:$0x3] =	stream.indirect.gather [hbm4b:s4+s7], $0x110, s1, s7, $0xb8;
	[tilespmem:$0x1A000] =	vst v63  }
0x50: {  	_ =	swait.ge [sflag:s12], $0x4400  }
0x51: {  	[sflag:s12] =	ssyncset.done $0x0  }
0x52: {  	s1 =	rddreg [dreg:$0xf];
	[sflag:s12] =	ssyncadd.s32 $0xFFFFBC00  }
0x53: {  	[spmem:s2] =	stream.indirect.scatter.add.bf16 [tilespmem:s8], [sflag:$0x5], $0x110, s1, s7, $0xb8;
	[tilespmem:$0x1A000] =	vst v63  }
0x54: {  	_ =	swait.ge [sflag:s3], $0x4400  }
0x55: {  	[sflag:s3] =	ssyncset.done $0x0  }
0x56: {  	s1 =	rddreg [dreg:$0x10];
	[sflag:s3] =	ssyncadd.s32 $0xFFFFBC00  }
0x57: {  	[tilespmem:s8], [sflag:$0x4] =	stream.indirect.gather [hbm4b:s4+s7], $0x110, s1, s7, $0xb8;
	[tilespmem:$0x1A000] =	vst v63  }
0x58: {  	_ =	swait.ge [sflag:s15], $0x4400  }
0x59: {  	[sflag:s15] =	ssyncset.done $0x0  }
0x5a: {  	s1 =	rddreg [dreg:$0x11];
	[sflag:s15] =	ssyncadd.s32 $0xFFFFBC00  }
0x5b: {  	[spmem:s2] =	stream.indirect.scatter.add.bf16 [tilespmem:s11], [sflag:$0x5], $0x110, s1, s7, $0xb8;
	[tilespmem:$0x1A000] =	vst v63  }
0x5c: {  	_ =	swait.ge [sflag:s3], $0x4400  }
0x5d: {  	[sflag:s3] =	ssyncset.done $0x0  }
0x5e: {  	s1 =	rddreg [dreg:$0x12];
	[sflag:s3] =	ssyncadd.s32 $0xFFFFBC00  }
0x5f: {  	[tilespmem:s11], [sflag:$0x1] =	stream.indirect.gather [hbm4b:s4+s7], $0x110, s1, s7, $0xb8;
	[tilespmem:$0x1A000] =	vst v63  }
0x60: {  	_ =	swait.ge [sflag:s14], $0x4400  }
0x61: {  	[sflag:s14] =	ssyncset.done $0x0  }
0x62: {  	s1 =	rddreg [dreg:$0x13];
	[sflag:s14] =	ssyncadd.s32 $0xFFFFBC00  }
0x63: {  	[spmem:s2] =	stream.indirect.scatter.add.bf16 [tilespmem:s10], [sflag:$0x5], $0x110, s1, s7, $0xb8;
	[tilespmem:$0x1A000] =	vst v63  }
0x64: {  	_ =	swait.ge [sflag:s3], $0x4400  }
0x65: {  	[sflag:s3] =	ssyncset.done $0x0  }
0x66: {  	s1 =	rddreg [dreg:$0x14];
	[sflag:s3] =	ssyncadd.s32 $0xFFFFBC00  }
0x67: {  	[tilespmem:s10], [sflag:$0x2] =	stream.indirect.gather [hbm4b:s4+s7], $0x110, s1, s7, $0xb8;
	[tilespmem:$0x1A000] =	vst v63  }
0x68: {  	_ =	swait.ge [sflag:s13], $0x4400  }
0x69: {  	[sflag:s13] =	ssyncset.done $0x0  }
0x6a: {  	s1 =	rddreg [dreg:$0x15];
	[sflag:s13] =	ssyncadd.s32 $0xFFFFBC00  }
0x6b: {  	[spmem:s2] =	stream.indirect.scatter.add.bf16 [tilespmem:s9], [sflag:$0x5], $0x110, s1, s7, $0xb8;
	[tilespmem:$0x1A000] =	vst v63  }
0x6c: {  	_ =	swait.ge [sflag:s3], $0x4400  }
0x6d: {  	[sflag:s3] =	ssyncset.done $0x0  }
0x6e: {  	s1 =	rddreg [dreg:$0x16];
	[sflag:s3] =	ssyncadd.s32 $0xFFFFBC00  }
0x6f: {  	[tilespmem:s9], [sflag:$0x3] =	stream.indirect.gather [hbm4b:s4+s7], $0x110, s1, s7, $0xb8;
	[tilespmem:$0x1A000] =	vst v63  }
0x70: {  	_ =	swait.ge [sflag:s12], $0x4400  }
0x71: {  	[sflag:s12] =	ssyncset.done $0x0  }
0x72: {  	s1 =	rddreg [dreg:$0x17];
	[sflag:s12] =	ssyncadd.s32 $0xFFFFBC00  }
0x73: {  	[spmem:s2] =	stream.indirect.scatter.add.bf16 [tilespmem:s8], [sflag:$0x5], $0x110, s1, s7, $0xb8;
	[tilespmem:$0x1A000] =	vst v63  }
0x74: {  	_ =	swait.ge [sflag:s3], $0x4400  }
0x75: {  	[sflag:s3] =	ssyncset.done $0x0  }
0x76: {  	s1 =	rddreg [dreg:$0x18];
	[sflag:s3] =	ssyncadd.s32 $0xFFFFBC00  }
0x77: {  	[tilespmem:s8], [sflag:$0x4] =	stream.indirect.gather [hbm4b:s4+s7], $0x110, s1, s7, $0xb8;
	[tilespmem:$0x1A000] =	vst v63  }
0x78: {  	_ =	swait.ge [sflag:s15], $0x4400  }
0x79: {  	[sflag:s15] =	ssyncset.done $0x0  }
0x7a: {  	[sflag:s15] =	ssyncadd.s32 $0xFFFFBC00  }
0x7b: {  	[spmem:s2] =	stream.indirect.scatter.add.bf16 [tilespmem:s11], [sflag:$0x5], $0x110, s22, s7, $0xb8;
	[tilespmem:$0x1A000] =	vst v63  }
0x7c: {  	_ =	swait.ge [sflag:s3], $0x4400  }
0x7d: {  	[sflag:s3] =	ssyncset.done $0x0  }
0x7e: {  	[sflag:s3] =	ssyncadd.s32 $0xFFFFBC00  }
0x7f: {  	[tilespmem:s11], [sflag:$0x1] =	stream.indirect.gather [hbm4b:s4+s7], $0x110, s28, s7, $0xb8;
	[tilespmem:$0x1A000] =	vst v63  }
0x80: {  	_ =	swait.ge [sflag:s14], $0x4400  }
0x81: {  	[sflag:s14] =	ssyncset.done $0x0  }
0x82: {  	[sflag:s14] =	ssyncadd.s32 $0xFFFFBC00  }
0x83: {  	[spmem:s2] =	stream.indirect.scatter.add.bf16 [tilespmem:s10], [sflag:$0x5], $0x110, s26, s7, $0xb8;
	[tilespmem:$0x1A000] =	vst v63  }
0x84: {  	_ =	swait.ge [sflag:s3], $0x4400  }
0x85: {  	[sflag:s3] =	ssyncset.done $0x0  }
0x86: {  	[sflag:s3] =	ssyncadd.s32 $0xFFFFBC00  }
0x87: {  	[tilespmem:s10], [sflag:$0x2] =	stream.indirect.gather [hbm4b:s4+s7], $0x110, s25, s7, $0xb8;
	[tilespmem:$0x1A000] =	vst v63  }
0x88: {  	_ =	swait.ge [sflag:s13], $0x4400  }
0x89: {  	[sflag:s13] =	ssyncset.done $0x0  }
0x8a: {  	[sflag:s13] =	ssyncadd.s32 $0xFFFFBC00  }
0x8b: {  	[spmem:s2] =	stream.indirect.scatter.add.bf16 [tilespmem:s9], [sflag:$0x5], $0x110, s24, s7, $0xb8;
	[tilespmem:$0x1A000] =	vst v63  }
0x8c: {  	_ =	swait.ge [sflag:s3], $0x4400  }
0x8d: {  	[sflag:s3] =	ssyncset.done $0x0  }
0x8e: {  	s1 =	simm.s32 $0x8B80;
	[sflag:s3] =	ssyncadd.s32 $0xFFFFBC00  }
0x8f: {  	[tilespmem:s9], [sflag:$0x3] =	stream.indirect.gather [hbm4b:s4+s7], $0x110, s1, s7, $0xb8;
	[tilespmem:$0x1A000] =	vst v63  }
0x90: {  	_ =	swait.ge [sflag:s12], $0x4400  }
0x91: {  	[sflag:s12] =	ssyncset.done $0x0  }
0x92: {  	[sflag:s12] =	ssyncadd.s32 $0xFFFFBC00  }
0x93: {  	[spmem:s2] =	stream.indirect.scatter.add.bf16 [tilespmem:s8], [sflag:$0x5], $0x110, s23, s7, $0xb8;
	[tilespmem:$0x1A000] =	vst v63  }
0x94: {  	_ =	swait.ge [sflag:s3], $0x4400  }
0x95: {  	[sflag:s3] =	ssyncset.done $0x0  }
0x96: {  	[sflag:s3] =	ssyncadd.s32 $0xFFFFBC00  }
0x97: {  	[tilespmem:s8], [sflag:$0x4] =	stream.indirect.gather [hbm4b:s4+s7], $0x110, s21, s7, $0xb8;
	[tilespmem:$0x1A000] =	vst v63  }
0x98: {  	_ =	swait.ge [sflag:s15], $0x4400  }
0x99: {  	[sflag:s15] =	ssyncset.done $0x0  }
0x9a: {  	[sflag:s15] =	ssyncadd.s32 $0xFFFFBC00  }
0x9b: {  	[spmem:s2] =	stream.indirect.scatter.add.bf16 [tilespmem:s11], [sflag:$0x5], $0x110, s20, s7, $0xb8;
	[tilespmem:$0x1A000] =	vst v63  }
0x9c: {  	_ =	swait.ge [sflag:s3], $0x4400  }
0x9d: {  	[sflag:s3] =	ssyncset.done $0x0  }
0x9e: {  	[sflag:s3] =	ssyncadd.s32 $0xFFFFBC00  }
0x9f: {  	_ =	swait.ge [sflag:s14], $0x4400  }
0xa0: {  	[sflag:s14] =	ssyncset.done $0x0  }
0xa1: {  	[sflag:s14] =	ssyncadd.s32 $0xFFFFBC00  }
0xa2: {  	[spmem:s2] =	stream.indirect.scatter.add.bf16 [tilespmem:s10], [sflag:$0x5], $0x110, s19, s7, $0xb8;
	[tilespmem:$0x1A000] =	vst v63  }
0xa3: {  	_ =	swait.ge [sflag:s3], $0x4400  }
0xa4: {  	[sflag:s3] =	ssyncset.done $0x0  }
0xa5: {  	[sflag:s3] =	ssyncadd.s32 $0xFFFFBC00  }
0xa6: {  	_ =	swait.ge [sflag:s13], $0x4400  }
0xa7: {  	[sflag:s13] =	ssyncset.done $0x0  }
0xa8: {  	[sflag:s13] =	ssyncadd.s32 $0xFFFFBC00  }
0xa9: {  	[spmem:s2] =	stream.indirect.scatter.add.bf16 [tilespmem:s9], [sflag:$0x5], $0x110, s18, s7, $0xb8;
	[tilespmem:$0x1A000] =	vst v63  }
0xaa: {  	_ =	swait.ge [sflag:s3], $0x4400  }
0xab: {  	[sflag:s3] =	ssyncset.done $0x0  }
0xac: {  	[sflag:s3] =	ssyncadd.s32 $0xFFFFBC00  }
0xad: {  	_ =	swait.ge [sflag:s12], $0x4400  }
0xae: {  	[sflag:s12] =	ssyncset.done $0x0  }
0xaf: {  	[sflag:s12] =	ssyncadd.s32 $0xFFFFBC00  }
0xb0: {  	[spmem:s2] =	stream.indirect.scatter.add.bf16 [tilespmem:s8], [sflag:$0x5], $0x110, s17, s7, $0xb8;
	[tilespmem:$0x1A000] =	vst v63  }
0xb1: {  	_ =	swait.ge [sflag:s3], $0x4400  }
0xb2: {  	[sflag:s3] =	ssyncset.done $0x0  }
0xb3: {  	p1 =	sne.s32 s16, $0x1;
	[sflag:s3] =	ssyncadd.s32 $0xFFFFBC00  }
.Ltmp1:
0xb4: {  	[bflag:$0x0] =	sbarrier.arrive $0xFFFF;
	(pc) =	sbr.rel @!p1 .LBB2_3-.Ltmp1, $4  }
0xb5: {  	s1 =	rddreg [dreg:$0x6]  }
0xb6: {  	[hbm:s1], [sflag:s5] =	dma.local [spmem:s6], $0x1100  }
0xb7: {  	p0 =	por $0x1, $0x1;
	_ =	swait.ge [sflag:s3], $0x1100  }
0xb8: {  	s0 =	sadd.s32 $0xFFFFFFFF, s16;
	s1 =	rddreg [dreg:$0x4];
	[sflag:s3] =	ssyncset.done $0x0  }
.LBB2_4:
0xb9: {  	[sflag:s3] =	ssyncadd.s32 $0xFFFFEF00  }
0xba: {  	[tilespmem:s31], [sflag:$0x5] =	stream.linear.gather [hbm4b:s1+s29], $0x400, $0x38;
	[tilespmem:$0x1A000] =	vst v63  }
0xbb: {  	_ =	swait.ge [sflag:s3], $0x400  }
0xbc: {  	[sflag:s3] =	ssyncset.done $0x0  }
0xbd: {  	s16 =	rddreg [dreg:$0x5];
	[sflag:s3] =	ssyncadd.s32 $0xFFFFFC00  }
0xbe: {  	[tilespmem:s30], [sflag:$0x5] =	stream.linear.gather [hbm4b:s16+s29], $0x400, $0x38;
	[tilespmem:$0x1A000] =	vst v63  }
0xbf: {  	_ =	swait.ge [sflag:s3], $0x400  }
0xc0: {  	[sflag:s3] =	ssyncset.done $0x0  }
0xc1: {  	s16 =	rddreg [dreg:$0x3];
	[sflag:s3] =	ssyncadd.s32 $0xFFFFFC00  }
0xc2: {  	[spmem:s6], [sflag:s5] =	dma.local [hbm:s16], $0x1100  }
0xc3: {  	_ =	swait.ge [sflag:s3], $0x1100  }
0xc4: {  	[sflag:s3] =	ssyncset.done $0x0  }
0xc5: {  	[sflag:s3] =	ssyncadd.s32 $0xFFFFEF00  }
0xc6: {  	[bflag:$0x0] =	sbarrier.arrive $0xFFFF  }
0xc7: {  	[tilespmem:s11], [sflag:$0x1] =	stream.indirect.gather [hbm4b:s4+s7], $0x110, s31, s7, $0xb8;
	[tilespmem:$0x1A000] =	vst v63  }
0xc8: {  	s1 =	rddreg [dreg:$0x7]  }
0xc9: {  	[tilespmem:s10], [sflag:$0x2] =	stream.indirect.gather [hbm4b:s4+s7], $0x110, s1, s7, $0xb8;
	[tilespmem:$0x1A000] =	vst v63  }
0xca: {  	s16 =	rddreg [dreg:$0x8]  }
0xcb: {  	[tilespmem:s9], [sflag:$0x3] =	stream.indirect.gather [hbm4b:s4+s7], $0x110, s16, s7, $0xb8;
	[tilespmem:$0x1A000] =	vst v63  }
0xcc: {  	s1 =	rddreg [dreg:$0x9]  }
0xcd: {  	[tilespmem:s8], [sflag:$0x4] =	stream.indirect.gather [hbm4b:s4+s7], $0x110, s1, s7, $0xb8;
	[tilespmem:$0x1A000] =	vst v63  }
0xce: {  	_ =	swait.ge [sflag:s15], $0x4400  }
0xcf: {  	[sflag:s15] =	ssyncset.done $0x0  }
0xd0: {  	[sflag:s15] =	ssyncadd.s32 $0xFFFFBC00  }
0xd1: {  	[spmem:s2] =	stream.indirect.scatter.add.bf16 [tilespmem:s11], [sflag:$0x5], $0x110, s30, s7, $0xb8;
	[tilespmem:$0x1A000] =	vst v63  }
0xd2: {  	_ =	swait.ge [sflag:s3], $0x4400  }
0xd3: {  	[sflag:s3] =	ssyncset.done $0x0  }
0xd4: {  	s16 =	rddreg [dreg:$0xa];
	[sflag:s3] =	ssyncadd.s32 $0xFFFFBC00  }
0xd5: {  	[tilespmem:s11], [sflag:$0x1] =	stream.indirect.gather [hbm4b:s4+s7], $0x110, s16, s7, $0xb8;
	[tilespmem:$0x1A000] =	vst v63  }
0xd6: {  	_ =	swait.ge [sflag:s14], $0x4400  }
0xd7: {  	[sflag:s14] =	ssyncset.done $0x0  }
0xd8: {  	s16 =	rddreg [dreg:$0xb];
	[sflag:s14] =	ssyncadd.s32 $0xFFFFBC00  }
0xd9: {  	[spmem:s2] =	stream.indirect.scatter.add.bf16 [tilespmem:s10], [sflag:$0x5], $0x110, s16, s7, $0xb8;
	[tilespmem:$0x1A000] =	vst v63  }
0xda: {  	_ =	swait.ge [sflag:s3], $0x4400  }
0xdb: {  	[sflag:s3] =	ssyncset.done $0x0  }
0xdc: {  	s16 =	rddreg [dreg:$0xc];
	[sflag:s3] =	ssyncadd.s32 $0xFFFFBC00  }
0xdd: {  	[tilespmem:s10], [sflag:$0x2] =	stream.indirect.gather [hbm4b:s4+s7], $0x110, s16, s7, $0xb8;
	[tilespmem:$0x1A000] =	vst v63  }
0xde: {  	_ =	swait.ge [sflag:s13], $0x4400  }
0xdf: {  	[sflag:s13] =	ssyncset.done $0x0  }
0xe0: {  	s16 =	rddreg [dreg:$0xd];
	[sflag:s13] =	ssyncadd.s32 $0xFFFFBC00  }
0xe1: {  	[spmem:s2] =	stream.indirect.scatter.add.bf16 [tilespmem:s9], [sflag:$0x5], $0x110, s16, s7, $0xb8;
	[tilespmem:$0x1A000] =	vst v63  }
0xe2: {  	_ =	swait.ge [sflag:s3], $0x4400  }
0xe3: {  	[sflag:s3] =	ssyncset.done $0x0  }
0xe4: {  	s16 =	rddreg [dreg:$0xe];
	[sflag:s3] =	ssyncadd.s32 $0xFFFFBC00  }
0xe5: {  	[tilespmem:s9], [sflag:$0x3] =	stream.indirect.gather [hbm4b:s4+s7], $0x110, s16, s7, $0xb8;
	[tilespmem:$0x1A000] =	vst v63  }
0xe6: {  	_ =	swait.ge [sflag:s12], $0x4400  }
0xe7: {  	[sflag:s12] =	ssyncset.done $0x0  }
0xe8: {  	s16 =	rddreg [dreg:$0xf];
	[sflag:s12] =	ssyncadd.s32 $0xFFFFBC00  }
0xe9: {  	[spmem:s2] =	stream.indirect.scatter.add.bf16 [tilespmem:s8], [sflag:$0x5], $0x110, s16, s7, $0xb8;
	[tilespmem:$0x1A000] =	vst v63  }
0xea: {  	_ =	swait.ge [sflag:s3], $0x4400  }
0xeb: {  	[sflag:s3] =	ssyncset.done $0x0  }
0xec: {  	s16 =	rddreg [dreg:$0x10];
	[sflag:s3] =	ssyncadd.s32 $0xFFFFBC00  }
0xed: {  	[tilespmem:s8], [sflag:$0x4] =	stream.indirect.gather [hbm4b:s4+s7], $0x110, s16, s7, $0xb8;
	[tilespmem:$0x1A000] =	vst v63  }
0xee: {  	_ =	swait.ge [sflag:s15], $0x4400  }
0xef: {  	[sflag:s15] =	ssyncset.done $0x0  }
0xf0: {  	s16 =	rddreg [dreg:$0x11];
	[sflag:s15] =	ssyncadd.s32 $0xFFFFBC00  }
0xf1: {  	[spmem:s2] =	stream.indirect.scatter.add.bf16 [tilespmem:s11], [sflag:$0x5], $0x110, s16, s7, $0xb8;
	[tilespmem:$0x1A000] =	vst v63  }
0xf2: {  	_ =	swait.ge [sflag:s3], $0x4400  }
0xf3: {  	[sflag:s3] =	ssyncset.done $0x0  }
0xf4: {  	s16 =	rddreg [dreg:$0x12];
	[sflag:s3] =	ssyncadd.s32 $0xFFFFBC00  }
0xf5: {  	[tilespmem:s11], [sflag:$0x1] =	stream.indirect.gather [hbm4b:s4+s7], $0x110, s16, s7, $0xb8;
	[tilespmem:$0x1A000] =	vst v63  }
0xf6: {  	_ =	swait.ge [sflag:s14], $0x4400  }
0xf7: {  	[sflag:s14] =	ssyncset.done $0x0  }
0xf8: {  	s16 =	rddreg [dreg:$0x13];
	[sflag:s14] =	ssyncadd.s32 $0xFFFFBC00  }
0xf9: {  	[spmem:s2] =	stream.indirect.scatter.add.bf16 [tilespmem:s10], [sflag:$0x5], $0x110, s16, s7, $0xb8;
	[tilespmem:$0x1A000] =	vst v63  }
0xfa: {  	_ =	swait.ge [sflag:s3], $0x4400  }
0xfb: {  	[sflag:s3] =	ssyncset.done $0x0  }
0xfc: {  	s16 =	rddreg [dreg:$0x14];
	[sflag:s3] =	ssyncadd.s32 $0xFFFFBC00  }
0xfd: {  	[tilespmem:s10], [sflag:$0x2] =	stream.indirect.gather [hbm4b:s4+s7], $0x110, s16, s7, $0xb8;
	[tilespmem:$0x1A000] =	vst v63  }
0xfe: {  	_ =	swait.ge [sflag:s13], $0x4400  }
0xff: {  	[sflag:s13] =	ssyncset.done $0x0  }
0x100: {  	s16 =	rddreg [dreg:$0x15];
	[sflag:s13] =	ssyncadd.s32 $0xFFFFBC00  }
0x101: {  	[spmem:s2] =	stream.indirect.scatter.add.bf16 [tilespmem:s9], [sflag:$0x5], $0x110, s16, s7, $0xb8;
	[tilespmem:$0x1A000] =	vst v63  }
0x102: {  	_ =	swait.ge [sflag:s3], $0x4400  }
0x103: {  	[sflag:s3] =	ssyncset.done $0x0  }
0x104: {  	s16 =	rddreg [dreg:$0x16];
	[sflag:s3] =	ssyncadd.s32 $0xFFFFBC00  }
0x105: {  	[tilespmem:s9], [sflag:$0x3] =	stream.indirect.gather [hbm4b:s4+s7], $0x110, s16, s7, $0xb8;
	[tilespmem:$0x1A000] =	vst v63  }
0x106: {  	_ =	swait.ge [sflag:s12], $0x4400  }
0x107: {  	[sflag:s12] =	ssyncset.done $0x0  }
0x108: {  	s16 =	rddreg [dreg:$0x17];
	[sflag:s12] =	ssyncadd.s32 $0xFFFFBC00  }
0x109: {  	[spmem:s2] =	stream.indirect.scatter.add.bf16 [tilespmem:s8], [sflag:$0x5], $0x110, s16, s7, $0xb8;
	[tilespmem:$0x1A000] =	vst v63  }
0x10a: {  	_ =	swait.ge [sflag:s3], $0x4400  }
0x10b: {  	[sflag:s3] =	ssyncset.done $0x0  }
0x10c: {  	s16 =	rddreg [dreg:$0x18];
	[sflag:s3] =	ssyncadd.s32 $0xFFFFBC00  }
0x10d: {  	[tilespmem:s8], [sflag:$0x4] =	stream.indirect.gather [hbm4b:s4+s7], $0x110, s16, s7, $0xb8;
	[tilespmem:$0x1A000] =	vst v63  }
0x10e: {  	_ =	swait.ge [sflag:s15], $0x4400  }
0x10f: {  	[sflag:s15] =	ssyncset.done $0x0  }
0x110: {  	[sflag:s15] =	ssyncadd.s32 $0xFFFFBC00  }
0x111: {  	[spmem:s2] =	stream.indirect.scatter.add.bf16 [tilespmem:s11], [sflag:$0x5], $0x110, s22, s7, $0xb8;
	[tilespmem:$0x1A000] =	vst v63  }
0x112: {  	_ =	swait.ge [sflag:s3], $0x4400  }
0x113: {  	[sflag:s3] =	ssyncset.done $0x0  }
0x114: {  	[sflag:s3] =	ssyncadd.s32 $0xFFFFBC00  }
0x115: {  	[tilespmem:s11], [sflag:$0x1] =	stream.indirect.gather [hbm4b:s4+s7], $0x110, s28, s7, $0xb8;
	[tilespmem:$0x1A000] =	vst v63  }
0x116: {  	_ =	swait.ge [sflag:s14], $0x4400  }
0x117: {  	[sflag:s14] =	ssyncset.done $0x0  }
0x118: {  	[sflag:s14] =	ssyncadd.s32 $0xFFFFBC00  }
0x119: {  	[spmem:s2] =	stream.indirect.scatter.add.bf16 [tilespmem:s10], [sflag:$0x5], $0x110, s26, s7, $0xb8;
	[tilespmem:$0x1A000] =	vst v63  }
0x11a: {  	_ =	swait.ge [sflag:s3], $0x4400  }
0x11b: {  	[sflag:s3] =	ssyncset.done $0x0  }
0x11c: {  	[sflag:s3] =	ssyncadd.s32 $0xFFFFBC00  }
0x11d: {  	[tilespmem:s10], [sflag:$0x2] =	stream.indirect.gather [hbm4b:s4+s7], $0x110, s25, s7, $0xb8;
	[tilespmem:$0x1A000] =	vst v63  }
0x11e: {  	_ =	swait.ge [sflag:s13], $0x4400  }
0x11f: {  	[sflag:s13] =	ssyncset.done $0x0  }
0x120: {  	[sflag:s13] =	ssyncadd.s32 $0xFFFFBC00  }
0x121: {  	[spmem:s2] =	stream.indirect.scatter.add.bf16 [tilespmem:s9], [sflag:$0x5], $0x110, s24, s7, $0xb8;
	[tilespmem:$0x1A000] =	vst v63  }
0x122: {  	_ =	swait.ge [sflag:s3], $0x4400  }
0x123: {  	[sflag:s3] =	ssyncset.done $0x0  }
0x124: {  	s16 =	simm.s32 $0x8B80;
	[sflag:s3] =	ssyncadd.s32 $0xFFFFBC00  }
0x125: {  	[tilespmem:s9], [sflag:$0x3] =	stream.indirect.gather [hbm4b:s4+s7], $0x110, s16, s7, $0xb8;
	[tilespmem:$0x1A000] =	vst v63  }
0x126: {  	_ =	swait.ge [sflag:s12], $0x4400  }
0x127: {  	[sflag:s12] =	ssyncset.done $0x0  }
0x128: {  	[sflag:s12] =	ssyncadd.s32 $0xFFFFBC00  }
0x129: {  	[spmem:s2] =	stream.indirect.scatter.add.bf16 [tilespmem:s8], [sflag:$0x5], $0x110, s23, s7, $0xb8;
	[tilespmem:$0x1A000] =	vst v63  }
0x12a: {  	_ =	swait.ge [sflag:s3], $0x4400  }
0x12b: {  	[sflag:s3] =	ssyncset.done $0x0  }
0x12c: {  	[sflag:s3] =	ssyncadd.s32 $0xFFFFBC00  }
0x12d: {  	[tilespmem:s8], [sflag:$0x4] =	stream.indirect.gather [hbm4b:s4+s7], $0x110, s21, s7, $0xb8;
	[tilespmem:$0x1A000] =	vst v63  }
0x12e: {  	_ =	swait.ge [sflag:s15], $0x4400  }
0x12f: {  	[sflag:s15] =	ssyncset.done $0x0  }
0x130: {  	[sflag:s15] =	ssyncadd.s32 $0xFFFFBC00  }
0x131: {  	[spmem:s2] =	stream.indirect.scatter.add.bf16 [tilespmem:s11], [sflag:$0x5], $0x110, s20, s7, $0xb8;
	[tilespmem:$0x1A000] =	vst v63  }
0x132: {  	_ =	swait.ge [sflag:s3], $0x4400  }
0x133: {  	[sflag:s3] =	ssyncset.done $0x0  }
0x134: {  	[sflag:s3] =	ssyncadd.s32 $0xFFFFBC00  }
0x135: {  	_ =	swait.ge [sflag:s14], $0x4400  }
0x136: {  	[sflag:s14] =	ssyncset.done $0x0  }
0x137: {  	[sflag:s14] =	ssyncadd.s32 $0xFFFFBC00  }
0x138: {  	[spmem:s2] =	stream.indirect.scatter.add.bf16 [tilespmem:s10], [sflag:$0x5], $0x110, s19, s7, $0xb8;
	[tilespmem:$0x1A000] =	vst v63  }
0x139: {  	_ =	swait.ge [sflag:s3], $0x4400  }
0x13a: {  	[sflag:s3] =	ssyncset.done $0x0  }
0x13b: {  	[sflag:s3] =	ssyncadd.s32 $0xFFFFBC00  }
0x13c: {  	_ =	swait.ge [sflag:s13], $0x4400  }
0x13d: {  	[sflag:s13] =	ssyncset.done $0x0  }
0x13e: {  	[sflag:s13] =	ssyncadd.s32 $0xFFFFBC00  }
0x13f: {  	[spmem:s2] =	stream.indirect.scatter.add.bf16 [tilespmem:s9], [sflag:$0x5], $0x110, s18, s7, $0xb8;
	[tilespmem:$0x1A000] =	vst v63  }
0x140: {  	_ =	swait.ge [sflag:s3], $0x4400  }
0x141: {  	[sflag:s3] =	ssyncset.done $0x0  }
0x142: {  	[sflag:s3] =	ssyncadd.s32 $0xFFFFBC00  }
0x143: {  	_ =	swait.ge [sflag:s12], $0x4400  }
0x144: {  	[sflag:s12] =	ssyncset.done $0x0  }
0x145: {  	[sflag:s12] =	ssyncadd.s32 $0xFFFFBC00  }
0x146: {  	[spmem:s2] =	stream.indirect.scatter.add.bf16 [tilespmem:s8], [sflag:$0x5], $0x110, s17, s7, $0xb8;
	[tilespmem:$0x1A000] =	vst v63  }
0x147: {  	_ =	swait.ge [sflag:s3], $0x4400  }
0x148: {  	[sflag:s3] =	ssyncset.done $0x0  }
0x149: {  	p1 =	sne.s32 s0, $0x1;
	[sflag:s3] =	ssyncadd.s32 $0xFFFFBC00  }
.Ltmp2:
0x14a: {  	[bflag:$0x0] =	sbarrier.arrive $0xFFFF;
	(pc) =	sbr.rel @p1 .LBB2_4-.Ltmp2, $4  }
0x14b: {  	s16 =	rddreg [dreg:$0x6]  }
0x14c: {  	[hbm:s16], [sflag:s5] =	dma.local [spmem:s6], $0x1100  }
0x14d: {  	_ =	swait.ge [sflag:s3], $0x1100  }
0x14e: {  	s0 =	sadd.s32 $0xFFFFFFFF, s0;
	s1 =	rddreg [dreg:$0x4];
	[sflag:s3] =	ssyncset.done $0x0  }
0x14f: {  	s17 =	simm.s32 $0x8E00;
	s28 =	simm.s32 $0x8B00;
	s26 =	simm.s32 $0x8E40  }
0x150: {  	s25 =	simm.s32 $0x8B40;
	s24 =	simm.s32 $0x8E80;
	s23 =	simm.s32 $0x8EC0  }
0x151: {  	s22 =	simm.s32 $0x8B80;
	s21 =	simm.s32 $0x8BC0;
	s20 =	simm.s32 $0x8F00  }
0x152: {  	s19 =	simm.s32 $0x8F40;
	s18 =	simm.s32 $0x8F80;
	s16 =	rddreg [dreg:$0x2]  }
.LBB2_6:
0x153: {  	[sflag:s3] =	ssyncadd.s32 @p0 $0xFFFFEF00  }
0x154: {  	[tilespmem:s31], [sflag:$0x5] =	stream.linear.gather [hbm4b:s1+s29], $0x400, $0x38;
	[tilespmem:$0x1A000] =	vst v63  }
0x155: {  	_ =	swait.ge [sflag:s3], $0x400  }
0x156: {  	[sflag:s3] =	ssyncset.done $0x0  }
0x157: {  	s0 =	rddreg [dreg:$0x5];
	[sflag:s3] =	ssyncadd.s32 $0xFFFFFC00  }
0x158: {  	[tilespmem:s30], [sflag:$0x5] =	stream.linear.gather [hbm4b:s0+s29], $0x400, $0x38;
	[tilespmem:$0x1A000] =	vst v63  }
0x159: {  	_ =	swait.ge [sflag:s3], $0x400  }
0x15a: {  	[sflag:s3] =	ssyncset.done $0x0  }
0x15b: {  	s1 =	rddreg [dreg:$0x3];
	[sflag:s3] =	ssyncadd.s32 $0xFFFFFC00  }
0x15c: {  	[spmem:s6], [sflag:s5] =	dma.local [hbm:s1], $0x1100  }
0x15d: {  	_ =	swait.ge [sflag:s3], $0x1100  }
0x15e: {  	[sflag:s3] =	ssyncset.done $0x0  }
0x15f: {  	[sflag:s3] =	ssyncadd.s32 $0xFFFFEF00  }
0x160: {  	[bflag:$0x0] =	sbarrier.arrive $0xFFFF  }
0x161: {  	[tilespmem:s11], [sflag:$0x1] =	stream.indirect.gather [hbm4b:s4+s7], $0x110, s31, s7, $0xb8;
	[tilespmem:$0x1A000] =	vst v63  }
0x162: {  	s29 =	rddreg [dreg:$0x7]  }
0x163: {  	[tilespmem:s10], [sflag:$0x2] =	stream.indirect.gather [hbm4b:s4+s7], $0x110, s29, s7, $0xb8;
	[tilespmem:$0x1A000] =	vst v63  }
0x164: {  	s31 =	rddreg [dreg:$0x8]  }
0x165: {  	[tilespmem:s9], [sflag:$0x3] =	stream.indirect.gather [hbm4b:s4+s7], $0x110, s31, s7, $0xb8;
	[tilespmem:$0x1A000] =	vst v63  }
0x166: {  	s29 =	rddreg [dreg:$0x9]  }
0x167: {  	[tilespmem:s8], [sflag:$0x4] =	stream.indirect.gather [hbm4b:s4+s7], $0x110, s29, s7, $0xb8;
	[tilespmem:$0x1A000] =	vst v63  }
0x168: {  	_ =	swait.ge [sflag:s15], $0x4400  }
0x169: {  	[sflag:s15] =	ssyncset.done $0x0  }
0x16a: {  	[sflag:s15] =	ssyncadd.s32 $0xFFFFBC00  }
0x16b: {  	[spmem:s2] =	stream.indirect.scatter.add.bf16 [tilespmem:s11], [sflag:$0x5], $0x110, s30, s7, $0xb8;
	[tilespmem:$0x1A000] =	vst v63  }
0x16c: {  	_ =	swait.ge [sflag:s3], $0x4400  }
0x16d: {  	[sflag:s3] =	ssyncset.done $0x0  }
0x16e: {  	s30 =	rddreg [dreg:$0xa];
	[sflag:s3] =	ssyncadd.s32 $0xFFFFBC00  }
0x16f: {  	[tilespmem:s11], [sflag:$0x1] =	stream.indirect.gather [hbm4b:s4+s7], $0x110, s30, s7, $0xb8;
	[tilespmem:$0x1A000] =	vst v63  }
0x170: {  	_ =	swait.ge [sflag:s14], $0x4400  }
0x171: {  	[sflag:s14] =	ssyncset.done $0x0  }
0x172: {  	s31 =	rddreg [dreg:$0xb];
	[sflag:s14] =	ssyncadd.s32 $0xFFFFBC00  }
0x173: {  	[spmem:s2] =	stream.indirect.scatter.add.bf16 [tilespmem:s10], [sflag:$0x5], $0x110, s31, s7, $0xb8;
	[tilespmem:$0x1A000] =	vst v63  }
0x174: {  	_ =	swait.ge [sflag:s3], $0x4400  }
0x175: {  	[sflag:s3] =	ssyncset.done $0x0  }
0x176: {  	s1 =	rddreg [dreg:$0xc];
	[sflag:s3] =	ssyncadd.s32 $0xFFFFBC00  }
0x177: {  	[tilespmem:s10], [sflag:$0x2] =	stream.indirect.gather [hbm4b:s4+s7], $0x110, s1, s7, $0xb8;
	[tilespmem:$0x1A000] =	vst v63  }
0x178: {  	_ =	swait.ge [sflag:s13], $0x4400  }
0x179: {  	[sflag:s13] =	ssyncset.done $0x0  }
0x17a: {  	s29 =	rddreg [dreg:$0xd];
	[sflag:s13] =	ssyncadd.s32 $0xFFFFBC00  }
0x17b: {  	[spmem:s2] =	stream.indirect.scatter.add.bf16 [tilespmem:s9], [sflag:$0x5], $0x110, s29, s7, $0xb8;
	[tilespmem:$0x1A000] =	vst v63  }
0x17c: {  	_ =	swait.ge [sflag:s3], $0x4400  }
0x17d: {  	[sflag:s3] =	ssyncset.done $0x0  }
0x17e: {  	s30 =	rddreg [dreg:$0xe];
	[sflag:s3] =	ssyncadd.s32 $0xFFFFBC00  }
0x17f: {  	[tilespmem:s9], [sflag:$0x3] =	stream.indirect.gather [hbm4b:s4+s7], $0x110, s30, s7, $0xb8;
	[tilespmem:$0x1A000] =	vst v63  }
0x180: {  	_ =	swait.ge [sflag:s12], $0x4400  }
0x181: {  	[sflag:s12] =	ssyncset.done $0x0  }
0x182: {  	s31 =	rddreg [dreg:$0xf];
	[sflag:s12] =	ssyncadd.s32 $0xFFFFBC00  }
0x183: {  	[spmem:s2] =	stream.indirect.scatter.add.bf16 [tilespmem:s8], [sflag:$0x5], $0x110, s31, s7, $0xb8;
	[tilespmem:$0x1A000] =	vst v63  }
0x184: {  	_ =	swait.ge [sflag:s3], $0x4400  }
0x185: {  	[sflag:s3] =	ssyncset.done $0x0  }
0x186: {  	s1 =	rddreg [dreg:$0x10];
	[sflag:s3] =	ssyncadd.s32 $0xFFFFBC00  }
0x187: {  	[tilespmem:s8], [sflag:$0x4] =	stream.indirect.gather [hbm4b:s4+s7], $0x110, s1, s7, $0xb8;
	[tilespmem:$0x1A000] =	vst v63  }
0x188: {  	_ =	swait.ge [sflag:s15], $0x4400  }
0x189: {  	[sflag:s15] =	ssyncset.done $0x0  }
0x18a: {  	s29 =	rddreg [dreg:$0x11];
	[sflag:s15] =	ssyncadd.s32 $0xFFFFBC00  }
0x18b: {  	[spmem:s2] =	stream.indirect.scatter.add.bf16 [tilespmem:s11], [sflag:$0x5], $0x110, s29, s7, $0xb8;
	[tilespmem:$0x1A000] =	vst v63  }
0x18c: {  	_ =	swait.ge [sflag:s3], $0x4400  }
0x18d: {  	[sflag:s3] =	ssyncset.done $0x0  }
0x18e: {  	s30 =	rddreg [dreg:$0x12];
	[sflag:s3] =	ssyncadd.s32 $0xFFFFBC00  }
0x18f: {  	[tilespmem:s11], [sflag:$0x1] =	stream.indirect.gather [hbm4b:s4+s7], $0x110, s30, s7, $0xb8;
	[tilespmem:$0x1A000] =	vst v63  }
0x190: {  	_ =	swait.ge [sflag:s14], $0x4400  }
0x191: {  	[sflag:s14] =	ssyncset.done $0x0  }
0x192: {  	s31 =	rddreg [dreg:$0x13];
	[sflag:s14] =	ssyncadd.s32 $0xFFFFBC00  }
0x193: {  	[spmem:s2] =	stream.indirect.scatter.add.bf16 [tilespmem:s10], [sflag:$0x5], $0x110, s31, s7, $0xb8;
	[tilespmem:$0x1A000] =	vst v63  }
0x194: {  	_ =	swait.ge [sflag:s3], $0x4400  }
0x195: {  	[sflag:s3] =	ssyncset.done $0x0  }
0x196: {  	s1 =	rddreg [dreg:$0x14];
	[sflag:s3] =	ssyncadd.s32 $0xFFFFBC00  }
0x197: {  	[tilespmem:s10], [sflag:$0x2] =	stream.indirect.gather [hbm4b:s4+s7], $0x110, s1, s7, $0xb8;
	[tilespmem:$0x1A000] =	vst v63  }
0x198: {  	_ =	swait.ge [sflag:s13], $0x4400  }
0x199: {  	[sflag:s13] =	ssyncset.done $0x0  }
0x19a: {  	s29 =	rddreg [dreg:$0x15];
	[sflag:s13] =	ssyncadd.s32 $0xFFFFBC00  }
0x19b: {  	[spmem:s2] =	stream.indirect.scatter.add.bf16 [tilespmem:s9], [sflag:$0x5], $0x110, s29, s7, $0xb8;
	[tilespmem:$0x1A000] =	vst v63  }
0x19c: {  	_ =	swait.ge [sflag:s3], $0x4400  }
0x19d: {  	[sflag:s3] =	ssyncset.done $0x0  }
0x19e: {  	s30 =	rddreg [dreg:$0x16];
	[sflag:s3] =	ssyncadd.s32 $0xFFFFBC00  }
0x19f: {  	[tilespmem:s9], [sflag:$0x3] =	stream.indirect.gather [hbm4b:s4+s7], $0x110, s30, s7, $0xb8;
	[tilespmem:$0x1A000] =	vst v63  }
0x1a0: {  	_ =	swait.ge [sflag:s12], $0x4400  }
0x1a1: {  	[sflag:s12] =	ssyncset.done $0x0  }
0x1a2: {  	s31 =	rddreg [dreg:$0x17];
	[sflag:s12] =	ssyncadd.s32 $0xFFFFBC00  }
0x1a3: {  	[spmem:s2] =	stream.indirect.scatter.add.bf16 [tilespmem:s8], [sflag:$0x5], $0x110, s31, s7, $0xb8;
	[tilespmem:$0x1A000] =	vst v63  }
0x1a4: {  	_ =	swait.ge [sflag:s3], $0x4400  }
0x1a5: {  	[sflag:s3] =	ssyncset.done $0x0  }
0x1a6: {  	s1 =	rddreg [dreg:$0x18];
	[sflag:s3] =	ssyncadd.s32 $0xFFFFBC00  }
0x1a7: {  	[tilespmem:s8], [sflag:$0x4] =	stream.indirect.gather [hbm4b:s4+s7], $0x110, s1, s7, $0xb8;
	[tilespmem:$0x1A000] =	vst v63  }
0x1a8: {  	_ =	swait.ge [sflag:s15], $0x4400  }
0x1a9: {  	[sflag:s15] =	ssyncset.done $0x0  }
0x1aa: {  	[sflag:s15] =	ssyncadd.s32 $0xFFFFBC00  }
0x1ab: {  	[spmem:s2] =	stream.indirect.scatter.add.bf16 [tilespmem:s11], [sflag:$0x5], $0x110, s17, s7, $0xb8;
	[tilespmem:$0x1A000] =	vst v63  }
0x1ac: {  	_ =	swait.ge [sflag:s3], $0x4400  }
0x1ad: {  	[sflag:s3] =	ssyncset.done $0x0  }
0x1ae: {  	[sflag:s3] =	ssyncadd.s32 $0xFFFFBC00  }
0x1af: {  	[tilespmem:s11], [sflag:$0x1] =	stream.indirect.gather [hbm4b:s4+s7], $0x110, s28, s7, $0xb8;
	[tilespmem:$0x1A000] =	vst v63  }
0x1b0: {  	_ =	swait.ge [sflag:s14], $0x4400  }
0x1b1: {  	[sflag:s14] =	ssyncset.done $0x0  }
0x1b2: {  	[sflag:s14] =	ssyncadd.s32 $0xFFFFBC00  }
0x1b3: {  	[spmem:s2] =	stream.indirect.scatter.add.bf16 [tilespmem:s10], [sflag:$0x5], $0x110, s26, s7, $0xb8;
	[tilespmem:$0x1A000] =	vst v63  }
0x1b4: {  	_ =	swait.ge [sflag:s3], $0x4400  }
0x1b5: {  	[sflag:s3] =	ssyncset.done $0x0  }
0x1b6: {  	[sflag:s3] =	ssyncadd.s32 $0xFFFFBC00  }
0x1b7: {  	[tilespmem:s10], [sflag:$0x2] =	stream.indirect.gather [hbm4b:s4+s7], $0x110, s25, s7, $0xb8;
	[tilespmem:$0x1A000] =	vst v63  }
0x1b8: {  	_ =	swait.ge [sflag:s13], $0x4400  }
0x1b9: {  	[sflag:s13] =	ssyncset.done $0x0  }
0x1ba: {  	[sflag:s13] =	ssyncadd.s32 $0xFFFFBC00  }
0x1bb: {  	[spmem:s2] =	stream.indirect.scatter.add.bf16 [tilespmem:s9], [sflag:$0x5], $0x110, s24, s7, $0xb8;
	[tilespmem:$0x1A000] =	vst v63  }
0x1bc: {  	_ =	swait.ge [sflag:s3], $0x4400  }
0x1bd: {  	[sflag:s3] =	ssyncset.done $0x0  }
0x1be: {  	[sflag:s3] =	ssyncadd.s32 $0xFFFFBC00  }
0x1bf: {  	[tilespmem:s9], [sflag:$0x3] =	stream.indirect.gather [hbm4b:s4+s7], $0x110, s22, s7, $0xb8;
	[tilespmem:$0x1A000] =	vst v63  }
0x1c0: {  	_ =	swait.ge [sflag:s12], $0x4400  }
0x1c1: {  	[sflag:s12] =	ssyncset.done $0x0  }
0x1c2: {  	[sflag:s12] =	ssyncadd.s32 $0xFFFFBC00  }
0x1c3: {  	[spmem:s2] =	stream.indirect.scatter.add.bf16 [tilespmem:s8], [sflag:$0x5], $0x110, s23, s7, $0xb8;
	[tilespmem:$0x1A000] =	vst v63  }
0x1c4: {  	_ =	swait.ge [sflag:s3], $0x4400  }
0x1c5: {  	[sflag:s3] =	ssyncset.done $0x0  }
0x1c6: {  	[sflag:s3] =	ssyncadd.s32 $0xFFFFBC00  }
0x1c7: {  	[tilespmem:s8], [sflag:$0x4] =	stream.indirect.gather [hbm4b:s4+s7], $0x110, s21, s7, $0xb8;
	[tilespmem:$0x1A000] =	vst v63  }
0x1c8: {  	_ =	swait.ge [sflag:s15], $0x4400  }
0x1c9: {  	[sflag:s15] =	ssyncset.done $0x0  }
0x1ca: {  	[sflag:s15] =	ssyncadd.s32 $0xFFFFBC00  }
0x1cb: {  	[spmem:s2] =	stream.indirect.scatter.add.bf16 [tilespmem:s11], [sflag:$0x5], $0x110, s20, s7, $0xb8;
	[tilespmem:$0x1A000] =	vst v63  }
0x1cc: {  	_ =	swait.ge [sflag:s3], $0x4400  }
0x1cd: {  	[sflag:s3] =	ssyncset.done $0x0  }
0x1ce: {  	[sflag:s3] =	ssyncadd.s32 $0xFFFFBC00  }
0x1cf: {  	_ =	swait.ge [sflag:s14], $0x4400  }
0x1d0: {  	[sflag:s14] =	ssyncset.done $0x0  }
0x1d1: {  	[sflag:s14] =	ssyncadd.s32 $0xFFFFBC00  }
0x1d2: {  	[spmem:s2] =	stream.indirect.scatter.add.bf16 [tilespmem:s10], [sflag:$0x5], $0x110, s19, s7, $0xb8;
	[tilespmem:$0x1A000] =	vst v63  }
0x1d3: {  	_ =	swait.ge [sflag:s3], $0x4400  }
0x1d4: {  	[sflag:s3] =	ssyncset.done $0x0  }
0x1d5: {  	[sflag:s3] =	ssyncadd.s32 $0xFFFFBC00  }
0x1d6: {  	_ =	swait.ge [sflag:s13], $0x4400  }
0x1d7: {  	[sflag:s13] =	ssyncset.done $0x0  }
0x1d8: {  	[sflag:s13] =	ssyncadd.s32 $0xFFFFBC00  }
0x1d9: {  	[spmem:s2] =	stream.indirect.scatter.add.bf16 [tilespmem:s9], [sflag:$0x5], $0x110, s18, s7, $0xb8;
	[tilespmem:$0x1A000] =	vst v63  }
0x1da: {  	_ =	swait.ge [sflag:s3], $0x4400  }
0x1db: {  	[sflag:s3] =	ssyncset.done $0x0  }
0x1dc: {  	[sflag:s3] =	ssyncadd.s32 $0xFFFFBC00  }
0x1dd: {  	_ =	swait.ge [sflag:s12], $0x4400  }
0x1de: {  	[sflag:s12] =	ssyncset.done $0x0  }
0x1df: {  	s29 =	simm.s32 $0x8FC0;
	[sflag:s12] =	ssyncadd.s32 $0xFFFFBC00  }
0x1e0: {  	[spmem:s2] =	stream.indirect.scatter.add.bf16 [tilespmem:s8], [sflag:$0x5], $0x110, s29, s7, $0xb8;
	[tilespmem:$0x1A000] =	vst v63  }
0x1e1: {  	_ =	swait.ge [sflag:s3], $0x4400  }
0x1e2: {  	[sflag:s3] =	ssyncset.done $0x0  }
0x1e3: {  	[sflag:s3] =	ssyncadd.s32 $0xFFFFBC00  }
0x1e4: {  	[bflag:$0x0] =	sbarrier.arrive $0xFFFF  }
0x1e5: {  	s30 =	rddreg [dreg:$0x6]  }
0x1e6: {  	[hbm:s30], [sflag:s5] =	dma.local [spmem:s6], $0x1100  }
0x1e7: {  	_ =	swait.ge [sflag:s3], $0x1100  }
0x1e8: {  	[sflag:s3] =	ssyncset.done $0x0  }
0x1e9: {  	[sflag:s3] =	ssyncadd.s32 $0xFFFFEF00  }
0x1ea: {  	_ =	sfence.sel $0x180000  }
0x1eb: {  	s31 =	stileid.u32;
	[bflag:$0x0] =	sbarrier.arrive $0xFFFF  }
0x1ec: {  	p0 =	sne.s32 s31, $0x0;
	_ =	strace $0x9000004A  }
0x1ed: {  	s0 =	sadd.s32 @!p0 $0x100000, s16;
	[bflag:$0x2] =	sbarrier.arrive $0xFFFF  }
0x1ee: {  	[sflag:s0] =	ssyncadd.tile.s32 @!p0 $0x1;
	_ =	shalt  }
.LBB2_1:
.Ltmp3:
0x1ef: {  	(pc) =	sbr.rel .LBB2_6-.Ltmp3, $4  }
0x1f0: {  	s17 =	simm.s32 $0x8E00;
	s28 =	simm.s32 $0x8B00  }
0x1f1: {  	s26 =	simm.s32 $0x8E40;
	s25 =	simm.s32 $0x8B40;
	s24 =	simm.s32 $0x8E80  }
0x1f2: {  	s23 =	simm.s32 $0x8EC0;
	s22 =	simm.s32 $0x8B80;
	s21 =	simm.s32 $0x8BC0  }
0x1f3: {  	s20 =	simm.s32 $0x8F00;
	s19 =	simm.s32 $0x8F40;
	s18 =	simm.s32 $0x8F80  }
.LBB2_3:
.Ltmp4:
0x1f4: {  	(pc) =	sbr.rel .LBB2_6-.Ltmp4, $4  }
0x1f5: {  	s17 =	simm.s32 $0x8E00;
	s28 =	simm.s32 $0x8B00;
	s26 =	simm.s32 $0x8E40  }
0x1f6: {  	s25 =	simm.s32 $0x8B40;
	s24 =	simm.s32 $0x8E80;
	s23 =	simm.s32 $0x8EC0  }
0x1f7: {  	s22 =	simm.s32 $0x8B80;
	s21 =	simm.s32 $0x8BC0;
	s20 =	simm.s32 $0x8F00  }
0x1f8: {  	s19 =	simm.s32 $0x8F40;
	s18 =	simm.s32 $0x8F80;
	s16 =	rddreg [dreg:$0x2]  }
.Lfunc_end2:
_tile_overlayer_lowered:
.L_overlay_start_2:
0x1f9: {  	(tag) =	ssettag $0x2  }
0x1fa: {  	s0 =	rddreg [dreg:$0x0];
	s2 =	stileid.u32  }
0x1fb: {  	s1 =	rddreg [dreg:$0x1];
	p0 =	sne.s32 s2, $0x0  }
0x1fc: {  	s3 =	rddreg [dreg:$0x2];
	[bflag:$0x3] =	sbarrier.arrive $0xFFFF;
	s2 =	simm.s32 @!p0 $0x1C05  }
0x1fd: {  	[timem:s3], [sflag:s2] =	dma.local @!p0 [hbm:s0], s1  }
0x1fe: {  	s0 =	simm.s32 @!p0 $0x5  }
0x1ff: {  	_ =	swait.ge @!p0 [sflag:s0], s1  }
0x200: {  	s1 =	ssub.s32 @!p0 $0x0, s1;
	[sflag:s0] =	ssyncset.done @!p0 $0x0  }
0x201: {  	[sflag:s0] =	ssyncadd.s32 @!p0 s1  }
0x202: {  	[bflag:$0x3] =	sbarrier.arrive $0xFFFF  }
0x203: {  	_ =	shalt  }

// kernel: kernel.8.cloned.1.call-start
scs
__scs_entry_jumppad:
0x0: {  	(pc) =	sbr.rel $0x88, $3  }
0x1: {  	(tag) =	ssettag $0x0;
	lr =	simm.s32 $0x1  }
0x2: {  	[smem:$0x3F79] =	sst lr;
	_ =	strace $0xD0000000  }
0x3: {  	_ = 	snop  }
0x4: {  	_ = 	snop  }
0x5: {  	_ = 	snop  }
0x6: {  	_ = 	snop  }
0x7: {  	_ = 	snop  }
__scs_overlays_trampoline_lowered:
0x8: {  	[smem:$0x3F88] =	sst s0  }
0x9: {  	[smem:$0x3F89] =	sst s1  }
0xa: {  	[smem:$0x3F8A] =	sst s2  }
0xb: {  	[smem:$0x3F8B] =	sst s3  }
0xc: {  	[smem:$0x3F8C] =	sst s4  }
0xd: {  	[smem:$0x3F8D] =	sst s5  }
0xe: {  	[smem:$0x3F8E] =	sst s6  }
0xf: {  	[smem:$0x3F8F] =	sst s7  }
0x10: {  	[smem:$0x3F90] =	sst s8  }
0x11: {  	[smem:$0x3F91] =	sst s9;
	s0 =	simm.s32 @!p0 $0x0  }
0x12: {  	s1 =	sld [smem:$0x3F77];
	s0 =	simm.s32 @p0 $0x1  }
0x13: {  	[smem:$0x3F92] =	sst s0;
	s0 =	simm.s32 @!p1 $0x0  }
0x14: {  	s2 =	sld [smem:$0x3F76];
	s0 =	simm.s32 @p1 $0x1  }
0x15: {  	[smem:$0x3F93] =	sst s0;
	s0 =	simm.s32 @!p2 $0x0  }
0x16: {  	s3 =	sld [smem:$0x3FDB];
	s0 =	simm.s32 @p2 $0x1  }
0x17: {  	s4 =	simm.s32 $0x1BF5;
	[smem:$0x3F95] =	sst s0  }
0x18: {  	s0 =	sld [smem:$0x3F78];
	_ =	swait.ge [sflag:s4], $0x0  }
0x19: {  	s7 =	sld [smem:$0x3F79]  }
0x1a: {  	s8 =	sadd.s32 $0xFFFFE003, lr  }
0x1b: {  	s9 =	sadd.s32 $0xFFFFFEF7, lr;
	s5 =	simm.s32 $0xFFFFFFFF;
	p2 =	slt.u32 s8, $0xFFFFF086  }
0x1c: {  	p1 =	slt.u32 s9, $0xF7A;
	s5 =	simm.s32 @!p2 $0x0  }
0x1d: {  	s5 =	simm.s32 @p1 $0x1;
	p0 =	seq.s32 s7, s2  }
0x1e: {  	s7 =	smul.u32 @!p0 $0xF7A, s2;
	p2 =	seq.s32 @!p0 s5, $0x0  }
0x1f: {  	s9 =	smul.u32 $0xF7A, s1;
	s8 =	simm.s32 @!p0 $0x1BF5;
	p2 =	por !p2, p0  }
0x20: {  	[sflag:s8] =	ssyncset.s32 @!p0 $0xFFFFF086;
	s6 =	sadd.s32 @!p0 s3, s7;
	s7 =	simm.s32 @!p0 $0x108  }
0x21: {  	s3 =	sadd.s32 s3, s9;
	s6 =	sadd.s32 @!p0 $0x88, s6;
	s7 =	simm.s32 @p2 $0x1082  }
0x22: {  	[simem:s7], [sflag:s8] =	dma.local @!p0 [hbm:s6], $0xF7A  }
0x23: {  	s9 =	sor.u32 $0xD0000000, s2;
	s6 =	simm.s32 $0x108;
	_ =	swait.ge @!p0 [sflag:s8], $0x0  }
0x24: {  	s3 =	sadd.s32 $0x88, s3;
	s6 =	simm.s32 @!p1 $0x1082;
	[sflag:s4] =	ssyncset.s32 $0xFFFFF086  }
0x25: {  	[simem:s6], [sflag:s4] =	dma.local [hbm:s3], $0xF7A  }
0x26: {  	[smem:$0x3F79] =	sst s1;
	(tag) =	ssettag s2;
	_ =	strace s9  }
0x27: {  	s1 =	sld [smem:$0x3F89]  }
0x28: {  	s2 =	sld [smem:$0x3F8A]  }
0x29: {  	s4 =	sld [smem:$0x3F8C]  }
0x2a: {  	p0 =	seq.s32 s5, $0x0;
	s5 =	sld [smem:$0x3F8D]  }
0x2b: {  	s6 =	sld [smem:$0x3F8E]  }
0x2c: {  	s7 =	sld [smem:$0x3F8F]  }
0x2d: {  	s3 =	simm.s32 $0x108;
	s8 =	sld [smem:$0x3F90]  }
0x2e: {  	s3 =	simm.s32 @!p0 $0x1082;
	s9 =	sld [smem:$0x3F91]  }
0x2f: {  	lr =	sadd.s32 s0, s3;
	s0 =	sld [smem:$0x3F88]  }
0x30: {  	s3 =	sld [smem:$0x3F8B]  }
0x31: {  	[smem:$0x3F94] =	sst s10  }
0x32: {  	s10 =	sld [smem:$0x3F92];
	_ =	sdelay $0x3  }
0x33: {  	p0 =	seq.s32 s10, $0x1;
	s10 =	sld [smem:$0x3F94];
	_ =	sdelay $0x3  }
0x34: {  	[smem:$0x3F94] =	sst s10  }
0x35: {  	s10 =	sld [smem:$0x3F93];
	_ =	sdelay $0x3  }
0x36: {  	p1 =	seq.s32 s10, $0x1;
	s10 =	sld [smem:$0x3F94];
	_ =	sdelay $0x3  }
0x37: {  	[smem:$0x3F94] =	sst s10  }
0x38: {  	s10 =	sld [smem:$0x3F95]  }
0x39: {  	_ = 	snop;
	(pc) =	sbr.ind lr, $3  }
0x3a: {  	_ = 	snop  }
0x3b: {  	_ = 	snop  }
0x3c: {  	p2 =	seq.s32 s10, $0x1;
	s10 =	sld [smem:$0x3F94]  }
0x3d: {  	_ =	shalt  }
0x3e: {  	_ =	shalt  }
0x3f: {  	_ =	shalt  }
0x40: {  	_ =	shalt  }
0x41: {  	_ =	shalt  }
0x42: {  	_ =	shalt  }
0x43: {  	_ =	shalt  }
0x44: {  	_ =	shalt  }
0x45: {  	_ =	shalt  }
0x46: {  	_ =	shalt  }
0x47: {  	_ =	shalt  }
0x48: {  	_ =	shalt  }
0x49: {  	_ =	shalt  }
0x4a: {  	_ =	shalt  }
0x4b: {  	_ =	shalt  }
0x4c: {  	_ =	shalt  }
0x4d: {  	_ =	shalt  }
0x4e: {  	_ =	shalt  }
0x4f: {  	_ =	shalt  }
0x50: {  	_ =	shalt  }
0x51: {  	_ =	shalt  }
0x52: {  	_ =	shalt  }
0x53: {  	_ =	shalt  }
0x54: {  	_ =	shalt  }
0x55: {  	_ =	shalt  }
0x56: {  	_ =	shalt  }
0x57: {  	_ =	shalt  }
0x58: {  	_ =	shalt  }
0x59: {  	_ =	shalt  }
0x5a: {  	_ =	shalt  }
0x5b: {  	_ =	shalt  }
0x5c: {  	_ =	shalt  }
0x5d: {  	_ =	shalt  }
0x5e: {  	_ =	shalt  }
0x5f: {  	_ =	shalt  }
0x60: {  	_ =	shalt  }
0x61: {  	_ =	shalt  }
0x62: {  	_ =	shalt  }
0x63: {  	_ =	shalt  }
0x64: {  	_ =	shalt  }
0x65: {  	_ =	shalt  }
0x66: {  	_ =	shalt  }
0x67: {  	_ =	shalt  }
0x68: {  	_ =	shalt  }
0x69: {  	_ =	shalt  }
0x6a: {  	_ =	shalt  }
0x6b: {  	_ =	shalt  }
0x6c: {  	_ =	shalt  }
0x6d: {  	_ =	shalt  }
0x6e: {  	_ =	shalt  }
0x6f: {  	_ =	shalt  }
0x70: {  	_ =	shalt  }
0x71: {  	_ =	shalt  }
0x72: {  	_ =	shalt  }
0x73: {  	_ =	shalt  }
0x74: {  	_ =	shalt  }
0x75: {  	_ =	shalt  }
0x76: {  	_ =	shalt  }
0x77: {  	_ =	shalt  }
0x78: {  	_ =	shalt  }
0x79: {  	_ =	shalt  }
0x7a: {  	_ =	shalt  }
0x7b: {  	_ =	shalt  }
0x7c: {  	_ =	shalt  }
0x7d: {  	_ =	shalt  }
0x7e: {  	_ =	shalt  }
0x7f: {  	_ =	shalt  }
0x80: {  	_ =	shalt  }
0x81: {  	_ =	shalt  }
0x82: {  	_ =	shalt  }
0x83: {  	_ =	shalt  }
0x84: {  	_ =	shalt  }
0x85: {  	_ =	shalt  }
0x86: {  	_ =	shalt  }
0x87: {  	_ =	shalt  }
.Lfunc_end0:
.L_simem_size_0:
called_computation_lowered:
.L_overlay_start_0:
0x88: {  	s2 =	sld [smem:$0x3FD9]  }
0x89: {  	s3 =	sld [smem:$0x3FFE];
	_ =	sdelay $0x1  }
0x8a: {  	s1 =	srdreg.scid  }
0x8b: {  	s0 =	sand.u32 $0x1, s1  }
0x8c: {  	s14 =	sshll.u32 s0, $0xA;
	s2 =	sadd.s32 s3, s2  }
0x8d: {  	s2 =	sadd.s32 s2, s14  }
0x8e: {  	[smem:$0x3FA0] =	sst s2  }
0x8f: {  	_ = 	snop  }
0x90: {  	s2 =	sld [smem:$0x3FD0];
	_ =	sdelay $0x2  }
0x91: {  	s15 =	simm.s32 $0xA;
	s4 =	simm.s32 $0x10  }
0x92: {  	[smem:s4], [sflag:s15] =	dma.local [hbm:s2], $0x1  }
0x93: {  	_ =	swait.eq [sflag:s15], $0x1  }
0x94: {  	[sflag:s15] =	ssyncset.done $0x0  }
0x95: {  	[sflag:s15] =	ssyncadd.s32 $0xFFFFFFFF  }
0x96: {  	s16 =	sld [smem:$0x10];
	(tm) =	ssettm $0x1  }
0x97: {  	s17 =	sld [smem:$0x3FFB];
	_ =	sdelay $0x3  }
0x98: {  	_ =	strace s17  }
0x99: {  	s3 =	sld [smem:$0x3FFC];
	_ =	sdelay $0x3  }
0x9a: {  	_ =	strace s3  }
0x9b: {  	s3 =	sld [smem:$0x3FFD];
	_ =	sdelay $0x3  }
0x9c: {  	_ =	strace s3  }
0x9d: {  	_ =	strace $0x8FFFFFFF  }
0x9e: {  	s18 =	sld [smem:$0x3FDB];
	_ =	sdelay $0x1  }
0x9f: {  	s19 =	simm.s32 $_scs_section_size  }
0xa0: {  	s5 =	simm.s32 $_size__tile_overlayer_lowered;
	s6 =	simm.s32 $_tile_overlayer_lowered  }
0xa1: {  	s22 =	simm.s32 $0x1BFF;
	s21 =	sshll.u32 s6, $0x1;
	s3 =	sadd.s32 s19, s18  }
0xa2: {  	s7 =	simm.s32 $0x0;
	s20 =	sshll.u32 s5, $0x1;
	s5 =	sadd.s32 s21, s3  }
0xa3: {  	[timem:s7], [sflag:s22] =	dma.local [hbm:s5], s20  }
0xa4: {  	_ =	swait.ge [sflag:s22], s20  }
0xa5: {  	s4 =	ssub.s32 $0x0, s20;
	[sflag:s22] =	ssyncset.done $0x0  }
0xa6: {  	[sflag:s22] =	ssyncadd.s32 s4;
	_ =	sdelay $0x1  }
0xa7: {  	s23 =	simm.s32 $0x1B8B  }
0xa8: {  	_ =	swait.ge [sflag:s23], $0x1  }
0xa9: {  	[sflag:s23] =	ssyncset.done $0x0  }
0xaa: {  	s25 =	simm.s32 $0x1B8E;
	s24 =	sld [smem:$0x3FFE];
	[sflag:s23] =	ssyncadd.s32 $0xFFFFFFFF  }
0xab: {  	s26 =	simm.s32 $execute0_lowered;
	[smem:$0x3FD2] =	sst s25  }
0xac: {  	s5 =	sshll.u32 s26, $0x1;
	_ =	strace $0x80000046;
	[dreg:$0x1] =	wrdreg $0xFFFFFFFF  }
0xad: {  	s28 =	simm.s32 $_size_execute0_lowered;
	s3 =	sadd.s32 s3, s5;
	[dreg:$0x0] =	wrdreg $0x0  }
0xae: {  	s5 =	sshll.u32 s28, $0x1;
	[dreg:$0x2] =	wrdreg s3  }
0xaf: {  	[dreg:$0x3] =	wrdreg s5  }
0xb0: {  	[dreg:$0x4] =	wrdreg $0xC0  }
0xb1: {  	_ =	task [dreg:s7], $0x5FFFF  }
0xb2: {  	[dreg:$0x1] =	wrdreg $0xFFFFFFFF  }
0xb3: {  	[dreg:$0x0] =	wrdreg $0x60  }
0xb4: {  	[dreg:$0x2] =	wrdreg s24  }
0xb5: {  	[dreg:$0x3] =	wrdreg s16  }
0xb6: {  	[dreg:$0x4] =	wrdreg $0x0  }
0xb7: {  	[dreg:$0x5] =	wrdreg $0x9  }
0xb8: {  	_ =	task.clear_ibuf [dreg:s7], $0x6FFFF;
	_ =	strace $0x90000046  }
0xb9: {  	s29 =	simm.s32 $0x9;
	_ =	strace $0x80000048  }
0xba: {  	_ =	swait.ge [sflag:s29], $0x1  }
0xbb: {  	[sflag:s29] =	ssyncadd.s32 $0xFFFFFFFF  }
0xbc: {  	_ =	strace $0x90000048  }
0xbd: {  	_ =	sfence  }
0xbe: {  	s30 =	sld [smem:$0x0];
	_ =	sdelay $0x2  }
0xbf: {  	s31 =	sshll.u32 s1, $0xD;
	s1 =	sshrl.u32 s1, $0x2  }
0xc0: {  	s3 =	sand.u32 $0x4000, s31;
	s1 =	sadd.s32 s1, s30  }
0xc1: {  	s0 =	sor.u32 s3, s0;
	s1 =	sshll.u32 s1, $0x11  }
0xc2: {  	s0 =	sor.u32 s1, s0  }
0xc3: {  	s0 =	sadd.s32 $0x8F2B, s0  }
0xc4: {  	[sflag:s0] =	ssyncadd.remote.s32 $0x1  }
0xc5: {  	_ =	sfence.sel $0xFFFF  }
0xc6: {  	[dreg:$0x0] =	wrdreg $0xFFFFFFFF;
	(pc) =	sbr.abs _section_cstart, $3  }
0xc7: {  	[dreg:$0x1] =	wrdreg $0xFFFFFFFF  }
0xc8: {  	_ =	task.clear_ibuf [dreg:s7], $0x2FFFF;
	_ =	strace $0x9FFFFFFF  }
0xc9: {  	(tm) =	ssettm $0x7FFFFFFF  }
tec
execute0_lowered:
.L_overlay_start_1:
0x0: {  	(tag) =	ssettag $0x1  }
0x1: {  	s0 =	rddreg [dreg:$0x0]  }
0x2: {  	s1 =	rddreg [dreg:$0x1]  }
0x3: {  	s2 =	rddreg [dreg:$0x2]  }
0x4: {  	s15 =	rddreg [dreg:$0x3];
	s18 =	simm.s32 $0x0;
	s3 =	srdreg.scid  }
0x5: {  	s10 =	stileid.u32;
	s26 =	simm.s32 $0x4800;
	s22 =	simm.s32 $0x4C00  }
0x6: {  	s24 =	simm.s32 $0x4880;
	s12 =	simm.s32 $0x5000;
	s25 =	simm.s32 $0x4900  }
0x7: {  	s31 =	simm.s32 $0x4A00;
	s14 =	simm.s32 $0x2;
	s30 =	simm.s32 $0x4C80  }
0x8: {  	s29 =	simm.s32 $0x4A80;
	s13 =	simm.s32 $0x3;
	s28 =	simm.s32 $0x4D00  }
0x9: {  	s11 =	simm.s32 $0x4;
	p0 =	por $0x0, $0x0;
	[smem:$0x7FF] =	sst s18  }
0xa: {  	s3 =	sand.u32 $0x1, s3;
	s4 =	smul.u32 $0x9000, s10;
	s6 =	sadd.s32 $0x5000, s0  }
0xb: {  	s7 =	sshll.u32 s10, $0x8;
	s16 =	sadd.s32 $0xF000, s0;
	s23 =	sshll.u32 s10, $0x6  }
0xc: {  	s10 =	simm.s32 $0x9800;
	_ =	strace $0x80000047;
	[dreg:$0x4] =	wrdreg s16  }
0xd: {  	s5 =	smul.u32 $0x90000, s3;
	s8 =	sshll.u32 s3, $0x7;
	[dreg:$0x8] =	wrdreg s24  }
0xe: {  	s3 =	ssub.s32 $0x2, s3;
	[dreg:$0x9] =	wrdreg s25;
	s16 =	simm.s32 $0x1  }
0xf: {  	s24 =	simm.s32 $0x4B00;
	s25 =	simm.s32 $0x4D80;
	s7 =	sor.u32 s8, s7  }
0x10: {  	s19 =	sshrl.u32 s3, $0x1;
	s20 =	sshrl.u32 s4, $0x1;
	s8 =	simm.s32 $0x12800  }
0x11: {  	s5 =	sadd.s32 s4, s5;
	s9 =	sadd.s32 s7, s0;
	s1 =	sadd.s32 s1, s7  }
0x12: {  	s3 =	ssub.s32 s3, s19;
	s4 =	sor.u32 $0x1C05, s23;
	s7 =	simm.s32 $0x80  }
0x13: {  	s23 =	simm.s32 $0x4B80;
	s19 =	simm.s32 $0x4F00;
	s21 =	smax.u32 s3, $0x1  }
0x14: {  	s5 =	sshrl.u32 s5, $0x4;
	s17 =	sadd.s32 $0xE000, s9;
	p1 =	sne.s32 s21, $0x1  }
.Ltmp0:
0x15: {  	[dreg:$0x6] =	wrdreg s1;
	s1 =	sadd.s32 s20, s2;
	(pc) =	sbr.rel @!p1 .LBB2_1-.Ltmp0, $4  }
0x16: {  	s3 =	simm.s32 $0x5;
	s9 =	simm.s32 $0xE000;
	s20 =	simm.s32 $0x4E80  }
0x17: {  	s0 =	sadd.s32 s5, s0;
	[dreg:$0x5] =	wrdreg s17;
	s5 =	sshrl.u32 s1, $0x3  }
0x18: {  	s17 =	simm.s32 $0x4F80;
	s0 =	sadd.s32 $0xFA00, s0;
	s1 =	rddreg [dreg:$0x5]  }
0x19: {  	[dreg:$0x7] =	wrdreg s0;
	s0 =	sadd.s32 $0xFFFFFFFF, s21;
	s21 =	simm.s32 $0x4E00  }
0x1a: {  	[tilespmem:s26], [sflag:$0x5] =	stream.linear.gather [hbm4b:s1+s18], $0x400, $0x38;
	[tilespmem:$0x17000] =	vst v63  }
0x1b: {  	_ =	swait.ge [sflag:s3], $0x400  }
0x1c: {  	[sflag:s3] =	ssyncset.done $0x0  }
0x1d: {  	s15 =	rddreg [dreg:$0x6];
	[sflag:s3] =	ssyncadd.s32 $0xFFFFFC00  }
0x1e: {  	[tilespmem:s22], [sflag:$0x5] =	stream.linear.gather [hbm4b:s15+s18], $0x400, $0x38;
	[tilespmem:$0x17000] =	vst v63  }
0x1f: {  	_ =	swait.ge [sflag:s3], $0x400  }
0x20: {  	[sflag:s3] =	ssyncset.done $0x0  }
0x21: {  	s15 =	rddreg [dreg:$0x4];
	[sflag:s3] =	ssyncadd.s32 $0xFFFFFC00  }
0x22: {  	[spmem:s5], [sflag:s4] =	dma.local [hbm:s15], $0x900  }
0x23: {  	_ =	swait.ge [sflag:s3], $0x900  }
0x24: {  	[sflag:s3] =	ssyncset.done $0x0  }
0x25: {  	[sflag:s3] =	ssyncadd.s32 $0xFFFFF700  }
0x26: {  	[bflag:$0x0] =	sbarrier.arrive $0xFFFF  }
0x27: {  	[tilespmem:s12], [sflag:$0x1] =	stream.indirect.gather [hbm4b:s6+s7], $0x90, s26, s7, $0xb8;
	[tilespmem:$0x17000] =	vst v63  }
0x28: {  	s1 =	rddreg [dreg:$0x8]  }
0x29: {  	[tilespmem:s10], [sflag:$0x2] =	stream.indirect.gather [hbm4b:s6+s7], $0x90, s1, s7, $0xb8;
	[tilespmem:$0x17000] =	vst v63  }
0x2a: {  	s15 =	smov.u32 s0;
	s0 =	rddreg [dreg:$0x9]  }
0x2b: {  	[tilespmem:s9], [sflag:$0x3] =	stream.indirect.gather [hbm4b:s6+s7], $0x90, s0, s7, $0xb8;
	[tilespmem:$0x17000] =	vst v63  }
0x2c: {  	s1 =	simm.s32 $0x4980  }
0x2d: {  	[tilespmem:s8], [sflag:$0x4] =	stream.indirect.gather [hbm4b:s6+s7], $0x90, s1, s7, $0xb8;
	[tilespmem:$0x17000] =	vst v63  }
0x2e: {  	_ =	swait.ge [sflag:s16], $0x4800  }
0x2f: {  	[sflag:s16] =	ssyncset.done $0x0  }
0x30: {  	[sflag:s16] =	ssyncadd.s32 $0xFFFFB800  }
0x31: {  	[spmem:s2] =	stream.indirect.scatter.add.bf16 [tilespmem:s12], [sflag:$0x5], $0x90, s22, s7, $0xb8;
	[tilespmem:$0x17000] =	vst v63  }
0x32: {  	_ =	swait.ge [sflag:s3], $0x4800  }
0x33: {  	[sflag:s3] =	ssyncset.done $0x0  }
0x34: {  	[sflag:s3] =	ssyncadd.s32 $0xFFFFB800  }
0x35: {  	[tilespmem:s12], [sflag:$0x1] =	stream.indirect.gather [hbm4b:s6+s7], $0x90, s31, s7, $0xb8;
	[tilespmem:$0x17000] =	vst v63  }
0x36: {  	_ =	swait.ge [sflag:s14], $0x4800  }
0x37: {  	[sflag:s14] =	ssyncset.done $0x0  }
0x38: {  	[sflag:s14] =	ssyncadd.s32 $0xFFFFB800  }
0x39: {  	[spmem:s2] =	stream.indirect.scatter.add.bf16 [tilespmem:s10], [sflag:$0x5], $0x90, s30, s7, $0xb8;
	[tilespmem:$0x17000] =	vst v63  }
0x3a: {  	_ =	swait.ge [sflag:s3], $0x4800  }
0x3b: {  	[sflag:s3] =	ssyncset.done $0x0  }
0x3c: {  	[sflag:s3] =	ssyncadd.s32 $0xFFFFB800  }
0x3d: {  	[tilespmem:s10], [sflag:$0x2] =	stream.indirect.gather [hbm4b:s6+s7], $0x90, s29, s7, $0xb8;
	[tilespmem:$0x17000] =	vst v63  }
0x3e: {  	_ =	swait.ge [sflag:s13], $0x4800  }
0x3f: {  	[sflag:s13] =	ssyncset.done $0x0  }
0x40: {  	[sflag:s13] =	ssyncadd.s32 $0xFFFFB800  }
0x41: {  	[spmem:s2] =	stream.indirect.scatter.add.bf16 [tilespmem:s9], [sflag:$0x5], $0x90, s28, s7, $0xb8;
	[tilespmem:$0x17000] =	vst v63  }
0x42: {  	_ =	swait.ge [sflag:s3], $0x4800  }
0x43: {  	[sflag:s3] =	ssyncset.done $0x0  }
0x44: {  	[sflag:s3] =	ssyncadd.s32 $0xFFFFB800  }
0x45: {  	[tilespmem:s9], [sflag:$0x3] =	stream.indirect.gather [hbm4b:s6+s7], $0x90, s24, s7, $0xb8;
	[tilespmem:$0x17000] =	vst v63  }
0x46: {  	_ =	swait.ge [sflag:s11], $0x4800  }
0x47: {  	[sflag:s11] =	ssyncset.done $0x0  }
0x48: {  	[sflag:s11] =	ssyncadd.s32 $0xFFFFB800  }
0x49: {  	[spmem:s2] =	stream.indirect.scatter.add.bf16 [tilespmem:s8], [sflag:$0x5], $0x90, s25, s7, $0xb8;
	[tilespmem:$0x17000] =	vst v63  }
0x4a: {  	_ =	swait.ge [sflag:s3], $0x4800  }
0x4b: {  	[sflag:s3] =	ssyncset.done $0x0  }
0x4c: {  	[sflag:s3] =	ssyncadd.s32 $0xFFFFB800  }
0x4d: {  	[tilespmem:s8], [sflag:$0x4] =	stream.indirect.gather [hbm4b:s6+s7], $0x90, s23, s7, $0xb8;
	[tilespmem:$0x17000] =	vst v63  }
0x4e: {  	_ =	swait.ge [sflag:s16], $0x4800  }
0x4f: {  	[sflag:s16] =	ssyncset.done $0x0  }
0x50: {  	[sflag:s16] =	ssyncadd.s32 $0xFFFFB800  }
0x51: {  	[spmem:s2] =	stream.indirect.scatter.add.bf16 [tilespmem:s12], [sflag:$0x5], $0x90, s21, s7, $0xb8;
	[tilespmem:$0x17000] =	vst v63  }
0x52: {  	_ =	swait.ge [sflag:s3], $0x4800  }
0x53: {  	[sflag:s3] =	ssyncset.done $0x0  }
0x54: {  	[sflag:s3] =	ssyncadd.s32 $0xFFFFB800  }
0x55: {  	_ =	swait.ge [sflag:s14], $0x4800  }
0x56: {  	[sflag:s14] =	ssyncset.done $0x0  }
0x57: {  	[sflag:s14] =	ssyncadd.s32 $0xFFFFB800  }
0x58: {  	[spmem:s2] =	stream.indirect.scatter.add.bf16 [tilespmem:s10], [sflag:$0x5], $0x90, s20, s7, $0xb8;
	[tilespmem:$0x17000] =	vst v63  }
0x59: {  	_ =	swait.ge [sflag:s3], $0x4800  }
0x5a: {  	[sflag:s3] =	ssyncset.done $0x0  }
0x5b: {  	[sflag:s3] =	ssyncadd.s32 $0xFFFFB800  }
0x5c: {  	_ =	swait.ge [sflag:s13], $0x4800  }
0x5d: {  	[sflag:s13] =	ssyncset.done $0x0  }
0x5e: {  	[sflag:s13] =	ssyncadd.s32 $0xFFFFB800  }
0x5f: {  	[spmem:s2] =	stream.indirect.scatter.add.bf16 [tilespmem:s9], [sflag:$0x5], $0x90, s19, s7, $0xb8;
	[tilespmem:$0x17000] =	vst v63  }
0x60: {  	_ =	swait.ge [sflag:s3], $0x4800  }
0x61: {  	[sflag:s3] =	ssyncset.done $0x0  }
0x62: {  	[sflag:s3] =	ssyncadd.s32 $0xFFFFB800  }
0x63: {  	_ =	swait.ge [sflag:s11], $0x4800  }
0x64: {  	[sflag:s11] =	ssyncset.done $0x0  }
0x65: {  	[sflag:s11] =	ssyncadd.s32 $0xFFFFB800  }
0x66: {  	[spmem:s2] =	stream.indirect.scatter.add.bf16 [tilespmem:s8], [sflag:$0x5], $0x90, s17, s7, $0xb8;
	[tilespmem:$0x17000] =	vst v63  }
0x67: {  	_ =	swait.ge [sflag:s3], $0x4800  }
0x68: {  	[sflag:s3] =	ssyncset.done $0x0  }
0x69: {  	p1 =	sne.s32 s15, $0x1;
	[sflag:s3] =	ssyncadd.s32 $0xFFFFB800  }
.Ltmp1:
0x6a: {  	[bflag:$0x0] =	sbarrier.arrive $0xFFFF;
	(pc) =	sbr.rel @!p1 .LBB2_3-.Ltmp1, $4  }
0x6b: {  	s1 =	rddreg [dreg:$0x7]  }
0x6c: {  	[hbm:s1], [sflag:s4] =	dma.local [spmem:s5], $0x900  }
0x6d: {  	p0 =	por $0x1, $0x1;
	_ =	swait.ge [sflag:s3], $0x900  }
0x6e: {  	s0 =	sadd.s32 $0xFFFFFFFF, s15;
	s1 =	rddreg [dreg:$0x5];
	[sflag:s3] =	ssyncset.done $0x0  }
.LBB2_4:
0x6f: {  	[sflag:s3] =	ssyncadd.s32 $0xFFFFF700  }
0x70: {  	[tilespmem:s26], [sflag:$0x5] =	stream.linear.gather [hbm4b:s1+s18], $0x400, $0x38;
	[tilespmem:$0x17000] =	vst v63  }
0x71: {  	_ =	swait.ge [sflag:s3], $0x400  }
0x72: {  	[sflag:s3] =	ssyncset.done $0x0  }
0x73: {  	s15 =	rddreg [dreg:$0x6];
	[sflag:s3] =	ssyncadd.s32 $0xFFFFFC00  }
0x74: {  	[tilespmem:s22], [sflag:$0x5] =	stream.linear.gather [hbm4b:s15+s18], $0x400, $0x38;
	[tilespmem:$0x17000] =	vst v63  }
0x75: {  	_ =	swait.ge [sflag:s3], $0x400  }
0x76: {  	[sflag:s3] =	ssyncset.done $0x0  }
0x77: {  	s15 =	rddreg [dreg:$0x4];
	[sflag:s3] =	ssyncadd.s32 $0xFFFFFC00  }
0x78: {  	[spmem:s5], [sflag:s4] =	dma.local [hbm:s15], $0x900  }
0x79: {  	_ =	swait.ge [sflag:s3], $0x900  }
0x7a: {  	[sflag:s3] =	ssyncset.done $0x0  }
0x7b: {  	[sflag:s3] =	ssyncadd.s32 $0xFFFFF700  }
0x7c: {  	[bflag:$0x0] =	sbarrier.arrive $0xFFFF  }
0x7d: {  	[tilespmem:s12], [sflag:$0x1] =	stream.indirect.gather [hbm4b:s6+s7], $0x90, s26, s7, $0xb8;
	[tilespmem:$0x17000] =	vst v63  }
0x7e: {  	s1 =	rddreg [dreg:$0x8]  }
0x7f: {  	[tilespmem:s10], [sflag:$0x2] =	stream.indirect.gather [hbm4b:s6+s7], $0x90, s1, s7, $0xb8;
	[tilespmem:$0x17000] =	vst v63  }
0x80: {  	s15 =	rddreg [dreg:$0x9]  }
0x81: {  	[tilespmem:s9], [sflag:$0x3] =	stream.indirect.gather [hbm4b:s6+s7], $0x90, s15, s7, $0xb8;
	[tilespmem:$0x17000] =	vst v63  }
0x82: {  	s15 =	simm.s32 $0x4980  }
0x83: {  	[tilespmem:s8], [sflag:$0x4] =	stream.indirect.gather [hbm4b:s6+s7], $0x90, s15, s7, $0xb8;
	[tilespmem:$0x17000] =	vst v63  }
0x84: {  	_ =	swait.ge [sflag:s16], $0x4800  }
0x85: {  	[sflag:s16] =	ssyncset.done $0x0  }
0x86: {  	[sflag:s16] =	ssyncadd.s32 $0xFFFFB800  }
0x87: {  	[spmem:s2] =	stream.indirect.scatter.add.bf16 [tilespmem:s12], [sflag:$0x5], $0x90, s22, s7, $0xb8;
	[tilespmem:$0x17000] =	vst v63  }
0x88: {  	_ =	swait.ge [sflag:s3], $0x4800  }
0x89: {  	[sflag:s3] =	ssyncset.done $0x0  }
0x8a: {  	[sflag:s3] =	ssyncadd.s32 $0xFFFFB800  }
0x8b: {  	[tilespmem:s12], [sflag:$0x1] =	stream.indirect.gather [hbm4b:s6+s7], $0x90, s31, s7, $0xb8;
	[tilespmem:$0x17000] =	vst v63  }
0x8c: {  	_ =	swait.ge [sflag:s14], $0x4800  }
0x8d: {  	[sflag:s14] =	ssyncset.done $0x0  }
0x8e: {  	[sflag:s14] =	ssyncadd.s32 $0xFFFFB800  }
0x8f: {  	[spmem:s2] =	stream.indirect.scatter.add.bf16 [tilespmem:s10], [sflag:$0x5], $0x90, s30, s7, $0xb8;
	[tilespmem:$0x17000] =	vst v63  }
0x90: {  	_ =	swait.ge [sflag:s3], $0x4800  }
0x91: {  	[sflag:s3] =	ssyncset.done $0x0  }
0x92: {  	[sflag:s3] =	ssyncadd.s32 $0xFFFFB800  }
0x93: {  	[tilespmem:s10], [sflag:$0x2] =	stream.indirect.gather [hbm4b:s6+s7], $0x90, s29, s7, $0xb8;
	[tilespmem:$0x17000] =	vst v63  }
0x94: {  	_ =	swait.ge [sflag:s13], $0x4800  }
0x95: {  	[sflag:s13] =	ssyncset.done $0x0  }
0x96: {  	[sflag:s13] =	ssyncadd.s32 $0xFFFFB800  }
0x97: {  	[spmem:s2] =	stream.indirect.scatter.add.bf16 [tilespmem:s9], [sflag:$0x5], $0x90, s28, s7, $0xb8;
	[tilespmem:$0x17000] =	vst v63  }
0x98: {  	_ =	swait.ge [sflag:s3], $0x4800  }
0x99: {  	[sflag:s3] =	ssyncset.done $0x0  }
0x9a: {  	[sflag:s3] =	ssyncadd.s32 $0xFFFFB800  }
0x9b: {  	[tilespmem:s9], [sflag:$0x3] =	stream.indirect.gather [hbm4b:s6+s7], $0x90, s24, s7, $0xb8;
	[tilespmem:$0x17000] =	vst v63  }
0x9c: {  	_ =	swait.ge [sflag:s11], $0x4800  }
0x9d: {  	[sflag:s11] =	ssyncset.done $0x0  }
0x9e: {  	[sflag:s11] =	ssyncadd.s32 $0xFFFFB800  }
0x9f: {  	[spmem:s2] =	stream.indirect.scatter.add.bf16 [tilespmem:s8], [sflag:$0x5], $0x90, s25, s7, $0xb8;
	[tilespmem:$0x17000] =	vst v63  }
0xa0: {  	_ =	swait.ge [sflag:s3], $0x4800  }
0xa1: {  	[sflag:s3] =	ssyncset.done $0x0  }
0xa2: {  	[sflag:s3] =	ssyncadd.s32 $0xFFFFB800  }
0xa3: {  	[tilespmem:s8], [sflag:$0x4] =	stream.indirect.gather [hbm4b:s6+s7], $0x90, s23, s7, $0xb8;
	[tilespmem:$0x17000] =	vst v63  }
0xa4: {  	_ =	swait.ge [sflag:s16], $0x4800  }
0xa5: {  	[sflag:s16] =	ssyncset.done $0x0  }
0xa6: {  	[sflag:s16] =	ssyncadd.s32 $0xFFFFB800  }
0xa7: {  	[spmem:s2] =	stream.indirect.scatter.add.bf16 [tilespmem:s12], [sflag:$0x5], $0x90, s21, s7, $0xb8;
	[tilespmem:$0x17000] =	vst v63  }
0xa8: {  	_ =	swait.ge [sflag:s3], $0x4800  }
0xa9: {  	[sflag:s3] =	ssyncset.done $0x0  }
0xaa: {  	[sflag:s3] =	ssyncadd.s32 $0xFFFFB800  }
0xab: {  	_ =	swait.ge [sflag:s14], $0x4800  }
0xac: {  	[sflag:s14] =	ssyncset.done $0x0  }
0xad: {  	[sflag:s14] =	ssyncadd.s32 $0xFFFFB800  }
0xae: {  	[spmem:s2] =	stream.indirect.scatter.add.bf16 [tilespmem:s10], [sflag:$0x5], $0x90, s20, s7, $0xb8;
	[tilespmem:$0x17000] =	vst v63  }
0xaf: {  	_ =	swait.ge [sflag:s3], $0x4800  }
0xb0: {  	[sflag:s3] =	ssyncset.done $0x0  }
0xb1: {  	[sflag:s3] =	ssyncadd.s32 $0xFFFFB800  }
0xb2: {  	_ =	swait.ge [sflag:s13], $0x4800  }
0xb3: {  	[sflag:s13] =	ssyncset.done $0x0  }
0xb4: {  	[sflag:s13] =	ssyncadd.s32 $0xFFFFB800  }
0xb5: {  	[spmem:s2] =	stream.indirect.scatter.add.bf16 [tilespmem:s9], [sflag:$0x5], $0x90, s19, s7, $0xb8;
	[tilespmem:$0x17000] =	vst v63  }
0xb6: {  	_ =	swait.ge [sflag:s3], $0x4800  }
0xb7: {  	[sflag:s3] =	ssyncset.done $0x0  }
0xb8: {  	[sflag:s3] =	ssyncadd.s32 $0xFFFFB800  }
0xb9: {  	_ =	swait.ge [sflag:s11], $0x4800  }
0xba: {  	[sflag:s11] =	ssyncset.done $0x0  }
0xbb: {  	[sflag:s11] =	ssyncadd.s32 $0xFFFFB800  }
0xbc: {  	[spmem:s2] =	stream.indirect.scatter.add.bf16 [tilespmem:s8], [sflag:$0x5], $0x90, s17, s7, $0xb8;
	[tilespmem:$0x17000] =	vst v63  }
0xbd: {  	_ =	swait.ge [sflag:s3], $0x4800  }
0xbe: {  	[sflag:s3] =	ssyncset.done $0x0  }
0xbf: {  	p1 =	sne.s32 s0, $0x1;
	[sflag:s3] =	ssyncadd.s32 $0xFFFFB800  }
.Ltmp2:
0xc0: {  	[bflag:$0x0] =	sbarrier.arrive $0xFFFF;
	(pc) =	sbr.rel @p1 .LBB2_4-.Ltmp2, $4  }
0xc1: {  	s15 =	rddreg [dreg:$0x7]  }
0xc2: {  	[hbm:s15], [sflag:s4] =	dma.local [spmem:s5], $0x900  }
0xc3: {  	_ =	swait.ge [sflag:s3], $0x900  }
0xc4: {  	s0 =	sadd.s32 $0xFFFFFFFF, s0;
	s1 =	rddreg [dreg:$0x5];
	[sflag:s3] =	ssyncset.done $0x0  }
0xc5: {  	s17 =	simm.s32 $0x4980;
	s31 =	simm.s32 $0x4A00;
	s30 =	simm.s32 $0x4C80  }
0xc6: {  	s29 =	simm.s32 $0x4A80;
	s28 =	simm.s32 $0x4D00;
	s25 =	simm.s32 $0x4D80  }
0xc7: {  	s24 =	simm.s32 $0x4B00;
	s23 =	simm.s32 $0x4B80;
	s21 =	simm.s32 $0x4E00  }
0xc8: {  	s20 =	simm.s32 $0x4E80;
	s19 =	simm.s32 $0x4F00;
	s15 =	rddreg [dreg:$0x3]  }
.LBB2_6:
0xc9: {  	[sflag:s3] =	ssyncadd.s32 @p0 $0xFFFFF700  }
0xca: {  	[tilespmem:s26], [sflag:$0x5] =	stream.linear.gather [hbm4b:s1+s18], $0x400, $0x38;
	[tilespmem:$0x17000] =	vst v63  }
0xcb: {  	_ =	swait.ge [sflag:s3], $0x400  }
0xcc: {  	[sflag:s3] =	ssyncset.done $0x0  }
0xcd: {  	s0 =	rddreg [dreg:$0x6];
	[sflag:s3] =	ssyncadd.s32 $0xFFFFFC00  }
0xce: {  	[tilespmem:s22], [sflag:$0x5] =	stream.linear.gather [hbm4b:s0+s18], $0x400, $0x38;
	[tilespmem:$0x17000] =	vst v63  }
0xcf: {  	_ =	swait.ge [sflag:s3], $0x400  }
0xd0: {  	[sflag:s3] =	ssyncset.done $0x0  }
0xd1: {  	s1 =	rddreg [dreg:$0x4];
	[sflag:s3] =	ssyncadd.s32 $0xFFFFFC00  }
0xd2: {  	[spmem:s5], [sflag:s4] =	dma.local [hbm:s1], $0x900  }
0xd3: {  	_ =	swait.ge [sflag:s3], $0x900  }
0xd4: {  	[sflag:s3] =	ssyncset.done $0x0  }
0xd5: {  	[sflag:s3] =	ssyncadd.s32 $0xFFFFF700  }
0xd6: {  	[bflag:$0x0] =	sbarrier.arrive $0xFFFF  }
0xd7: {  	[tilespmem:s12], [sflag:$0x1] =	stream.indirect.gather [hbm4b:s6+s7], $0x90, s26, s7, $0xb8;
	[tilespmem:$0x17000] =	vst v63  }
0xd8: {  	s18 =	rddreg [dreg:$0x8]  }
0xd9: {  	[tilespmem:s10], [sflag:$0x2] =	stream.indirect.gather [hbm4b:s6+s7], $0x90, s18, s7, $0xb8;
	[tilespmem:$0x17000] =	vst v63  }
0xda: {  	s26 =	rddreg [dreg:$0x9]  }
0xdb: {  	[tilespmem:s9], [sflag:$0x3] =	stream.indirect.gather [hbm4b:s6+s7], $0x90, s26, s7, $0xb8;
	[tilespmem:$0x17000] =	vst v63  }
0xdc: {  	_ = 	snop  }
0xdd: {  	[tilespmem:s8], [sflag:$0x4] =	stream.indirect.gather [hbm4b:s6+s7], $0x90, s17, s7, $0xb8;
	[tilespmem:$0x17000] =	vst v63  }
0xde: {  	_ =	swait.ge [sflag:s16], $0x4800  }
0xdf: {  	[sflag:s16] =	ssyncset.done $0x0  }
0xe0: {  	[sflag:s16] =	ssyncadd.s32 $0xFFFFB800  }
0xe1: {  	[spmem:s2] =	stream.indirect.scatter.add.bf16 [tilespmem:s12], [sflag:$0x5], $0x90, s22, s7, $0xb8;
	[tilespmem:$0x17000] =	vst v63  }
0xe2: {  	_ =	swait.ge [sflag:s3], $0x4800  }
0xe3: {  	[sflag:s3] =	ssyncset.done $0x0  }
0xe4: {  	[sflag:s3] =	ssyncadd.s32 $0xFFFFB800  }
0xe5: {  	[tilespmem:s12], [sflag:$0x1] =	stream.indirect.gather [hbm4b:s6+s7], $0x90, s31, s7, $0xb8;
	[tilespmem:$0x17000] =	vst v63  }
0xe6: {  	_ =	swait.ge [sflag:s14], $0x4800  }
0xe7: {  	[sflag:s14] =	ssyncset.done $0x0  }
0xe8: {  	[sflag:s14] =	ssyncadd.s32 $0xFFFFB800  }
0xe9: {  	[spmem:s2] =	stream.indirect.scatter.add.bf16 [tilespmem:s10], [sflag:$0x5], $0x90, s30, s7, $0xb8;
	[tilespmem:$0x17000] =	vst v63  }
0xea: {  	_ =	swait.ge [sflag:s3], $0x4800  }
0xeb: {  	[sflag:s3] =	ssyncset.done $0x0  }
0xec: {  	[sflag:s3] =	ssyncadd.s32 $0xFFFFB800  }
0xed: {  	[tilespmem:s10], [sflag:$0x2] =	stream.indirect.gather [hbm4b:s6+s7], $0x90, s29, s7, $0xb8;
	[tilespmem:$0x17000] =	vst v63  }
0xee: {  	_ =	swait.ge [sflag:s13], $0x4800  }
0xef: {  	[sflag:s13] =	ssyncset.done $0x0  }
0xf0: {  	[sflag:s13] =	ssyncadd.s32 $0xFFFFB800  }
0xf1: {  	[spmem:s2] =	stream.indirect.scatter.add.bf16 [tilespmem:s9], [sflag:$0x5], $0x90, s28, s7, $0xb8;
	[tilespmem:$0x17000] =	vst v63  }
0xf2: {  	_ =	swait.ge [sflag:s3], $0x4800  }
0xf3: {  	[sflag:s3] =	ssyncset.done $0x0  }
0xf4: {  	[sflag:s3] =	ssyncadd.s32 $0xFFFFB800  }
0xf5: {  	[tilespmem:s9], [sflag:$0x3] =	stream.indirect.gather [hbm4b:s6+s7], $0x90, s24, s7, $0xb8;
	[tilespmem:$0x17000] =	vst v63  }
0xf6: {  	_ =	swait.ge [sflag:s11], $0x4800  }
0xf7: {  	[sflag:s11] =	ssyncset.done $0x0  }
0xf8: {  	[sflag:s11] =	ssyncadd.s32 $0xFFFFB800  }
0xf9: {  	[spmem:s2] =	stream.indirect.scatter.add.bf16 [tilespmem:s8], [sflag:$0x5], $0x90, s25, s7, $0xb8;
	[tilespmem:$0x17000] =	vst v63  }
0xfa: {  	_ =	swait.ge [sflag:s3], $0x4800  }
0xfb: {  	[sflag:s3] =	ssyncset.done $0x0  }
0xfc: {  	[sflag:s3] =	ssyncadd.s32 $0xFFFFB800  }
0xfd: {  	[tilespmem:s8], [sflag:$0x4] =	stream.indirect.gather [hbm4b:s6+s7], $0x90, s23, s7, $0xb8;
	[tilespmem:$0x17000] =	vst v63  }
0xfe: {  	_ =	swait.ge [sflag:s16], $0x4800  }
0xff: {  	[sflag:s16] =	ssyncset.done $0x0  }
0x100: {  	[sflag:s16] =	ssyncadd.s32 $0xFFFFB800  }
0x101: {  	[spmem:s2] =	stream.indirect.scatter.add.bf16 [tilespmem:s12], [sflag:$0x5], $0x90, s21, s7, $0xb8;
	[tilespmem:$0x17000] =	vst v63  }
0x102: {  	_ =	swait.ge [sflag:s3], $0x4800  }
0x103: {  	[sflag:s3] =	ssyncset.done $0x0  }
0x104: {  	[sflag:s3] =	ssyncadd.s32 $0xFFFFB800  }
0x105: {  	_ =	swait.ge [sflag:s14], $0x4800  }
0x106: {  	[sflag:s14] =	ssyncset.done $0x0  }
0x107: {  	[sflag:s14] =	ssyncadd.s32 $0xFFFFB800  }
0x108: {  	[spmem:s2] =	stream.indirect.scatter.add.bf16 [tilespmem:s10], [sflag:$0x5], $0x90, s20, s7, $0xb8;
	[tilespmem:$0x17000] =	vst v63  }
0x109: {  	_ =	swait.ge [sflag:s3], $0x4800  }
0x10a: {  	[sflag:s3] =	ssyncset.done $0x0  }
0x10b: {  	[sflag:s3] =	ssyncadd.s32 $0xFFFFB800  }
0x10c: {  	_ =	swait.ge [sflag:s13], $0x4800  }
0x10d: {  	[sflag:s13] =	ssyncset.done $0x0  }
0x10e: {  	[sflag:s13] =	ssyncadd.s32 $0xFFFFB800  }
0x10f: {  	[spmem:s2] =	stream.indirect.scatter.add.bf16 [tilespmem:s9], [sflag:$0x5], $0x90, s19, s7, $0xb8;
	[tilespmem:$0x17000] =	vst v63  }
0x110: {  	_ =	swait.ge [sflag:s3], $0x4800  }
0x111: {  	[sflag:s3] =	ssyncset.done $0x0  }
0x112: {  	[sflag:s3] =	ssyncadd.s32 $0xFFFFB800  }
0x113: {  	_ =	swait.ge [sflag:s11], $0x4800  }
0x114: {  	[sflag:s11] =	ssyncset.done $0x0  }
0x115: {  	s29 =	simm.s32 $0x4F80;
	[sflag:s11] =	ssyncadd.s32 $0xFFFFB800  }
0x116: {  	[spmem:s2] =	stream.indirect.scatter.add.bf16 [tilespmem:s8], [sflag:$0x5], $0x90, s29, s7, $0xb8;
	[tilespmem:$0x17000] =	vst v63  }
0x117: {  	_ =	swait.ge [sflag:s3], $0x4800  }
0x118: {  	[sflag:s3] =	ssyncset.done $0x0  }
0x119: {  	[sflag:s3] =	ssyncadd.s32 $0xFFFFB800  }
0x11a: {  	[bflag:$0x0] =	sbarrier.arrive $0xFFFF  }
0x11b: {  	s30 =	rddreg [dreg:$0x7]  }
0x11c: {  	[hbm:s30], [sflag:s4] =	dma.local [spmem:s5], $0x900  }
0x11d: {  	_ =	swait.ge [sflag:s3], $0x900  }
0x11e: {  	[sflag:s3] =	ssyncset.done $0x0  }
0x11f: {  	[sflag:s3] =	ssyncadd.s32 $0xFFFFF700  }
0x120: {  	_ =	sfence.sel $0x180000  }
0x121: {  	s31 =	stileid.u32;
	[bflag:$0x0] =	sbarrier.arrive $0xFFFF  }
0x122: {  	p0 =	sne.s32 s31, $0x0;
	_ =	strace $0x90000047  }
0x123: {  	s0 =	sadd.s32 @!p0 $0x100000, s15;
	[bflag:$0x2] =	sbarrier.arrive $0xFFFF  }
0x124: {  	[sflag:s0] =	ssyncadd.tile.s32 @!p0 $0x1;
	_ =	shalt  }
.LBB2_1:
.Ltmp3:
0x125: {  	(pc) =	sbr.rel .LBB2_6-.Ltmp3, $4  }
0x126: {  	s17 =	simm.s32 $0x4980;
	s31 =	simm.s32 $0x4A00  }
0x127: {  	s30 =	simm.s32 $0x4C80;
	s29 =	simm.s32 $0x4A80;
	s28 =	simm.s32 $0x4D00  }
0x128: {  	s25 =	simm.s32 $0x4D80;
	s24 =	simm.s32 $0x4B00;
	s23 =	simm.s32 $0x4B80  }
0x129: {  	s21 =	simm.s32 $0x4E00;
	s20 =	simm.s32 $0x4E80;
	s19 =	simm.s32 $0x4F00  }
.LBB2_3:
.Ltmp4:
0x12a: {  	(pc) =	sbr.rel .LBB2_6-.Ltmp4, $4  }
0x12b: {  	s17 =	simm.s32 $0x4980;
	s31 =	simm.s32 $0x4A00;
	s30 =	simm.s32 $0x4C80  }
0x12c: {  	s29 =	simm.s32 $0x4A80;
	s28 =	simm.s32 $0x4D00;
	s25 =	simm.s32 $0x4D80  }
0x12d: {  	s24 =	simm.s32 $0x4B00;
	s23 =	simm.s32 $0x4B80;
	s21 =	simm.s32 $0x4E00  }
0x12e: {  	s20 =	simm.s32 $0x4E80;
	s19 =	simm.s32 $0x4F00;
	s15 =	rddreg [dreg:$0x3]  }
.Lfunc_end2:
_tile_overlayer_lowered:
.L_overlay_start_2:
0x12f: {  	(tag) =	ssettag $0x2  }
0x130: {  	s0 =	rddreg [dreg:$0x0];
	s2 =	stileid.u32  }
0x131: {  	s1 =	rddreg [dreg:$0x1];
	p0 =	sne.s32 s2, $0x0  }
0x132: {  	s3 =	rddreg [dreg:$0x2];
	[bflag:$0x3] =	sbarrier.arrive $0xFFFF;
	s2 =	simm.s32 @!p0 $0x1C05  }
0x133: {  	[timem:s3], [sflag:s2] =	dma.local @!p0 [hbm:s0], s1  }
0x134: {  	s0 =	simm.s32 @!p0 $0x5  }
0x135: {  	_ =	swait.ge @!p0 [sflag:s0], s1  }
0x136: {  	s1 =	ssub.s32 @!p0 $0x0, s1;
	[sflag:s0] =	ssyncset.done @!p0 $0x0  }
0x137: {  	[sflag:s0] =	ssyncadd.s32 @!p0 s1  }
0x138: {  	[bflag:$0x3] =	sbarrier.arrive $0xFFFF  }
0x139: {  	_ =	shalt  }

</sc_bundles>
